<compile_context>
chip_gen: v7x
topology: tpu7x:2x2x1
jax: 0.10.2.dev20260603
libtpu: 0.0.44.dev20260713+nightly
codegen_flags: <defaults>
</compile_context>

<pallas_src>
import jax
import jax.numpy as jnp
from jax import lax
from jax.experimental import pallas as pl
from jax.experimental.pallas import tpu as pltpu
from jax.experimental.pallas import tpu_sc as plsc

_B, _T, _V = 160, 16, 10000
_TAU = 0.13
_ALPHA = 0.7

_NC, _NS, _L = 2, 16, 16
_NW = _NC * _NS
_N = _B * _T
_TPW = _N // _NW

_KG = 4
_NST = _TPW // _KG

_R = 128
_NSTEP = _N // _R


def _sc_stage_body(sim, tgt_pad, out, idx2_v, rows_v,
                   sem_g0, sem_g1, sem_s0, sem_s1):
    wid = lax.axis_index("s") * _NC + lax.axis_index("c")
    base = wid * _TPW
    pltpu.sync_copy(tgt_pad.at[pl.ds(wid * _NST, _NST)], idx2_v)
    sem_g = (sem_g0, sem_g1)
    sem_s = (sem_s0, sem_s1)

    def gather(st, b):
        return pltpu.async_copy(sim.at[idx2_v.at[st, pl.ds(0, _KG)]],
                                rows_v.at[b], sem_g[b])

    def scatter(st, b):
        return pltpu.async_copy(rows_v.at[b],
                                out.at[pl.ds(base + st * _KG, _KG)], sem_s[b])

    hg = {0: gather(0, 0)}
    hs = {}
    for st in range(_NST):
        b = st % 2
        hg.pop(st).wait()
        if st + 1 < _NST:
            if st >= 1:
                hs.pop(st - 1).wait()
            hg[st + 1] = gather(st + 1, (st + 1) % 2)
        hs[st] = scatter(st, b)
    for st in sorted(hs):
        hs.pop(st).wait()


@jax.jit
def _sc_stage(sim, tgt_pad):
    mesh = plsc.VectorSubcoreMesh(core_axis_name="c", subcore_axis_name="s",
                                  num_cores=_NC, num_subcores=_NS)
    f = pl.kernel(
        _sc_stage_body,
        out_type=jax.ShapeDtypeStruct((_N, _V), jnp.float32),
        mesh=mesh,
        compiler_params=pltpu.CompilerParams(needs_layout_passes=False,
                                             use_tc_tiling_on_sc=False),
        scratch_types=[
            pltpu.VMEM((_NST, 8), jnp.int32),
            pltpu.VMEM((2, _KG, _V), jnp.float32),
            pltpu.SemaphoreType.DMA,
            pltpu.SemaphoreType.DMA,
            pltpu.SemaphoreType.DMA,
            pltpu.SemaphoreType.DMA,
        ],
    )
    return f(sim, tgt_pad)


def _sc_nll_body(inpflat, tgt, maskv, out,
                 idx_v, flatidx_v, mask_v, mlvals_v, stage_v, sem_ml, sem_out):
    wid = lax.axis_index("s") * _NC + lax.axis_index("c")
    base = wid * _TPW
    iota = lax.broadcasted_iota(jnp.int32, (_L,), 0)

    pltpu.sync_copy(tgt.at[pl.ds(base, _TPW)], idx_v)
    pltpu.sync_copy(maskv.at[pl.ds(base, _TPW)], mask_v)

    for k in range(_TPW // _L):
        sl = pl.ds(k * _L, _L)
        rowid = iota + (base + k * _L)
        flatidx_v[sl] = rowid * _V + idx_v[sl]
    pltpu.async_copy(inpflat.at[flatidx_v], mlvals_v, sem_ml).wait()

    zeros = jnp.zeros((_L,), jnp.float32)
    mlacc = zeros
    msacc = zeros
    for k in range(_TPW // _L):
        sl = pl.ds(k * _L, _L)
        m16 = mask_v[sl]
        mlacc = mlacc + mlvals_v[sl] * m16
        msacc = msacc + m16
    stage = jnp.where(iota == 0, jnp.sum(mlacc), 0.0)
    stage = stage + jnp.where(iota == 1, jnp.sum(msacc), 0.0)
    stage_v[...] = stage
    pltpu.async_copy(stage_v, out.at[wid], sem_out).wait()


@jax.jit
def _sc_nll(inpflat, tgt, maskv):
    mesh = plsc.VectorSubcoreMesh(core_axis_name="c", subcore_axis_name="s",
                                  num_cores=_NC, num_subcores=_NS)
    f = pl.kernel(
        _sc_nll_body,
        out_type=jax.ShapeDtypeStruct((_NW, _L), jnp.float32),
        mesh=mesh,
        compiler_params=pltpu.CompilerParams(needs_layout_passes=False,
                                             use_tc_tiling_on_sc=False),
        scratch_types=[
            pltpu.VMEM((_TPW,), jnp.int32),
            pltpu.VMEM((_TPW,), jnp.int32),
            pltpu.VMEM((_TPW,), jnp.float32),
            pltpu.VMEM((_TPW,), jnp.float32),
            pltpu.VMEM((_L,), jnp.float32),
            pltpu.SemaphoreType.DMA,
            pltpu.SemaphoreType.DMA,
        ],
    )
    return f(inpflat, tgt, maskv)


def _tc_body(staged_ref, inp_ref, mask_ref, o_sm_ref):
    i = pl.program_id(0)
    inv_tau = jnp.float32(1.0 / _TAU)
    e = jnp.exp(staged_ref[...] * inv_tau)
    s8 = jnp.sum(e, axis=1, keepdims=True)
    d8 = jnp.sum(e * inp_ref[...], axis=1, keepdims=True)
    contrib = jnp.sum(mask_ref[...] * d8 / s8)

    @pl.when(i == 0)
    def _():
        o_sm_ref[0, 0] = 0.0

    o_sm_ref[0, 0] += contrib


@jax.jit
def _tc_smooth(staged, inp2, mask2d):
    return pl.pallas_call(
        _tc_body,
        grid=(_NSTEP,),
        in_specs=[
            pl.BlockSpec((_R, _V), lambda i: (i, 0)),
            pl.BlockSpec((_R, _V), lambda i: (i, 0)),
            pl.BlockSpec((_R, 1), lambda i: (i, 0)),
        ],
        out_specs=pl.BlockSpec((1, 1), lambda i: (0, 0),
                               memory_space=pltpu.MemorySpace.SMEM),
        out_shape=jax.ShapeDtypeStruct((1, 1), jnp.float32),
        compiler_params=pltpu.CompilerParams(
            dimension_semantics=("arbitrary",)),
    )(staged, inp2, mask2d)


def kernel(input, target, mask, sim_matrix):
    inp2 = input.reshape(_N, _V)
    inpflat = input.reshape(_N * _V)
    tgt = target.reshape(_N).astype(jnp.int32)
    tgt_pad = jnp.pad(tgt.reshape(_N // _KG, _KG), ((0, 0), (0, 8 - _KG)))
    maskv = mask.reshape(_N)
    mask2d = mask.reshape(_N, 1)

    staged = _sc_stage(sim_matrix, tgt_pad)
    parts = _sc_nll(inpflat, tgt, maskv)
    smooth_sum = _tc_smooth(staged, inp2, mask2d)[0, 0]

    ml_sum = jnp.sum(parts[:, 0])
    msum = jnp.sum(parts[:, 1])
    ml_output = -ml_sum / msum
    output = _ALPHA * (-smooth_sum / msum) + (1.0 - _ALPHA) * ml_output
    return (ml_output, output)

# --- scband reference (transcript-rebuilt; emitter-appended) ---
"""Pipeline reference for scband-word-smooth-criterion2-5755256177163 (READ-ONLY COPY).

The authoritative reference and input builder live on the scoring server;
editing this copy changes nothing except your own understanding.
"""

import jax, jax.numpy as jnp
import numpy as np

B, T, V = 160, 16, 10000
TAU = 0.13
ALPHA = 0.7

def setup_inputs(seed: int = 0):
    key = jax.random.key(seed)
    k1, k2, k3 = jax.random.split(key, 3)
    inp = jax.random.normal(k1, (B, T, V), dtype=jnp.float32)
    target = jax.random.randint(k2, (B, T), 0, V)
    mask = jnp.ones((B, T), dtype=jnp.float32)
    # similarity matrix M loaded from pickle in the original; values in [-1, 0] after M-1
    sim_matrix = -jax.random.uniform(k3, (V, V), dtype=jnp.float32)
    return {"input": inp, "target": target, "mask": mask, "sim_matrix": sim_matrix}

def reference(input, target, mask, sim_matrix):
    inp2 = input.reshape(-1, V)            # [B*T, V]
    tgt = target.reshape(-1)               # [B*T]
    m = mask.reshape(-1, 1)                # [B*T, 1]
    # ML loss: -log p(target)
    ml = -jnp.take_along_axis(inp2, tgt[:, None], axis=1) * m
    msum = jnp.sum(m)
    ml_output = jnp.sum(ml) / msum
    # smoothed word-level targets: gather similarity rows per target token
    sim = jnp.take(sim_matrix, tgt, axis=0)          # [B*T, V] gather (memory-bound)
    smooth_target = jnp.exp(sim * (1.0 / TAU))
    smooth_target = smooth_target / jnp.sum(smooth_target, axis=1, keepdims=True)
    output = -inp2 * m * smooth_target               # broadcast mask over vocab
    output = jnp.sum(output) / msum                  # normalize_batch=True
    output = ALPHA * output + (1.0 - ALPHA) * ml_output
    return (ml_output, output)

if __name__ == "__main__":
    import jax
    _d = setup_inputs()
    print(jax.jit(kernel)(*tuple(_d.values())))

</pallas_src>

<mosaic_0001>
#map = affine_map<(d0, d1) -> (0, 0)>
module attributes {stable_mosaic.version = 14 : i64} {
  func.func @_sc_stage_body(%arg0: i32, %arg1: i32, %arg2: memref<10000x10000xf32, #tpu.memory_space<hbm>>, %arg3: memref<640x8xi32, #tpu.memory_space<hbm>>, %arg4: memref<2560x10000xf32, #tpu.memory_space<hbm>>, %arg5: memref<20x8xi32, #tpu.memory_space<vmem>>, %arg6: memref<2x4x10000xf32, #tpu.memory_space<vmem>>, %arg7: memref<!tpu.dma_semaphore, #tpu.memory_space<semaphore_mem>>, %arg8: memref<!tpu.dma_semaphore, #tpu.memory_space<semaphore_mem>>, %arg9: memref<!tpu.dma_semaphore, #tpu.memory_space<semaphore_mem>>, %arg10: memref<!tpu.dma_semaphore, #tpu.memory_space<semaphore_mem>>) attributes {dimension_semantics = [#tpu.dimension_semantics<core_parallel>, #tpu.dimension_semantics<subcore_parallel>], iteration_bounds = array<i64: 2, 16>, scalar_prefetch = 0 : i64, scratch_operands = 6 : i64, tpu.core_type = #tpu.core_type<sc_vector_subcore>, window_params = [{transform_indices = #map}, {transform_indices = #map}, {transform_indices = #map}]} {
    %mul3A = arith.constant 2 : i32
    %mul3A_0 = arith.muli %arg1, %mul3A : i32
    %add3A = arith.addi %mul3A_0, %arg0 : i32
    %mul3A_1 = arith.constant 80 : i32
    %mul3A_2 = arith.muli %add3A, %mul3A_1 : i32
    %mul3A_3 = arith.constant 20 : i32
    %mul3A_4 = arith.muli %add3A, %mul3A_3 : i32
    "tpu.region"() ({
      %run_scoped3A = tpu.sem_alloc : memref<!tpu.dma_semaphore, #tpu.memory_space<semaphore_mem>>
      %dma_start3A_1043 = arith.constant 0 : i32
      %dma_start3A_1044 = tpu.memref_slice %arg3[%mul3A_4, %dma_start3A_1043] : memref<640x8xi32, #tpu.memory_space<hbm>> -> memref<20x8xi32, #tpu.memory_space<hbm>>
      %dma_start3A_1045 = arith.constant 0 : i32
      %dma_start3A_1046 = tpu.memref_slice %arg3[%mul3A_4, %dma_start3A_1045] : memref<640x8xi32, #tpu.memory_space<hbm>> -> memref<20x8xi32, #tpu.memory_space<hbm>>
      tpu.enqueue_dma source(%dma_start3A_1046 : memref<20x8xi32, #tpu.memory_space<hbm>>) target(%arg5 : memref<20x8xi32, #tpu.memory_space<vmem>>) target_semaphore(%run_scoped3A : memref<!tpu.dma_semaphore, #tpu.memory_space<semaphore_mem>>)
      %dma_wait3A_1047 = arith.constant 0 : i32
      %dma_wait3A_1048 = tpu.memref_slice %arg3[%mul3A_4, %dma_wait3A_1047] : memref<640x8xi32, #tpu.memory_space<hbm>> -> memref<20x8xi32, #tpu.memory_space<hbm>>
      %dma_wait3A_1049 = arith.constant 0 : i32
      %dma_wait3A_1050 = tpu.memref_slice %arg3[%mul3A_4, %dma_wait3A_1049] : memref<640x8xi32, #tpu.memory_space<hbm>> -> memref<20x8xi32, #tpu.memory_space<hbm>>
      tpu.wait_dma2 semaphore(%run_scoped3A : memref<!tpu.dma_semaphore, #tpu.memory_space<semaphore_mem>>) src(%dma_wait3A_1050 : memref<20x8xi32, #tpu.memory_space<hbm>>) dst(%arg5 : memref<20x8xi32, #tpu.memory_space<vmem>>)
      tpu.yield
    }) : () -> ()
    %dma_start3A = arith.constant 0 : i32
    %dma_start3A_5 = arith.constant 0 : i32
    %dma_start3A_6 = arith.constant 0 : i32
    %dma_start3A_7 = arith.constant 0 : i32
    %dma_start3A_8 = tpu.memref_slice %arg6[%dma_start3A_5, %dma_start3A_6, %dma_start3A_7] : memref<2x4x10000xf32, #tpu.memory_space<vmem>> -> memref<1x4x10000xf32, #tpu.memory_space<vmem>>
    %dma_start3A_9 = tpu.memref_squeeze %dma_start3A_8 : memref<1x4x10000xf32, #tpu.memory_space<vmem>> -> memref<4x10000xf32, #tpu.memory_space<vmem>>
    %dma_start3A_10 = arith.constant 0 : i32
    %dma_start3A_11 = tpu.memref_slice %arg5[%dma_start3A, %dma_start3A_10] : memref<20x8xi32, #tpu.memory_space<vmem>> -> memref<1x4xi32, #tpu.memory_space<vmem>>
    %dma_start3A_12 = tpu.memref_squeeze %dma_start3A_11 : memref<1x4xi32, #tpu.memory_space<vmem>> -> memref<4xi32, #tpu.memory_space<vmem>>
    %dma_start3A_13 = arith.constant 0 : i32
    %dma_start3A_14 = arith.constant 0 : i32
    %dma_start3A_15 = tpu.memref_slice %arg2[%dma_start3A_13, %dma_start3A_14] : memref<10000x10000xf32, #tpu.memory_space<hbm>> -> memref<10000x10000xf32, #tpu.memory_space<hbm>>
    tpu.enqueue_indirect_dma source(%dma_start3A_15 : memref<10000x10000xf32, #tpu.memory_space<hbm>>) target(%dma_start3A_9 : memref<4x10000xf32, #tpu.memory_space<vmem>>) offsets(%dma_start3A_12 : memref<4xi32, #tpu.memory_space<vmem>>) semaphore(%arg7 : memref<!tpu.dma_semaphore, #tpu.memory_space<semaphore_mem>>)
    %dma_wait3A = arith.constant 0 : i32
    %dma_wait3A_16 = arith.constant 0 : i32
    %dma_wait3A_17 = arith.constant 0 : i32
    %dma_wait3A_18 = arith.constant 0 : i32
    %dma_wait3A_19 = tpu.memref_slice %arg6[%dma_wait3A_16, %dma_wait3A_17, %dma_wait3A_18] : memref<2x4x10000xf32, #tpu.memory_space<vmem>> -> memref<1x4x10000xf32, #tpu.memory_space<vmem>>
    %dma_wait3A_20 = tpu.memref_squeeze %dma_wait3A_19 : memref<1x4x10000xf32, #tpu.memory_space<vmem>> -> memref<4x10000xf32, #tpu.memory_space<vmem>>
    %dma_wait3A_21 = arith.constant 0 : i32
    %dma_wait3A_22 = tpu.memref_slice %arg5[%dma_wait3A, %dma_wait3A_21] : memref<20x8xi32, #tpu.memory_space<vmem>> -> memref<1x4xi32, #tpu.memory_space<vmem>>
    %dma_wait3A_23 = tpu.memref_squeeze %dma_wait3A_22 : memref<1x4xi32, #tpu.memory_space<vmem>> -> memref<4xi32, #tpu.memory_space<vmem>>
    %dma_wait3A_24 = arith.constant 0 : i32
    %dma_wait3A_25 = arith.constant 0 : i32
    %dma_wait3A_26 = tpu.memref_slice %arg2[%dma_wait3A_24, %dma_wait3A_25] : memref<10000x10000xf32, #tpu.memory_space<hbm>> -> memref<10000x10000xf32, #tpu.memory_space<hbm>>
    tpu.wait_indirect_dma semaphore(%arg7 : memref<!tpu.dma_semaphore, #tpu.memory_space<semaphore_mem>>) src(%dma_wait3A_26 : memref<10000x10000xf32, #tpu.memory_space<hbm>>) dst(%dma_wait3A_20 : memref<4x10000xf32, #tpu.memory_space<vmem>>)
    %dma_start3A_27 = arith.constant 1 : i32
    %dma_start3A_28 = arith.constant 1 : i32
    %dma_start3A_29 = arith.constant 0 : i32
    %dma_start3A_30 = arith.constant 0 : i32
    %dma_start3A_31 = tpu.memref_slice %arg6[%dma_start3A_28, %dma_start3A_29, %dma_start3A_30] : memref<2x4x10000xf32, #tpu.memory_space<vmem>> -> memref<1x4x10000xf32, #tpu.memory_space<vmem>>
    %dma_start3A_32 = tpu.memref_squeeze %dma_start3A_31 : memref<1x4x10000xf32, #tpu.memory_space<vmem>> -> memref<4x10000xf32, #tpu.memory_space<vmem>>
    %dma_start3A_33 = arith.constant 0 : i32
    %dma_start3A_34 = tpu.memref_slice %arg5[%dma_start3A_27, %dma_start3A_33] : memref<20x8xi32, #tpu.memory_space<vmem>> -> memref<1x4xi32, #tpu.memory_space<vmem>>
    %dma_start3A_35 = tpu.memref_squeeze %dma_start3A_34 : memref<1x4xi32, #tpu.memory_space<vmem>> -> memref<4xi32, #tpu.memory_space<vmem>>
    %dma_start3A_36 = arith.constant 0 : i32
    %dma_start3A_37 = arith.constant 0 : i32
    %dma_start3A_38 = tpu.memref_slice %arg2[%dma_start3A_36, %dma_start3A_37] : memref<10000x10000xf32, #tpu.memory_space<hbm>> -> memref<10000x10000xf32, #tpu.memory_space<hbm>>
    tpu.enqueue_indirect_dma source(%dma_start3A_38 : memref<10000x10000xf32, #tpu.memory_space<hbm>>) target(%dma_start3A_32 : memref<4x10000xf32, #tpu.memory_space<vmem>>) offsets(%dma_start3A_35 : memref<4xi32, #tpu.memory_space<vmem>>) semaphore(%arg8 : memref<!tpu.dma_semaphore, #tpu.memory_space<semaphore_mem>>)
    %add3A_39 = arith.constant 0 : i32
    %add3A_40 = arith.addi %mul3A_2, %add3A_39 : i32
    %dma_start3A_41 = arith.constant 0 : i32
    %dma_start3A_42 = arith.constant 0 : i32
    %dma_start3A_43 = arith.constant 0 : i32
    %dma_start3A_44 = tpu.memref_slice %arg6[%dma_start3A_41, %dma_start3A_42, %dma_start3A_43] : memref<2x4x10000xf32, #tpu.memory_space<vmem>> -> memref<1x4x10000xf32, #tpu.memory_space<vmem>>
    %dma_start3A_45 = tpu.memref_squeeze %dma_start3A_44 : memref<1x4x10000xf32, #tpu.memory_space<vmem>> -> memref<4x10000xf32, #tpu.memory_space<vmem>>
    %dma_start3A_46 = arith.constant 0 : i32
    %dma_start3A_47 = tpu.memref_slice %arg4[%add3A_40, %dma_start3A_46] : memref<2560x10000xf32, #tpu.memory_space<hbm>> -> memref<4x10000xf32, #tpu.memory_space<hbm>>
    %dma_start3A_48 = arith.constant 0 : i32
    %dma_start3A_49 = tpu.memref_slice %arg4[%add3A_40, %dma_start3A_48] : memref<2560x10000xf32, #tpu.memory_space<hbm>> -> memref<4x10000xf32, #tpu.memory_space<hbm>>
    %dma_start3A_50 = arith.constant 0 : i32
    %dma_start3A_51 = arith.constant 0 : i32
    %dma_start3A_52 = tpu.memref_slice %arg6[%dma_start3A_41, %dma_start3A_50, %dma_start3A_51] : memref<2x4x10000xf32, #tpu.memory_space<vmem>> -> memref<1x4x10000xf32, #tpu.memory_space<vmem>>
    %dma_start3A_53 = tpu.memref_squeeze %dma_start3A_52 : memref<1x4x10000xf32, #tpu.memory_space<vmem>> -> memref<4x10000xf32, #tpu.memory_space<vmem>>
    tpu.enqueue_dma source(%dma_start3A_53 : memref<4x10000xf32, #tpu.memory_space<vmem>>) target(%dma_start3A_49 : memref<4x10000xf32, #tpu.memory_space<hbm>>) target_semaphore(%arg9 : memref<!tpu.dma_semaphore, #tpu.memory_space<semaphore_mem>>)
    %dma_wait3A_54 = arith.constant 1 : i32
    %dma_wait3A_55 = arith.constant 1 : i32
    %dma_wait3A_56 = arith.constant 0 : i32
    %dma_wait3A_57 = arith.constant 0 : i32
    %dma_wait3A_58 = tpu.memref_slice %arg6[%dma_wait3A_55, %dma_wait3A_56, %dma_wait3A_57] : memref<2x4x10000xf32, #tpu.memory_space<vmem>> -> memref<1x4x10000xf32, #tpu.memory_space<vmem>>
    %dma_wait3A_59 = tpu.memref_squeeze %dma_wait3A_58 : memref<1x4x10000xf32, #tpu.memory_space<vmem>> -> memref<4x10000xf32, #tpu.memory_space<vmem>>
    %dma_wait3A_60 = arith.constant 0 : i32
    %dma_wait3A_61 = tpu.memref_slice %arg5[%dma_wait3A_54, %dma_wait3A_60] : memref<20x8xi32, #tpu.memory_space<vmem>> -> memref<1x4xi32, #tpu.memory_space<vmem>>
    %dma_wait3A_62 = tpu.memref_squeeze %dma_wait3A_61 : memref<1x4xi32, #tpu.memory_space<vmem>> -> memref<4xi32, #tpu.memory_space<vmem>>
    %dma_wait3A_63 = arith.constant 0 : i32
    %dma_wait3A_64 = arith.constant 0 : i32
    %dma_wait3A_65 = tpu.memref_slice %arg2[%dma_wait3A_63, %dma_wait3A_64] : memref<10000x10000xf32, #tpu.memory_space<hbm>> -> memref<10000x10000xf32, #tpu.memory_space<hbm>>
    tpu.wait_indirect_dma semaphore(%arg8 : memref<!tpu.dma_semaphore, #tpu.memory_space<semaphore_mem>>) src(%dma_wait3A_65 : memref<10000x10000xf32, #tpu.memory_space<hbm>>) dst(%dma_wait3A_59 : memref<4x10000xf32, #tpu.memory_space<vmem>>)
    %dma_wait3A_66 = arith.constant 0 : i32
    %dma_wait3A_67 = arith.constant 0 : i32
    %dma_wait3A_68 = arith.constant 0 : i32
    %dma_wait3A_69 = tpu.memref_slice %arg6[%dma_wait3A_66, %dma_wait3A_67, %dma_wait3A_68] : memref<2x4x10000xf32, #tpu.memory_space<vmem>> -> memref<1x4x10000xf32, #tpu.memory_space<vmem>>
    %dma_wait3A_70 = tpu.memref_squeeze %dma_wait3A_69 : memref<1x4x10000xf32, #tpu.memory_space<vmem>> -> memref<4x10000xf32, #tpu.memory_space<vmem>>
    %dma_wait3A_71 = arith.constant 0 : i32
    %dma_wait3A_72 = tpu.memref_slice %arg4[%add3A_40, %dma_wait3A_71] : memref<2560x10000xf32, #tpu.memory_space<hbm>> -> memref<4x10000xf32, #tpu.memory_space<hbm>>
    %dma_wait3A_73 = arith.constant 0 : i32
    %dma_wait3A_74 = tpu.memref_slice %arg4[%add3A_40, %dma_wait3A_73] : memref<2560x10000xf32, #tpu.memory_space<hbm>> -> memref<4x10000xf32, #tpu.memory_space<hbm>>
    %dma_wait3A_75 = arith.constant 0 : i32
    %dma_wait3A_76 = arith.constant 0 : i32
    %dma_wait3A_77 = tpu.memref_slice %arg6[%dma_wait3A_66, %dma_wait3A_75, %dma_wait3A_76] : memref<2x4x10000xf32, #tpu.memory_space<vmem>> -> memref<1x4x10000xf32, #tpu.memory_space<vmem>>
    %dma_wait3A_78 = tpu.memref_squeeze %dma_wait3A_77 : memref<1x4x10000xf32, #tpu.memory_space<vmem>> -> memref<4x10000xf32, #tpu.memory_space<vmem>>
    tpu.wait_dma2 semaphore(%arg9 : memref<!tpu.dma_semaphore, #tpu.memory_space<semaphore_mem>>) src(%dma_wait3A_78 : memref<4x10000xf32, #tpu.memory_space<vmem>>) dst(%dma_wait3A_74 : memref<4x10000xf32, #tpu.memory_space<hbm>>)
    %dma_start3A_79 = arith.constant 2 : i32
    %dma_start3A_80 = arith.constant 0 : i32
    %dma_start3A_81 = arith.constant 0 : i32
    %dma_start3A_82 = arith.constant 0 : i32
    %dma_start3A_83 = tpu.memref_slice %arg6[%dma_start3A_80, %dma_start3A_81, %dma_start3A_82] : memref<2x4x10000xf32, #tpu.memory_space<vmem>> -> memref<1x4x10000xf32, #tpu.memory_space<vmem>>
    %dma_start3A_84 = tpu.memref_squeeze %dma_start3A_83 : memref<1x4x10000xf32, #tpu.memory_space<vmem>> -> memref<4x10000xf32, #tpu.memory_space<vmem>>
    %dma_start3A_85 = arith.constant 0 : i32
    %dma_start3A_86 = tpu.memref_slice %arg5[%dma_start3A_79, %dma_start3A_85] : memref<20x8xi32, #tpu.memory_space<vmem>> -> memref<1x4xi32, #tpu.memory_space<vmem>>
    %dma_start3A_87 = tpu.memref_squeeze %dma_start3A_86 : memref<1x4xi32, #tpu.memory_space<vmem>> -> memref<4xi32, #tpu.memory_space<vmem>>
    %dma_start3A_88 = arith.constant 0 : i32
    %dma_start3A_89 = arith.constant 0 : i32
    %dma_start3A_90 = tpu.memref_slice %arg2[%dma_start3A_88, %dma_start3A_89] : memref<10000x10000xf32, #tpu.memory_space<hbm>> -> memref<10000x10000xf32, #tpu.memory_space<hbm>>
    tpu.enqueue_indirect_dma source(%dma_start3A_90 : memref<10000x10000xf32, #tpu.memory_space<hbm>>) target(%dma_start3A_84 : memref<4x10000xf32, #tpu.memory_space<vmem>>) offsets(%dma_start3A_87 : memref<4xi32, #tpu.memory_space<vmem>>) semaphore(%arg7 : memref<!tpu.dma_semaphore, #tpu.memory_space<semaphore_mem>>)
    %add3A_91 = arith.constant 4 : i32
    %add3A_92 = arith.addi %mul3A_2, %add3A_91 : i32
    %dma_start3A_93 = arith.constant 1 : i32
    %dma_start3A_94 = arith.constant 0 : i32
    %dma_start3A_95 = arith.constant 0 : i32
    %dma_start3A_96 = tpu.memref_slice %arg6[%dma_start3A_93, %dma_start3A_94, %dma_start3A_95] : memref<2x4x10000xf32, #tpu.memory_space<vmem>> -> memref<1x4x10000xf32, #tpu.memory_space<vmem>>
    %dma_start3A_97 = tpu.memref_squeeze %dma_start3A_96 : memref<1x4x10000xf32, #tpu.memory_space<vmem>> -> memref<4x10000xf32, #tpu.memory_space<vmem>>
    %dma_start3A_98 = arith.constant 0 : i32
    %dma_start3A_99 = tpu.memref_slice %arg4[%add3A_92, %dma_start3A_98] : memref<2560x10000xf32, #tpu.memory_space<hbm>> -> memref<4x10000xf32, #tpu.memory_space<hbm>>
    %dma_start3A_100 = arith.constant 0 : i32
    %dma_start3A_101 = tpu.memref_slice %arg4[%add3A_92, %dma_start3A_100] : memref<2560x10000xf32, #tpu.memory_space<hbm>> -> memref<4x10000xf32, #tpu.memory_space<hbm>>
    %dma_start3A_102 = arith.constant 0 : i32
    %dma_start3A_103 = arith.constant 0 : i32
    %dma_start3A_104 = tpu.memref_slice %arg6[%dma_start3A_93, %dma_start3A_102, %dma_start3A_103] : memref<2x4x10000xf32, #tpu.memory_space<vmem>> -> memref<1x4x10000xf32, #tpu.memory_space<vmem>>
    %dma_start3A_105 = tpu.memref_squeeze %dma_start3A_104 : memref<1x4x10000xf32, #tpu.memory_space<vmem>> -> memref<4x10000xf32, #tpu.memory_space<vmem>>
    tpu.enqueue_dma source(%dma_start3A_105 : memref<4x10000xf32, #tpu.memory_space<vmem>>) target(%dma_start3A_101 : memref<4x10000xf32, #tpu.memory_space<hbm>>) target_semaphore(%arg10 : memref<!tpu.dma_semaphore, #tpu.memory_space<semaphore_mem>>)
    %dma_wait3A_106 = arith.constant 2 : i32
    %dma_wait3A_107 = arith.constant 0 : i32
    %dma_wait3A_108 = arith.constant 0 : i32
    %dma_wait3A_109 = arith.constant 0 : i32
    %dma_wait3A_110 = tpu.memref_slice %arg6[%dma_wait3A_107, %dma_wait3A_108, %dma_wait3A_109] : memref<2x4x10000xf32, #tpu.memory_space<vmem>> -> memref<1x4x10000xf32, #tpu.memory_space<vmem>>
    %dma_wait3A_111 = tpu.memref_squeeze %dma_wait3A_110 : memref<1x4x10000xf32, #tpu.memory_space<vmem>> -> memref<4x10000xf32, #tpu.memory_space<vmem>>
    %dma_wait3A_112 = arith.constant 0 : i32
    %dma_wait3A_113 = tpu.memref_slice %arg5[%dma_wait3A_106, %dma_wait3A_112] : memref<20x8xi32, #tpu.memory_space<vmem>> -> memref<1x4xi32, #tpu.memory_space<vmem>>
    %dma_wait3A_114 = tpu.memref_squeeze %dma_wait3A_113 : memref<1x4xi32, #tpu.memory_space<vmem>> -> memref<4xi32, #tpu.memory_space<vmem>>
    %dma_wait3A_115 = arith.constant 0 : i32
    %dma_wait3A_116 = arith.constant 0 : i32
    %dma_wait3A_117 = tpu.memref_slice %arg2[%dma_wait3A_115, %dma_wait3A_116] : memref<10000x10000xf32, #tpu.memory_space<hbm>> -> memref<10000x10000xf32, #tpu.memory_space<hbm>>
    tpu.wait_indirect_dma semaphore(%arg7 : memref<!tpu.dma_semaphore, #tpu.memory_space<semaphore_mem>>) src(%dma_wait3A_117 : memref<10000x10000xf32, #tpu.memory_space<hbm>>) dst(%dma_wait3A_111 : memref<4x10000xf32, #tpu.memory_space<vmem>>)
    %dma_wait3A_118 = arith.constant 1 : i32
    %dma_wait3A_119 = arith.constant 0 : i32
    %dma_wait3A_120 = arith.constant 0 : i32
    %dma_wait3A_121 = tpu.memref_slice %arg6[%dma_wait3A_118, %dma_wait3A_119, %dma_wait3A_120] : memref<2x4x10000xf32, #tpu.memory_space<vmem>> -> memref<1x4x10000xf32, #tpu.memory_space<vmem>>
    %dma_wait3A_122 = tpu.memref_squeeze %dma_wait3A_121 : memref<1x4x10000xf32, #tpu.memory_space<vmem>> -> memref<4x10000xf32, #tpu.memory_space<vmem>>
    %dma_wait3A_123 = arith.constant 0 : i32
    %dma_wait3A_124 = tpu.memref_slice %arg4[%add3A_92, %dma_wait3A_123] : memref<2560x10000xf32, #tpu.memory_space<hbm>> -> memref<4x10000xf32, #tpu.memory_space<hbm>>
    %dma_wait3A_125 = arith.constant 0 : i32
    %dma_wait3A_126 = tpu.memref_slice %arg4[%add3A_92, %dma_wait3A_125] : memref<2560x10000xf32, #tpu.memory_space<hbm>> -> memref<4x10000xf32, #tpu.memory_space<hbm>>
    %dma_wait3A_127 = arith.constant 0 : i32
    %dma_wait3A_128 = arith.constant 0 : i32
    %dma_wait3A_129 = tpu.memref_slice %arg6[%dma_wait3A_118, %dma_wait3A_127, %dma_wait3A_128] : memref<2x4x10000xf32, #tpu.memory_space<vmem>> -> memref<1x4x10000xf32, #tpu.memory_space<vmem>>
    %dma_wait3A_130 = tpu.memref_squeeze %dma_wait3A_129 : memref<1x4x10000xf32, #tpu.memory_space<vmem>> -> memref<4x10000xf32, #tpu.memory_space<vmem>>
    tpu.wait_dma2 semaphore(%arg10 : memref<!tpu.dma_semaphore, #tpu.memory_space<semaphore_mem>>) src(%dma_wait3A_130 : memref<4x10000xf32, #tpu.memory_space<vmem>>) dst(%dma_wait3A_126 : memref<4x10000xf32, #tpu.memory_space<hbm>>)
    %dma_start3A_131 = arith.constant 3 : i32
    %dma_start3A_132 = arith.constant 1 : i32
    %dma_start3A_133 = arith.constant 0 : i32
    %dma_start3A_134 = arith.constant 0 : i32
    %dma_start3A_135 = tpu.memref_slice %arg6[%dma_start3A_132, %dma_start3A_133, %dma_start3A_134] : memref<2x4x10000xf32, #tpu.memory_space<vmem>> -> memref<1x4x10000xf32, #tpu.memory_space<vmem>>
    %dma_start3A_136 = tpu.memref_squeeze %dma_start3A_135 : memref<1x4x10000xf32, #tpu.memory_space<vmem>> -> memref<4x10000xf32, #tpu.memory_space<vmem>>
    %dma_start3A_137 = arith.constant 0 : i32
    %dma_start3A_138 = tpu.memref_slice %arg5[%dma_start3A_131, %dma_start3A_137] : memref<20x8xi32, #tpu.memory_space<vmem>> -> memref<1x4xi32, #tpu.memory_space<vmem>>
    %dma_start3A_139 = tpu.memref_squeeze %dma_start3A_138 : memref<1x4xi32, #tpu.memory_space<vmem>> -> memref<4xi32, #tpu.memory_space<vmem>>
    %dma_start3A_140 = arith.constant 0 : i32
    %dma_start3A_141 = arith.constant 0 : i32
    %dma_start3A_142 = tpu.memref_slice %arg2[%dma_start3A_140, %dma_start3A_141] : memref<10000x10000xf32, #tpu.memory_space<hbm>> -> memref<10000x10000xf32, #tpu.memory_space<hbm>>
    tpu.enqueue_indirect_dma source(%dma_start3A_142 : memref<10000x10000xf32, #tpu.memory_space<hbm>>) target(%dma_start3A_136 : memref<4x10000xf32, #tpu.memory_space<vmem>>) offsets(%dma_start3A_139 : memref<4xi32, #tpu.memory_space<vmem>>) semaphore(%arg8 : memref<!tpu.dma_semaphore, #tpu.memory_space<semaphore_mem>>)
    %add3A_143 = arith.constant 8 : i32
    %add3A_144 = arith.addi %mul3A_2, %add3A_143 : i32
    %dma_start3A_145 = arith.constant 0 : i32
    %dma_start3A_146 = arith.constant 0 : i32
    %dma_start3A_147 = arith.constant 0 : i32
    %dma_start3A_148 = tpu.memref_slice %arg6[%dma_start3A_145, %dma_start3A_146, %dma_start3A_147] : memref<2x4x10000xf32, #tpu.memory_space<vmem>> -> memref<1x4x10000xf32, #tpu.memory_space<vmem>>
    %dma_start3A_149 = tpu.memref_squeeze %dma_start3A_148 : memref<1x4x10000xf32, #tpu.memory_space<vmem>> -> memref<4x10000xf32, #tpu.memory_space<vmem>>
    %dma_start3A_150 = arith.constant 0 : i32
    %dma_start3A_151 = tpu.memref_slice %arg4[%add3A_144, %dma_start3A_150] : memref<2560x10000xf32, #tpu.memory_space<hbm>> -> memref<4x10000xf32, #tpu.memory_space<hbm>>
    %dma_start3A_152 = arith.constant 0 : i32
    %dma_start3A_153 = tpu.memref_slice %arg4[%add3A_144, %dma_start3A_152] : memref<2560x10000xf32, #tpu.memory_space<hbm>> -> memref<4x10000xf32, #tpu.memory_space<hbm>>
    %dma_start3A_154 = arith.constant 0 : i32
    %dma_start3A_155 = arith.constant 0 : i32
    %dma_start3A_156 = tpu.memref_slice %arg6[%dma_start3A_145, %dma_start3A_154, %dma_start3A_155] : memref<2x4x10000xf32, #tpu.memory_space<vmem>> -> memref<1x4x10000xf32, #tpu.memory_space<vmem>>
    %dma_start3A_157 = tpu.memref_squeeze %dma_start3A_156 : memref<1x4x10000xf32, #tpu.memory_space<vmem>> -> memref<4x10000xf32, #tpu.memory_space<vmem>>
    tpu.enqueue_dma source(%dma_start3A_157 : memref<4x10000xf32, #tpu.memory_space<vmem>>) target(%dma_start3A_153 : memref<4x10000xf32, #tpu.memory_space<hbm>>) target_semaphore(%arg9 : memref<!tpu.dma_semaphore, #tpu.memory_space<semaphore_mem>>)
    %dma_wait3A_158 = arith.constant 3 : i32
    %dma_wait3A_159 = arith.constant 1 : i32
    %dma_wait3A_160 = arith.constant 0 : i32
    %dma_wait3A_161 = arith.constant 0 : i32
    %dma_wait3A_162 = tpu.memref_slice %arg6[%dma_wait3A_159, %dma_wait3A_160, %dma_wait3A_161] : memref<2x4x10000xf32, #tpu.memory_space<vmem>> -> memref<1x4x10000xf32, #tpu.memory_space<vmem>>
    %dma_wait3A_163 = tpu.memref_squeeze %dma_wait3A_162 : memref<1x4x10000xf32, #tpu.memory_space<vmem>> -> memref<4x10000xf32, #tpu.memory_space<vmem>>
    %dma_wait3A_164 = arith.constant 0 : i32
    %dma_wait3A_165 = tpu.memref_slice %arg5[%dma_wait3A_158, %dma_wait3A_164] : memref<20x8xi32, #tpu.memory_space<vmem>> -> memref<1x4xi32, #tpu.memory_space<vmem>>
    %dma_wait3A_166 = tpu.memref_squeeze %dma_wait3A_165 : memref<1x4xi32, #tpu.memory_space<vmem>> -> memref<4xi32, #tpu.memory_space<vmem>>
    %dma_wait3A_167 = arith.constant 0 : i32
    %dma_wait3A_168 = arith.constant 0 : i32
    %dma_wait3A_169 = tpu.memref_slice %arg2[%dma_wait3A_167, %dma_wait3A_168] : memref<10000x10000xf32, #tpu.memory_space<hbm>> -> memref<10000x10000xf32, #tpu.memory_space<hbm>>
    tpu.wait_indirect_dma semaphore(%arg8 : memref<!tpu.dma_semaphore, #tpu.memory_space<semaphore_mem>>) src(%dma_wait3A_169 : memref<10000x10000xf32, #tpu.memory_space<hbm>>) dst(%dma_wait3A_163 : memref<4x10000xf32, #tpu.memory_space<vmem>>)
    %dma_wait3A_170 = arith.constant 0 : i32
    %dma_wait3A_171 = arith.constant 0 : i32
    %dma_wait3A_172 = arith.constant 0 : i32
    %dma_wait3A_173 = tpu.memref_slice %arg6[%dma_wait3A_170, %dma_wait3A_171, %dma_wait3A_172] : memref<2x4x10000xf32, #tpu.memory_space<vmem>> -> memref<1x4x10000xf32, #tpu.memory_space<vmem>>
    %dma_wait3A_174 = tpu.memref_squeeze %dma_wait3A_173 : memref<1x4x10000xf32, #tpu.memory_space<vmem>> -> memref<4x10000xf32, #tpu.memory_space<vmem>>
    %dma_wait3A_175 = arith.constant 0 : i32
    %dma_wait3A_176 = tpu.memref_slice %arg4[%add3A_144, %dma_wait3A_175] : memref<2560x10000xf32, #tpu.memory_space<hbm>> -> memref<4x10000xf32, #tpu.memory_space<hbm>>
    %dma_wait3A_177 = arith.constant 0 : i32
    %dma_wait3A_178 = tpu.memref_slice %arg4[%add3A_144, %dma_wait3A_177] : memref<2560x10000xf32, #tpu.memory_space<hbm>> -> memref<4x10000xf32, #tpu.memory_space<hbm>>
    %dma_wait3A_179 = arith.constant 0 : i32
    %dma_wait3A_180 = arith.constant 0 : i32
    %dma_wait3A_181 = tpu.memref_slice %arg6[%dma_wait3A_170, %dma_wait3A_179, %dma_wait3A_180] : memref<2x4x10000xf32, #tpu.memory_space<vmem>> -> memref<1x4x10000xf32, #tpu.memory_space<vmem>>
    %dma_wait3A_182 = tpu.memref_squeeze %dma_wait3A_181 : memref<1x4x10000xf32, #tpu.memory_space<vmem>> -> memref<4x10000xf32, #tpu.memory_space<vmem>>
    tpu.wait_dma2 semaphore(%arg9 : memref<!tpu.dma_semaphore, #tpu.memory_space<semaphore_mem>>) src(%dma_wait3A_182 : memref<4x10000xf32, #tpu.memory_space<vmem>>) dst(%dma_wait3A_178 : memref<4x10000xf32, #tpu.memory_space<hbm>>)
    %dma_start3A_183 = arith.constant 4 : i32
    %dma_start3A_184 = arith.constant 0 : i32
    %dma_start3A_185 = arith.constant 0 : i32
    %dma_start3A_186 = arith.constant 0 : i32
    %dma_start3A_187 = tpu.memref_slice %arg6[%dma_start3A_184, %dma_start3A_185, %dma_start3A_186] : memref<2x4x10000xf32, #tpu.memory_space<vmem>> -> memref<1x4x10000xf32, #tpu.memory_space<vmem>>
    %dma_start3A_188 = tpu.memref_squeeze %dma_start3A_187 : memref<1x4x10000xf32, #tpu.memory_space<vmem>> -> memref<4x10000xf32, #tpu.memory_space<vmem>>
    %dma_start3A_189 = arith.constant 0 : i32
    %dma_start3A_190 = tpu.memref_slice %arg5[%dma_start3A_183, %dma_start3A_189] : memref<20x8xi32, #tpu.memory_space<vmem>> -> memref<1x4xi32, #tpu.memory_space<vmem>>
    %dma_start3A_191 = tpu.memref_squeeze %dma_start3A_190 : memref<1x4xi32, #tpu.memory_space<vmem>> -> memref<4xi32, #tpu.memory_space<vmem>>
    %dma_start3A_192 = arith.constant 0 : i32
    %dma_start3A_193 = arith.constant 0 : i32
    %dma_start3A_194 = tpu.memref_slice %arg2[%dma_start3A_192, %dma_start3A_193] : memref<10000x10000xf32, #tpu.memory_space<hbm>> -> memref<10000x10000xf32, #tpu.memory_space<hbm>>
    tpu.enqueue_indirect_dma source(%dma_start3A_194 : memref<10000x10000xf32, #tpu.memory_space<hbm>>) target(%dma_start3A_188 : memref<4x10000xf32, #tpu.memory_space<vmem>>) offsets(%dma_start3A_191 : memref<4xi32, #tpu.memory_space<vmem>>) semaphore(%arg7 : memref<!tpu.dma_semaphore, #tpu.memory_space<semaphore_mem>>)
    %add3A_195 = arith.constant 12 : i32
    %add3A_196 = arith.addi %mul3A_2, %add3A_195 : i32
    %dma_start3A_197 = arith.constant 1 : i32
    %dma_start3A_198 = arith.constant 0 : i32
    %dma_start3A_199 = arith.constant 0 : i32
    %dma_start3A_200 = tpu.memref_slice %arg6[%dma_start3A_197, %dma_start3A_198, %dma_start3A_199] : memref<2x4x10000xf32, #tpu.memory_space<vmem>> -> memref<1x4x10000xf32, #tpu.memory_space<vmem>>
    %dma_start3A_201 = tpu.memref_squeeze %dma_start3A_200 : memref<1x4x10000xf32, #tpu.memory_space<vmem>> -> memref<4x10000xf32, #tpu.memory_space<vmem>>
    %dma_start3A_202 = arith.constant 0 : i32
    %dma_start3A_203 = tpu.memref_slice %arg4[%add3A_196, %dma_start3A_202] : memref<2560x10000xf32, #tpu.memory_space<hbm>> -> memref<4x10000xf32, #tpu.memory_space<hbm>>
    %dma_start3A_204 = arith.constant 0 : i32
    %dma_start3A_205 = tpu.memref_slice %arg4[%add3A_196, %dma_start3A_204] : memref<2560x10000xf32, #tpu.memory_space<hbm>> -> memref<4x10000xf32, #tpu.memory_space<hbm>>
    %dma_start3A_206 = arith.constant 0 : i32
    %dma_start3A_207 = arith.constant 0 : i32
    %dma_start3A_208 = tpu.memref_slice %arg6[%dma_start3A_197, %dma_start3A_206, %dma_start3A_207] : memref<2x4x10000xf32, #tpu.memory_space<vmem>> -> memref<1x4x10000xf32, #tpu.memory_space<vmem>>
    %dma_start3A_209 = tpu.memref_squeeze %dma_start3A_208 : memref<1x4x10000xf32, #tpu.memory_space<vmem>> -> memref<4x10000xf32, #tpu.memory_space<vmem>>
    tpu.enqueue_dma source(%dma_start3A_209 : memref<4x10000xf32, #tpu.memory_space<vmem>>) target(%dma_start3A_205 : memref<4x10000xf32, #tpu.memory_space<hbm>>) target_semaphore(%arg10 : memref<!tpu.dma_semaphore, #tpu.memory_space<semaphore_mem>>)
    %dma_wait3A_210 = arith.constant 4 : i32
    %dma_wait3A_211 = arith.constant 0 : i32
    %dma_wait3A_212 = arith.constant 0 : i32
    %dma_wait3A_213 = arith.constant 0 : i32
    %dma_wait3A_214 = tpu.memref_slice %arg6[%dma_wait3A_211, %dma_wait3A_212, %dma_wait3A_213] : memref<2x4x10000xf32, #tpu.memory_space<vmem>> -> memref<1x4x10000xf32, #tpu.memory_space<vmem>>
    %dma_wait3A_215 = tpu.memref_squeeze %dma_wait3A_214 : memref<1x4x10000xf32, #tpu.memory_space<vmem>> -> memref<4x10000xf32, #tpu.memory_space<vmem>>
    %dma_wait3A_216 = arith.constant 0 : i32
    %dma_wait3A_217 = tpu.memref_slice %arg5[%dma_wait3A_210, %dma_wait3A_216] : memref<20x8xi32, #tpu.memory_space<vmem>> -> memref<1x4xi32, #tpu.memory_space<vmem>>
    %dma_wait3A_218 = tpu.memref_squeeze %dma_wait3A_217 : memref<1x4xi32, #tpu.memory_space<vmem>> -> memref<4xi32, #tpu.memory_space<vmem>>
    %dma_wait3A_219 = arith.constant 0 : i32
    %dma_wait3A_220 = arith.constant 0 : i32
    %dma_wait3A_221 = tpu.memref_slice %arg2[%dma_wait3A_219, %dma_wait3A_220] : memref<10000x10000xf32, #tpu.memory_space<hbm>> -> memref<10000x10000xf32, #tpu.memory_space<hbm>>
    tpu.wait_indirect_dma semaphore(%arg7 : memref<!tpu.dma_semaphore, #tpu.memory_space<semaphore_mem>>) src(%dma_wait3A_221 : memref<10000x10000xf32, #tpu.memory_space<hbm>>) dst(%dma_wait3A_215 : memref<4x10000xf32, #tpu.memory_space<vmem>>)
    %dma_wait3A_222 = arith.constant 1 : i32
    %dma_wait3A_223 = arith.constant 0 : i32
    %dma_wait3A_224 = arith.constant 0 : i32
    %dma_wait3A_225 = tpu.memref_slice %arg6[%dma_wait3A_222, %dma_wait3A_223, %dma_wait3A_224] : memref<2x4x10000xf32, #tpu.memory_space<vmem>> -> memref<1x4x10000xf32, #tpu.memory_space<vmem>>
    %dma_wait3A_226 = tpu.memref_squeeze %dma_wait3A_225 : memref<1x4x10000xf32, #tpu.memory_space<vmem>> -> memref<4x10000xf32, #tpu.memory_space<vmem>>
    %dma_wait3A_227 = arith.constant 0 : i32
    %dma_wait3A_228 = tpu.memref_slice %arg4[%add3A_196, %dma_wait3A_227] : memref<2560x10000xf32, #tpu.memory_space<hbm>> -> memref<4x10000xf32, #tpu.memory_space<hbm>>
    %dma_wait3A_229 = arith.constant 0 : i32
    %dma_wait3A_230 = tpu.memref_slice %arg4[%add3A_196, %dma_wait3A_229] : memref<2560x10000xf32, #tpu.memory_space<hbm>> -> memref<4x10000xf32, #tpu.memory_space<hbm>>
    %dma_wait3A_231 = arith.constant 0 : i32
    %dma_wait3A_232 = arith.constant 0 : i32
    %dma_wait3A_233 = tpu.memref_slice %arg6[%dma_wait3A_222, %dma_wait3A_231, %dma_wait3A_232] : memref<2x4x10000xf32, #tpu.memory_space<vmem>> -> memref<1x4x10000xf32, #tpu.memory_space<vmem>>
    %dma_wait3A_234 = tpu.memref_squeeze %dma_wait3A_233 : memref<1x4x10000xf32, #tpu.memory_space<vmem>> -> memref<4x10000xf32, #tpu.memory_space<vmem>>
    tpu.wait_dma2 semaphore(%arg10 : memref<!tpu.dma_semaphore, #tpu.memory_space<semaphore_mem>>) src(%dma_wait3A_234 : memref<4x10000xf32, #tpu.memory_space<vmem>>) dst(%dma_wait3A_230 : memref<4x10000xf32, #tpu.memory_space<hbm>>)
    %dma_start3A_235 = arith.constant 5 : i32
    %dma_start3A_236 = arith.constant 1 : i32
    %dma_start3A_237 = arith.constant 0 : i32
    %dma_start3A_238 = arith.constant 0 : i32
    %dma_start3A_239 = tpu.memref_slice %arg6[%dma_start3A_236, %dma_start3A_237, %dma_start3A_238] : memref<2x4x10000xf32, #tpu.memory_space<vmem>> -> memref<1x4x10000xf32, #tpu.memory_space<vmem>>
    %dma_start3A_240 = tpu.memref_squeeze %dma_start3A_239 : memref<1x4x10000xf32, #tpu.memory_space<vmem>> -> memref<4x10000xf32, #tpu.memory_space<vmem>>
    %dma_start3A_241 = arith.constant 0 : i32
    %dma_start3A_242 = tpu.memref_slice %arg5[%dma_start3A_235, %dma_start3A_241] : memref<20x8xi32, #tpu.memory_space<vmem>> -> memref<1x4xi32, #tpu.memory_space<vmem>>
    %dma_start3A_243 = tpu.memref_squeeze %dma_start3A_242 : memref<1x4xi32, #tpu.memory_space<vmem>> -> memref<4xi32, #tpu.memory_space<vmem>>
    %dma_start3A_244 = arith.constant 0 : i32
    %dma_start3A_245 = arith.constant 0 : i32
    %dma_start3A_246 = tpu.memref_slice %arg2[%dma_start3A_244, %dma_start3A_245] : memref<10000x10000xf32, #tpu.memory_space<hbm>> -> memref<10000x10000xf32, #tpu.memory_space<hbm>>
    tpu.enqueue_indirect_dma source(%dma_start3A_246 : memref<10000x10000xf32, #tpu.memory_space<hbm>>) target(%dma_start3A_240 : memref<4x10000xf32, #tpu.memory_space<vmem>>) offsets(%dma_start3A_243 : memref<4xi32, #tpu.memory_space<vmem>>) semaphore(%arg8 : memref<!tpu.dma_semaphore, #tpu.memory_space<semaphore_mem>>)
    %add3A_247 = arith.constant 16 : i32
    %add3A_248 = arith.addi %mul3A_2, %add3A_247 : i32
    %dma_start3A_249 = arith.constant 0 : i32
    %dma_start3A_250 = arith.constant 0 : i32
    %dma_start3A_251 = arith.constant 0 : i32
    %dma_start3A_252 = tpu.memref_slice %arg6[%dma_start3A_249, %dma_start3A_250, %dma_start3A_251] : memref<2x4x10000xf32, #tpu.memory_space<vmem>> -> memref<1x4x10000xf32, #tpu.memory_space<vmem>>
    %dma_start3A_253 = tpu.memref_squeeze %dma_start3A_252 : memref<1x4x10000xf32, #tpu.memory_space<vmem>> -> memref<4x10000xf32, #tpu.memory_space<vmem>>
    %dma_start3A_254 = arith.constant 0 : i32
    %dma_start3A_255 = tpu.memref_slice %arg4[%add3A_248, %dma_start3A_254] : memref<2560x10000xf32, #tpu.memory_space<hbm>> -> memref<4x10000xf32, #tpu.memory_space<hbm>>
    %dma_start3A_256 = arith.constant 0 : i32
    %dma_start3A_257 = tpu.memref_slice %arg4[%add3A_248, %dma_start3A_256] : memref<2560x10000xf32, #tpu.memory_space<hbm>> -> memref<4x10000xf32, #tpu.memory_space<hbm>>
    %dma_start3A_258 = arith.constant 0 : i32
    %dma_start3A_259 = arith.constant 0 : i32
    %dma_start3A_260 = tpu.memref_slice %arg6[%dma_start3A_249, %dma_start3A_258, %dma_start3A_259] : memref<2x4x10000xf32, #tpu.memory_space<vmem>> -> memref<1x4x10000xf32, #tpu.memory_space<vmem>>
    %dma_start3A_261 = tpu.memref_squeeze %dma_start3A_260 : memref<1x4x10000xf32, #tpu.memory_space<vmem>> -> memref<4x10000xf32, #tpu.memory_space<vmem>>
    tpu.enqueue_dma source(%dma_start3A_261 : memref<4x10000xf32, #tpu.memory_space<vmem>>) target(%dma_start3A_257 : memref<4x10000xf32, #tpu.memory_space<hbm>>) target_semaphore(%arg9 : memref<!tpu.dma_semaphore, #tpu.memory_space<semaphore_mem>>)
    %dma_wait3A_262 = arith.constant 5 : i32
    %dma_wait3A_263 = arith.constant 1 : i32
    %dma_wait3A_264 = arith.constant 0 : i32
    %dma_wait3A_265 = arith.constant 0 : i32
    %dma_wait3A_266 = tpu.memref_slice %arg6[%dma_wait3A_263, %dma_wait3A_264, %dma_wait3A_265] : memref<2x4x10000xf32, #tpu.memory_space<vmem>> -> memref<1x4x10000xf32, #tpu.memory_space<vmem>>
    %dma_wait3A_267 = tpu.memref_squeeze %dma_wait3A_266 : memref<1x4x10000xf32, #tpu.memory_space<vmem>> -> memref<4x10000xf32, #tpu.memory_space<vmem>>
    %dma_wait3A_268 = arith.constant 0 : i32
    %dma_wait3A_269 = tpu.memref_slice %arg5[%dma_wait3A_262, %dma_wait3A_268] : memref<20x8xi32, #tpu.memory_space<vmem>> -> memref<1x4xi32, #tpu.memory_space<vmem>>
    %dma_wait3A_270 = tpu.memref_squeeze %dma_wait3A_269 : memref<1x4xi32, #tpu.memory_space<vmem>> -> memref<4xi32, #tpu.memory_space<vmem>>
    %dma_wait3A_271 = arith.constant 0 : i32
    %dma_wait3A_272 = arith.constant 0 : i32
    %dma_wait3A_273 = tpu.memref_slice %arg2[%dma_wait3A_271, %dma_wait3A_272] : memref<10000x10000xf32, #tpu.memory_space<hbm>> -> memref<10000x10000xf32, #tpu.memory_space<hbm>>
    tpu.wait_indirect_dma semaphore(%arg8 : memref<!tpu.dma_semaphore, #tpu.memory_space<semaphore_mem>>) src(%dma_wait3A_273 : memref<10000x10000xf32, #tpu.memory_space<hbm>>) dst(%dma_wait3A_267 : memref<4x10000xf32, #tpu.memory_space<vmem>>)
    %dma_wait3A_274 = arith.constant 0 : i32
    %dma_wait3A_275 = arith.constant 0 : i32
    %dma_wait3A_276 = arith.constant 0 : i32
    %dma_wait3A_277 = tpu.memref_slice %arg6[%dma_wait3A_274, %dma_wait3A_275, %dma_wait3A_276] : memref<2x4x10000xf32, #tpu.memory_space<vmem>> -> memref<1x4x10000xf32, #tpu.memory_space<vmem>>
    %dma_wait3A_278 = tpu.memref_squeeze %dma_wait3A_277 : memref<1x4x10000xf32, #tpu.memory_space<vmem>> -> memref<4x10000xf32, #tpu.memory_space<vmem>>
    %dma_wait3A_279 = arith.constant 0 : i32
    %dma_wait3A_280 = tpu.memref_slice %arg4[%add3A_248, %dma_wait3A_279] : memref<2560x10000xf32, #tpu.memory_space<hbm>> -> memref<4x10000xf32, #tpu.memory_space<hbm>>
    %dma_wait3A_281 = arith.constant 0 : i32
    %dma_wait3A_282 = tpu.memref_slice %arg4[%add3A_248, %dma_wait3A_281] : memref<2560x10000xf32, #tpu.memory_space<hbm>> -> memref<4x10000xf32, #tpu.memory_space<hbm>>
    %dma_wait3A_283 = arith.constant 0 : i32
    %dma_wait3A_284 = arith.constant 0 : i32
    %dma_wait3A_285 = tpu.memref_slice %arg6[%dma_wait3A_274, %dma_wait3A_283, %dma_wait3A_284] : memref<2x4x10000xf32, #tpu.memory_space<vmem>> -> memref<1x4x10000xf32, #tpu.memory_space<vmem>>
    %dma_wait3A_286 = tpu.memref_squeeze %dma_wait3A_285 : memref<1x4x10000xf32, #tpu.memory_space<vmem>> -> memref<4x10000xf32, #tpu.memory_space<vmem>>
    tpu.wait_dma2 semaphore(%arg9 : memref<!tpu.dma_semaphore, #tpu.memory_space<semaphore_mem>>) src(%dma_wait3A_286 : memref<4x10000xf32, #tpu.memory_space<vmem>>) dst(%dma_wait3A_282 : memref<4x10000xf32, #tpu.memory_space<hbm>>)
    %dma_start3A_287 = arith.constant 6 : i32
    %dma_start3A_288 = arith.constant 0 : i32
    %dma_start3A_289 = arith.constant 0 : i32
    %dma_start3A_290 = arith.constant 0 : i32
    %dma_start3A_291 = tpu.memref_slice %arg6[%dma_start3A_288, %dma_start3A_289, %dma_start3A_290] : memref<2x4x10000xf32, #tpu.memory_space<vmem>> -> memref<1x4x10000xf32, #tpu.memory_space<vmem>>
    %dma_start3A_292 = tpu.memref_squeeze %dma_start3A_291 : memref<1x4x10000xf32, #tpu.memory_space<vmem>> -> memref<4x10000xf32, #tpu.memory_space<vmem>>
    %dma_start3A_293 = arith.constant 0 : i32
    %dma_start3A_294 = tpu.memref_slice %arg5[%dma_start3A_287, %dma_start3A_293] : memref<20x8xi32, #tpu.memory_space<vmem>> -> memref<1x4xi32, #tpu.memory_space<vmem>>
    %dma_start3A_295 = tpu.memref_squeeze %dma_start3A_294 : memref<1x4xi32, #tpu.memory_space<vmem>> -> memref<4xi32, #tpu.memory_space<vmem>>
    %dma_start3A_296 = arith.constant 0 : i32
    %dma_start3A_297 = arith.constant 0 : i32
    %dma_start3A_298 = tpu.memref_slice %arg2[%dma_start3A_296, %dma_start3A_297] : memref<10000x10000xf32, #tpu.memory_space<hbm>> -> memref<10000x10000xf32, #tpu.memory_space<hbm>>
    tpu.enqueue_indirect_dma source(%dma_start3A_298 : memref<10000x10000xf32, #tpu.memory_space<hbm>>) target(%dma_start3A_292 : memref<4x10000xf32, #tpu.memory_space<vmem>>) offsets(%dma_start3A_295 : memref<4xi32, #tpu.memory_space<vmem>>) semaphore(%arg7 : memref<!tpu.dma_semaphore, #tpu.memory_space<semaphore_mem>>)
    %add3A_299 = arith.constant 20 : i32
    %add3A_300 = arith.addi %mul3A_2, %add3A_299 : i32
    %dma_start3A_301 = arith.constant 1 : i32
    %dma_start3A_302 = arith.constant 0 : i32
    %dma_start3A_303 = arith.constant 0 : i32
    %dma_start3A_304 = tpu.memref_slice %arg6[%dma_start3A_301, %dma_start3A_302, %dma_start3A_303] : memref<2x4x10000xf32, #tpu.memory_space<vmem>> -> memref<1x4x10000xf32, #tpu.memory_space<vmem>>
    %dma_start3A_305 = tpu.memref_squeeze %dma_start3A_304 : memref<1x4x10000xf32, #tpu.memory_space<vmem>> -> memref<4x10000xf32, #tpu.memory_space<vmem>>
    %dma_start3A_306 = arith.constant 0 : i32
    %dma_start3A_307 = tpu.memref_slice %arg4[%add3A_300, %dma_start3A_306] : memref<2560x10000xf32, #tpu.memory_space<hbm>> -> memref<4x10000xf32, #tpu.memory_space<hbm>>
    %dma_start3A_308 = arith.constant 0 : i32
    %dma_start3A_309 = tpu.memref_slice %arg4[%add3A_300, %dma_start3A_308] : memref<2560x10000xf32, #tpu.memory_space<hbm>> -> memref<4x10000xf32, #tpu.memory_space<hbm>>
    %dma_start3A_310 = arith.constant 0 : i32
    %dma_start3A_311 = arith.constant 0 : i32
    %dma_start3A_312 = tpu.memref_slice %arg6[%dma_start3A_301, %dma_start3A_310, %dma_start3A_311] : memref<2x4x10000xf32, #tpu.memory_space<vmem>> -> memref<1x4x10000xf32, #tpu.memory_space<vmem>>
    %dma_start3A_313 = tpu.memref_squeeze %dma_start3A_312 : memref<1x4x10000xf32, #tpu.memory_space<vmem>> -> memref<4x10000xf32, #tpu.memory_space<vmem>>
    tpu.enqueue_dma source(%dma_start3A_313 : memref<4x10000xf32, #tpu.memory_space<vmem>>) target(%dma_start3A_309 : memref<4x10000xf32, #tpu.memory_space<hbm>>) target_semaphore(%arg10 : memref<!tpu.dma_semaphore, #tpu.memory_space<semaphore_mem>>)
    %dma_wait3A_314 = arith.constant 6 : i32
    %dma_wait3A_315 = arith.constant 0 : i32
    %dma_wait3A_316 = arith.constant 0 : i32
    %dma_wait3A_317 = arith.constant 0 : i32
    %dma_wait3A_318 = tpu.memref_slice %arg6[%dma_wait3A_315, %dma_wait3A_316, %dma_wait3A_317] : memref<2x4x10000xf32, #tpu.memory_space<vmem>> -> memref<1x4x10000xf32, #tpu.memory_space<vmem>>
    %dma_wait3A_319 = tpu.memref_squeeze %dma_wait3A_318 : memref<1x4x10000xf32, #tpu.memory_space<vmem>> -> memref<4x10000xf32, #tpu.memory_space<vmem>>
    %dma_wait3A_320 = arith.constant 0 : i32
    %dma_wait3A_321 = tpu.memref_slice %arg5[%dma_wait3A_314, %dma_wait3A_320] : memref<20x8xi32, #tpu.memory_space<vmem>> -> memref<1x4xi32, #tpu.memory_space<vmem>>
    %dma_wait3A_322 = tpu.memref_squeeze %dma_wait3A_321 : memref<1x4xi32, #tpu.memory_space<vmem>> -> memref<4xi32, #tpu.memory_space<vmem>>
    %dma_wait3A_323 = arith.constant 0 : i32
    %dma_wait3A_324 = arith.constant 0 : i32
    %dma_wait3A_325 = tpu.memref_slice %arg2[%dma_wait3A_323, %dma_wait3A_324] : memref<10000x10000xf32, #tpu.memory_space<hbm>> -> memref<10000x10000xf32, #tpu.memory_space<hbm>>
    tpu.wait_indirect_dma semaphore(%arg7 : memref<!tpu.dma_semaphore, #tpu.memory_space<semaphore_mem>>) src(%dma_wait3A_325 : memref<10000x10000xf32, #tpu.memory_space<hbm>>) dst(%dma_wait3A_319 : memref<4x10000xf32, #tpu.memory_space<vmem>>)
    %dma_wait3A_326 = arith.constant 1 : i32
    %dma_wait3A_327 = arith.constant 0 : i32
    %dma_wait3A_328 = arith.constant 0 : i32
    %dma_wait3A_329 = tpu.memref_slice %arg6[%dma_wait3A_326, %dma_wait3A_327, %dma_wait3A_328] : memref<2x4x10000xf32, #tpu.memory_space<vmem>> -> memref<1x4x10000xf32, #tpu.memory_space<vmem>>
    %dma_wait3A_330 = tpu.memref_squeeze %dma_wait3A_329 : memref<1x4x10000xf32, #tpu.memory_space<vmem>> -> memref<4x10000xf32, #tpu.memory_space<vmem>>
    %dma_wait3A_331 = arith.constant 0 : i32
    %dma_wait3A_332 = tpu.memref_slice %arg4[%add3A_300, %dma_wait3A_331] : memref<2560x10000xf32, #tpu.memory_space<hbm>> -> memref<4x10000xf32, #tpu.memory_space<hbm>>
    %dma_wait3A_333 = arith.constant 0 : i32
    %dma_wait3A_334 = tpu.memref_slice %arg4[%add3A_300, %dma_wait3A_333] : memref<2560x10000xf32, #tpu.memory_space<hbm>> -> memref<4x10000xf32, #tpu.memory_space<hbm>>
    %dma_wait3A_335 = arith.constant 0 : i32
    %dma_wait3A_336 = arith.constant 0 : i32
    %dma_wait3A_337 = tpu.memref_slice %arg6[%dma_wait3A_326, %dma_wait3A_335, %dma_wait3A_336] : memref<2x4x10000xf32, #tpu.memory_space<vmem>> -> memref<1x4x10000xf32, #tpu.memory_space<vmem>>
    %dma_wait3A_338 = tpu.memref_squeeze %dma_wait3A_337 : memref<1x4x10000xf32, #tpu.memory_space<vmem>> -> memref<4x10000xf32, #tpu.memory_space<vmem>>
    tpu.wait_dma2 semaphore(%arg10 : memref<!tpu.dma_semaphore, #tpu.memory_space<semaphore_mem>>) src(%dma_wait3A_338 : memref<4x10000xf32, #tpu.memory_space<vmem>>) dst(%dma_wait3A_334 : memref<4x10000xf32, #tpu.memory_space<hbm>>)
    %dma_start3A_339 = arith.constant 7 : i32
    %dma_start3A_340 = arith.constant 1 : i32
    %dma_start3A_341 = arith.constant 0 : i32
    %dma_start3A_342 = arith.constant 0 : i32
    %dma_start3A_343 = tpu.memref_slice %arg6[%dma_start3A_340, %dma_start3A_341, %dma_start3A_342] : memref<2x4x10000xf32, #tpu.memory_space<vmem>> -> memref<1x4x10000xf32, #tpu.memory_space<vmem>>
    %dma_start3A_344 = tpu.memref_squeeze %dma_start3A_343 : memref<1x4x10000xf32, #tpu.memory_space<vmem>> -> memref<4x10000xf32, #tpu.memory_space<vmem>>
    %dma_start3A_345 = arith.constant 0 : i32
    %dma_start3A_346 = tpu.memref_slice %arg5[%dma_start3A_339, %dma_start3A_345] : memref<20x8xi32, #tpu.memory_space<vmem>> -> memref<1x4xi32, #tpu.memory_space<vmem>>
    %dma_start3A_347 = tpu.memref_squeeze %dma_start3A_346 : memref<1x4xi32, #tpu.memory_space<vmem>> -> memref<4xi32, #tpu.memory_space<vmem>>
    %dma_start3A_348 = arith.constant 0 : i32
    %dma_start3A_349 = arith.constant 0 : i32
    %dma_start3A_350 = tpu.memref_slice %arg2[%dma_start3A_348, %dma_start3A_349] : memref<10000x10000xf32, #tpu.memory_space<hbm>> -> memref<10000x10000xf32, #tpu.memory_space<hbm>>
    tpu.enqueue_indirect_dma source(%dma_start3A_350 : memref<10000x10000xf32, #tpu.memory_space<hbm>>) target(%dma_start3A_344 : memref<4x10000xf32, #tpu.memory_space<vmem>>) offsets(%dma_start3A_347 : memref<4xi32, #tpu.memory_space<vmem>>) semaphore(%arg8 : memref<!tpu.dma_semaphore, #tpu.memory_space<semaphore_mem>>)
    %add3A_351 = arith.constant 24 : i32
    %add3A_352 = arith.addi %mul3A_2, %add3A_351 : i32
    %dma_start3A_353 = arith.constant 0 : i32
    %dma_start3A_354 = arith.constant 0 : i32
    %dma_start3A_355 = arith.constant 0 : i32
    %dma_start3A_356 = tpu.memref_slice %arg6[%dma_start3A_353, %dma_start3A_354, %dma_start3A_355] : memref<2x4x10000xf32, #tpu.memory_space<vmem>> -> memref<1x4x10000xf32, #tpu.memory_space<vmem>>
    %dma_start3A_357 = tpu.memref_squeeze %dma_start3A_356 : memref<1x4x10000xf32, #tpu.memory_space<vmem>> -> memref<4x10000xf32, #tpu.memory_space<vmem>>
    %dma_start3A_358 = arith.constant 0 : i32
    %dma_start3A_359 = tpu.memref_slice %arg4[%add3A_352, %dma_start3A_358] : memref<2560x10000xf32, #tpu.memory_space<hbm>> -> memref<4x10000xf32, #tpu.memory_space<hbm>>
    %dma_start3A_360 = arith.constant 0 : i32
    %dma_start3A_361 = tpu.memref_slice %arg4[%add3A_352, %dma_start3A_360] : memref<2560x10000xf32, #tpu.memory_space<hbm>> -> memref<4x10000xf32, #tpu.memory_space<hbm>>
    %dma_start3A_362 = arith.constant 0 : i32
    %dma_start3A_363 = arith.constant 0 : i32
    %dma_start3A_364 = tpu.memref_slice %arg6[%dma_start3A_353, %dma_start3A_362, %dma_start3A_363] : memref<2x4x10000xf32, #tpu.memory_space<vmem>> -> memref<1x4x10000xf32, #tpu.memory_space<vmem>>
    %dma_start3A_365 = tpu.memref_squeeze %dma_start3A_364 : memref<1x4x10000xf32, #tpu.memory_space<vmem>> -> memref<4x10000xf32, #tpu.memory_space<vmem>>
    tpu.enqueue_dma source(%dma_start3A_365 : memref<4x10000xf32, #tpu.memory_space<vmem>>) target(%dma_start3A_361 : memref<4x10000xf32, #tpu.memory_space<hbm>>) target_semaphore(%arg9 : memref<!tpu.dma_semaphore, #tpu.memory_space<semaphore_mem>>)
    %dma_wait3A_366 = arith.constant 7 : i32
    %dma_wait3A_367 = arith.constant 1 : i32
    %dma_wait3A_368 = arith.constant 0 : i32
    %dma_wait3A_369 = arith.constant 0 : i32
    %dma_wait3A_370 = tpu.memref_slice %arg6[%dma_wait3A_367, %dma_wait3A_368, %dma_wait3A_369] : memref<2x4x10000xf32, #tpu.memory_space<vmem>> -> memref<1x4x10000xf32, #tpu.memory_space<vmem>>
    %dma_wait3A_371 = tpu.memref_squeeze %dma_wait3A_370 : memref<1x4x10000xf32, #tpu.memory_space<vmem>> -> memref<4x10000xf32, #tpu.memory_space<vmem>>
    %dma_wait3A_372 = arith.constant 0 : i32
    %dma_wait3A_373 = tpu.memref_slice %arg5[%dma_wait3A_366, %dma_wait3A_372] : memref<20x8xi32, #tpu.memory_space<vmem>> -> memref<1x4xi32, #tpu.memory_space<vmem>>
    %dma_wait3A_374 = tpu.memref_squeeze %dma_wait3A_373 : memref<1x4xi32, #tpu.memory_space<vmem>> -> memref<4xi32, #tpu.memory_space<vmem>>
    %dma_wait3A_375 = arith.constant 0 : i32
    %dma_wait3A_376 = arith.constant 0 : i32
    %dma_wait3A_377 = tpu.memref_slice %arg2[%dma_wait3A_375, %dma_wait3A_376] : memref<10000x10000xf32, #tpu.memory_space<hbm>> -> memref<10000x10000xf32, #tpu.memory_space<hbm>>
    tpu.wait_indirect_dma semaphore(%arg8 : memref<!tpu.dma_semaphore, #tpu.memory_space<semaphore_mem>>) src(%dma_wait3A_377 : memref<10000x10000xf32, #tpu.memory_space<hbm>>) dst(%dma_wait3A_371 : memref<4x10000xf32, #tpu.memory_space<vmem>>)
    %dma_wait3A_378 = arith.constant 0 : i32
    %dma_wait3A_379 = arith.constant 0 : i32
    %dma_wait3A_380 = arith.constant 0 : i32
    %dma_wait3A_381 = tpu.memref_slice %arg6[%dma_wait3A_378, %dma_wait3A_379, %dma_wait3A_380] : memref<2x4x10000xf32, #tpu.memory_space<vmem>> -> memref<1x4x10000xf32, #tpu.memory_space<vmem>>
    %dma_wait3A_382 = tpu.memref_squeeze %dma_wait3A_381 : memref<1x4x10000xf32, #tpu.memory_space<vmem>> -> memref<4x10000xf32, #tpu.memory_space<vmem>>
    %dma_wait3A_383 = arith.constant 0 : i32
    %dma_wait3A_384 = tpu.memref_slice %arg4[%add3A_352, %dma_wait3A_383] : memref<2560x10000xf32, #tpu.memory_space<hbm>> -> memref<4x10000xf32, #tpu.memory_space<hbm>>
    %dma_wait3A_385 = arith.constant 0 : i32
    %dma_wait3A_386 = tpu.memref_slice %arg4[%add3A_352, %dma_wait3A_385] : memref<2560x10000xf32, #tpu.memory_space<hbm>> -> memref<4x10000xf32, #tpu.memory_space<hbm>>
    %dma_wait3A_387 = arith.constant 0 : i32
    %dma_wait3A_388 = arith.constant 0 : i32
    %dma_wait3A_389 = tpu.memref_slice %arg6[%dma_wait3A_378, %dma_wait3A_387, %dma_wait3A_388] : memref<2x4x10000xf32, #tpu.memory_space<vmem>> -> memref<1x4x10000xf32, #tpu.memory_space<vmem>>
    %dma_wait3A_390 = tpu.memref_squeeze %dma_wait3A_389 : memref<1x4x10000xf32, #tpu.memory_space<vmem>> -> memref<4x10000xf32, #tpu.memory_space<vmem>>
    tpu.wait_dma2 semaphore(%arg9 : memref<!tpu.dma_semaphore, #tpu.memory_space<semaphore_mem>>) src(%dma_wait3A_390 : memref<4x10000xf32, #tpu.memory_space<vmem>>) dst(%dma_wait3A_386 : memref<4x10000xf32, #tpu.memory_space<hbm>>)
    %dma_start3A_391 = arith.constant 8 : i32
    %dma_start3A_392 = arith.constant 0 : i32
    %dma_start3A_393 = arith.constant 0 : i32
    %dma_start3A_394 = arith.constant 0 : i32
    %dma_start3A_395 = tpu.memref_slice %arg6[%dma_start3A_392, %dma_start3A_393, %dma_start3A_394] : memref<2x4x10000xf32, #tpu.memory_space<vmem>> -> memref<1x4x10000xf32, #tpu.memory_space<vmem>>
    %dma_start3A_396 = tpu.memref_squeeze %dma_start3A_395 : memref<1x4x10000xf32, #tpu.memory_space<vmem>> -> memref<4x10000xf32, #tpu.memory_space<vmem>>
    %dma_start3A_397 = arith.constant 0 : i32
    %dma_start3A_398 = tpu.memref_slice %arg5[%dma_start3A_391, %dma_start3A_397] : memref<20x8xi32, #tpu.memory_space<vmem>> -> memref<1x4xi32, #tpu.memory_space<vmem>>
    %dma_start3A_399 = tpu.memref_squeeze %dma_start3A_398 : memref<1x4xi32, #tpu.memory_space<vmem>> -> memref<4xi32, #tpu.memory_space<vmem>>
    %dma_start3A_400 = arith.constant 0 : i32
    %dma_start3A_401 = arith.constant 0 : i32
    %dma_start3A_402 = tpu.memref_slice %arg2[%dma_start3A_400, %dma_start3A_401] : memref<10000x10000xf32, #tpu.memory_space<hbm>> -> memref<10000x10000xf32, #tpu.memory_space<hbm>>
    tpu.enqueue_indirect_dma source(%dma_start3A_402 : memref<10000x10000xf32, #tpu.memory_space<hbm>>) target(%dma_start3A_396 : memref<4x10000xf32, #tpu.memory_space<vmem>>) offsets(%dma_start3A_399 : memref<4xi32, #tpu.memory_space<vmem>>) semaphore(%arg7 : memref<!tpu.dma_semaphore, #tpu.memory_space<semaphore_mem>>)
    %add3A_403 = arith.constant 28 : i32
    %add3A_404 = arith.addi %mul3A_2, %add3A_403 : i32
    %dma_start3A_405 = arith.constant 1 : i32
    %dma_start3A_406 = arith.constant 0 : i32
    %dma_start3A_407 = arith.constant 0 : i32
    %dma_start3A_408 = tpu.memref_slice %arg6[%dma_start3A_405, %dma_start3A_406, %dma_start3A_407] : memref<2x4x10000xf32, #tpu.memory_space<vmem>> -> memref<1x4x10000xf32, #tpu.memory_space<vmem>>
    %dma_start3A_409 = tpu.memref_squeeze %dma_start3A_408 : memref<1x4x10000xf32, #tpu.memory_space<vmem>> -> memref<4x10000xf32, #tpu.memory_space<vmem>>
    %dma_start3A_410 = arith.constant 0 : i32
    %dma_start3A_411 = tpu.memref_slice %arg4[%add3A_404, %dma_start3A_410] : memref<2560x10000xf32, #tpu.memory_space<hbm>> -> memref<4x10000xf32, #tpu.memory_space<hbm>>
    %dma_start3A_412 = arith.constant 0 : i32
    %dma_start3A_413 = tpu.memref_slice %arg4[%add3A_404, %dma_start3A_412] : memref<2560x10000xf32, #tpu.memory_space<hbm>> -> memref<4x10000xf32, #tpu.memory_space<hbm>>
    %dma_start3A_414 = arith.constant 0 : i32
    %dma_start3A_415 = arith.constant 0 : i32
    %dma_start3A_416 = tpu.memref_slice %arg6[%dma_start3A_405, %dma_start3A_414, %dma_start3A_415] : memref<2x4x10000xf32, #tpu.memory_space<vmem>> -> memref<1x4x10000xf32, #tpu.memory_space<vmem>>
    %dma_start3A_417 = tpu.memref_squeeze %dma_start3A_416 : memref<1x4x10000xf32, #tpu.memory_space<vmem>> -> memref<4x10000xf32, #tpu.memory_space<vmem>>
    tpu.enqueue_dma source(%dma_start3A_417 : memref<4x10000xf32, #tpu.memory_space<vmem>>) target(%dma_start3A_413 : memref<4x10000xf32, #tpu.memory_space<hbm>>) target_semaphore(%arg10 : memref<!tpu.dma_semaphore, #tpu.memory_space<semaphore_mem>>)
    %dma_wait3A_418 = arith.constant 8 : i32
    %dma_wait3A_419 = arith.constant 0 : i32
    %dma_wait3A_420 = arith.constant 0 : i32
    %dma_wait3A_421 = arith.constant 0 : i32
    %dma_wait3A_422 = tpu.memref_slice %arg6[%dma_wait3A_419, %dma_wait3A_420, %dma_wait3A_421] : memref<2x4x10000xf32, #tpu.memory_space<vmem>> -> memref<1x4x10000xf32, #tpu.memory_space<vmem>>
    %dma_wait3A_423 = tpu.memref_squeeze %dma_wait3A_422 : memref<1x4x10000xf32, #tpu.memory_space<vmem>> -> memref<4x10000xf32, #tpu.memory_space<vmem>>
    %dma_wait3A_424 = arith.constant 0 : i32
    %dma_wait3A_425 = tpu.memref_slice %arg5[%dma_wait3A_418, %dma_wait3A_424] : memref<20x8xi32, #tpu.memory_space<vmem>> -> memref<1x4xi32, #tpu.memory_space<vmem>>
    %dma_wait3A_426 = tpu.memref_squeeze %dma_wait3A_425 : memref<1x4xi32, #tpu.memory_space<vmem>> -> memref<4xi32, #tpu.memory_space<vmem>>
    %dma_wait3A_427 = arith.constant 0 : i32
    %dma_wait3A_428 = arith.constant 0 : i32
    %dma_wait3A_429 = tpu.memref_slice %arg2[%dma_wait3A_427, %dma_wait3A_428] : memref<10000x10000xf32, #tpu.memory_space<hbm>> -> memref<10000x10000xf32, #tpu.memory_space<hbm>>
    tpu.wait_indirect_dma semaphore(%arg7 : memref<!tpu.dma_semaphore, #tpu.memory_space<semaphore_mem>>) src(%dma_wait3A_429 : memref<10000x10000xf32, #tpu.memory_space<hbm>>) dst(%dma_wait3A_423 : memref<4x10000xf32, #tpu.memory_space<vmem>>)
    %dma_wait3A_430 = arith.constant 1 : i32
    %dma_wait3A_431 = arith.constant 0 : i32
    %dma_wait3A_432 = arith.constant 0 : i32
    %dma_wait3A_433 = tpu.memref_slice %arg6[%dma_wait3A_430, %dma_wait3A_431, %dma_wait3A_432] : memref<2x4x10000xf32, #tpu.memory_space<vmem>> -> memref<1x4x10000xf32, #tpu.memory_space<vmem>>
    %dma_wait3A_434 = tpu.memref_squeeze %dma_wait3A_433 : memref<1x4x10000xf32, #tpu.memory_space<vmem>> -> memref<4x10000xf32, #tpu.memory_space<vmem>>
    %dma_wait3A_435 = arith.constant 0 : i32
    %dma_wait3A_436 = tpu.memref_slice %arg4[%add3A_404, %dma_wait3A_435] : memref<2560x10000xf32, #tpu.memory_space<hbm>> -> memref<4x10000xf32, #tpu.memory_space<hbm>>
    %dma_wait3A_437 = arith.constant 0 : i32
    %dma_wait3A_438 = tpu.memref_slice %arg4[%add3A_404, %dma_wait3A_437] : memref<2560x10000xf32, #tpu.memory_space<hbm>> -> memref<4x10000xf32, #tpu.memory_space<hbm>>
    %dma_wait3A_439 = arith.constant 0 : i32
    %dma_wait3A_440 = arith.constant 0 : i32
    %dma_wait3A_441 = tpu.memref_slice %arg6[%dma_wait3A_430, %dma_wait3A_439, %dma_wait3A_440] : memref<2x4x10000xf32, #tpu.memory_space<vmem>> -> memref<1x4x10000xf32, #tpu.memory_space<vmem>>
    %dma_wait3A_442 = tpu.memref_squeeze %dma_wait3A_441 : memref<1x4x10000xf32, #tpu.memory_space<vmem>> -> memref<4x10000xf32, #tpu.memory_space<vmem>>
    tpu.wait_dma2 semaphore(%arg10 : memref<!tpu.dma_semaphore, #tpu.memory_space<semaphore_mem>>) src(%dma_wait3A_442 : memref<4x10000xf32, #tpu.memory_space<vmem>>) dst(%dma_wait3A_438 : memref<4x10000xf32, #tpu.memory_space<hbm>>)
    %dma_start3A_443 = arith.constant 9 : i32
    %dma_start3A_444 = arith.constant 1 : i32
    %dma_start3A_445 = arith.constant 0 : i32
    %dma_start3A_446 = arith.constant 0 : i32
    %dma_start3A_447 = tpu.memref_slice %arg6[%dma_start3A_444, %dma_start3A_445, %dma_start3A_446] : memref<2x4x10000xf32, #tpu.memory_space<vmem>> -> memref<1x4x10000xf32, #tpu.memory_space<vmem>>
    %dma_start3A_448 = tpu.memref_squeeze %dma_start3A_447 : memref<1x4x10000xf32, #tpu.memory_space<vmem>> -> memref<4x10000xf32, #tpu.memory_space<vmem>>
    %dma_start3A_449 = arith.constant 0 : i32
    %dma_start3A_450 = tpu.memref_slice %arg5[%dma_start3A_443, %dma_start3A_449] : memref<20x8xi32, #tpu.memory_space<vmem>> -> memref<1x4xi32, #tpu.memory_space<vmem>>
    %dma_start3A_451 = tpu.memref_squeeze %dma_start3A_450 : memref<1x4xi32, #tpu.memory_space<vmem>> -> memref<4xi32, #tpu.memory_space<vmem>>
    %dma_start3A_452 = arith.constant 0 : i32
    %dma_start3A_453 = arith.constant 0 : i32
    %dma_start3A_454 = tpu.memref_slice %arg2[%dma_start3A_452, %dma_start3A_453] : memref<10000x10000xf32, #tpu.memory_space<hbm>> -> memref<10000x10000xf32, #tpu.memory_space<hbm>>
    tpu.enqueue_indirect_dma source(%dma_start3A_454 : memref<10000x10000xf32, #tpu.memory_space<hbm>>) target(%dma_start3A_448 : memref<4x10000xf32, #tpu.memory_space<vmem>>) offsets(%dma_start3A_451 : memref<4xi32, #tpu.memory_space<vmem>>) semaphore(%arg8 : memref<!tpu.dma_semaphore, #tpu.memory_space<semaphore_mem>>)
    %add3A_455 = arith.constant 32 : i32
    %add3A_456 = arith.addi %mul3A_2, %add3A_455 : i32
    %dma_start3A_457 = arith.constant 0 : i32
    %dma_start3A_458 = arith.constant 0 : i32
    %dma_start3A_459 = arith.constant 0 : i32
    %dma_start3A_460 = tpu.memref_slice %arg6[%dma_start3A_457, %dma_start3A_458, %dma_start3A_459] : memref<2x4x10000xf32, #tpu.memory_space<vmem>> -> memref<1x4x10000xf32, #tpu.memory_space<vmem>>
    %dma_start3A_461 = tpu.memref_squeeze %dma_start3A_460 : memref<1x4x10000xf32, #tpu.memory_space<vmem>> -> memref<4x10000xf32, #tpu.memory_space<vmem>>
    %dma_start3A_462 = arith.constant 0 : i32
    %dma_start3A_463 = tpu.memref_slice %arg4[%add3A_456, %dma_start3A_462] : memref<2560x10000xf32, #tpu.memory_space<hbm>> -> memref<4x10000xf32, #tpu.memory_space<hbm>>
    %dma_start3A_464 = arith.constant 0 : i32
    %dma_start3A_465 = tpu.memref_slice %arg4[%add3A_456, %dma_start3A_464] : memref<2560x10000xf32, #tpu.memory_space<hbm>> -> memref<4x10000xf32, #tpu.memory_space<hbm>>
    %dma_start3A_466 = arith.constant 0 : i32
    %dma_start3A_467 = arith.constant 0 : i32
    %dma_start3A_468 = tpu.memref_slice %arg6[%dma_start3A_457, %dma_start3A_466, %dma_start3A_467] : memref<2x4x10000xf32, #tpu.memory_space<vmem>> -> memref<1x4x10000xf32, #tpu.memory_space<vmem>>
    %dma_start3A_469 = tpu.memref_squeeze %dma_start3A_468 : memref<1x4x10000xf32, #tpu.memory_space<vmem>> -> memref<4x10000xf32, #tpu.memory_space<vmem>>
    tpu.enqueue_dma source(%dma_start3A_469 : memref<4x10000xf32, #tpu.memory_space<vmem>>) target(%dma_start3A_465 : memref<4x10000xf32, #tpu.memory_space<hbm>>) target_semaphore(%arg9 : memref<!tpu.dma_semaphore, #tpu.memory_space<semaphore_mem>>)
    %dma_wait3A_470 = arith.constant 9 : i32
    %dma_wait3A_471 = arith.constant 1 : i32
    %dma_wait3A_472 = arith.constant 0 : i32
    %dma_wait3A_473 = arith.constant 0 : i32
    %dma_wait3A_474 = tpu.memref_slice %arg6[%dma_wait3A_471, %dma_wait3A_472, %dma_wait3A_473] : memref<2x4x10000xf32, #tpu.memory_space<vmem>> -> memref<1x4x10000xf32, #tpu.memory_space<vmem>>
    %dma_wait3A_475 = tpu.memref_squeeze %dma_wait3A_474 : memref<1x4x10000xf32, #tpu.memory_space<vmem>> -> memref<4x10000xf32, #tpu.memory_space<vmem>>
    %dma_wait3A_476 = arith.constant 0 : i32
    %dma_wait3A_477 = tpu.memref_slice %arg5[%dma_wait3A_470, %dma_wait3A_476] : memref<20x8xi32, #tpu.memory_space<vmem>> -> memref<1x4xi32, #tpu.memory_space<vmem>>
    %dma_wait3A_478 = tpu.memref_squeeze %dma_wait3A_477 : memref<1x4xi32, #tpu.memory_space<vmem>> -> memref<4xi32, #tpu.memory_space<vmem>>
    %dma_wait3A_479 = arith.constant 0 : i32
    %dma_wait3A_480 = arith.constant 0 : i32
    %dma_wait3A_481 = tpu.memref_slice %arg2[%dma_wait3A_479, %dma_wait3A_480] : memref<10000x10000xf32, #tpu.memory_space<hbm>> -> memref<10000x10000xf32, #tpu.memory_space<hbm>>
    tpu.wait_indirect_dma semaphore(%arg8 : memref<!tpu.dma_semaphore, #tpu.memory_space<semaphore_mem>>) src(%dma_wait3A_481 : memref<10000x10000xf32, #tpu.memory_space<hbm>>) dst(%dma_wait3A_475 : memref<4x10000xf32, #tpu.memory_space<vmem>>)
    %dma_wait3A_482 = arith.constant 0 : i32
    %dma_wait3A_483 = arith.constant 0 : i32
    %dma_wait3A_484 = arith.constant 0 : i32
    %dma_wait3A_485 = tpu.memref_slice %arg6[%dma_wait3A_482, %dma_wait3A_483, %dma_wait3A_484] : memref<2x4x10000xf32, #tpu.memory_space<vmem>> -> memref<1x4x10000xf32, #tpu.memory_space<vmem>>
    %dma_wait3A_486 = tpu.memref_squeeze %dma_wait3A_485 : memref<1x4x10000xf32, #tpu.memory_space<vmem>> -> memref<4x10000xf32, #tpu.memory_space<vmem>>
    %dma_wait3A_487 = arith.constant 0 : i32
    %dma_wait3A_488 = tpu.memref_slice %arg4[%add3A_456, %dma_wait3A_487] : memref<2560x10000xf32, #tpu.memory_space<hbm>> -> memref<4x10000xf32, #tpu.memory_space<hbm>>
    %dma_wait3A_489 = arith.constant 0 : i32
    %dma_wait3A_490 = tpu.memref_slice %arg4[%add3A_456, %dma_wait3A_489] : memref<2560x10000xf32, #tpu.memory_space<hbm>> -> memref<4x10000xf32, #tpu.memory_space<hbm>>
    %dma_wait3A_491 = arith.constant 0 : i32
    %dma_wait3A_492 = arith.constant 0 : i32
    %dma_wait3A_493 = tpu.memref_slice %arg6[%dma_wait3A_482, %dma_wait3A_491, %dma_wait3A_492] : memref<2x4x10000xf32, #tpu.memory_space<vmem>> -> memref<1x4x10000xf32, #tpu.memory_space<vmem>>
    %dma_wait3A_494 = tpu.memref_squeeze %dma_wait3A_493 : memref<1x4x10000xf32, #tpu.memory_space<vmem>> -> memref<4x10000xf32, #tpu.memory_space<vmem>>
    tpu.wait_dma2 semaphore(%arg9 : memref<!tpu.dma_semaphore, #tpu.memory_space<semaphore_mem>>) src(%dma_wait3A_494 : memref<4x10000xf32, #tpu.memory_space<vmem>>) dst(%dma_wait3A_490 : memref<4x10000xf32, #tpu.memory_space<hbm>>)
    %dma_start3A_495 = arith.constant 10 : i32
    %dma_start3A_496 = arith.constant 0 : i32
    %dma_start3A_497 = arith.constant 0 : i32
    %dma_start3A_498 = arith.constant 0 : i32
    %dma_start3A_499 = tpu.memref_slice %arg6[%dma_start3A_496, %dma_start3A_497, %dma_start3A_498] : memref<2x4x10000xf32, #tpu.memory_space<vmem>> -> memref<1x4x10000xf32, #tpu.memory_space<vmem>>
    %dma_start3A_500 = tpu.memref_squeeze %dma_start3A_499 : memref<1x4x10000xf32, #tpu.memory_space<vmem>> -> memref<4x10000xf32, #tpu.memory_space<vmem>>
    %dma_start3A_501 = arith.constant 0 : i32
    %dma_start3A_502 = tpu.memref_slice %arg5[%dma_start3A_495, %dma_start3A_501] : memref<20x8xi32, #tpu.memory_space<vmem>> -> memref<1x4xi32, #tpu.memory_space<vmem>>
    %dma_start3A_503 = tpu.memref_squeeze %dma_start3A_502 : memref<1x4xi32, #tpu.memory_space<vmem>> -> memref<4xi32, #tpu.memory_space<vmem>>
    %dma_start3A_504 = arith.constant 0 : i32
    %dma_start3A_505 = arith.constant 0 : i32
    %dma_start3A_506 = tpu.memref_slice %arg2[%dma_start3A_504, %dma_start3A_505] : memref<10000x10000xf32, #tpu.memory_space<hbm>> -> memref<10000x10000xf32, #tpu.memory_space<hbm>>
    tpu.enqueue_indirect_dma source(%dma_start3A_506 : memref<10000x10000xf32, #tpu.memory_space<hbm>>) target(%dma_start3A_500 : memref<4x10000xf32, #tpu.memory_space<vmem>>) offsets(%dma_start3A_503 : memref<4xi32, #tpu.memory_space<vmem>>) semaphore(%arg7 : memref<!tpu.dma_semaphore, #tpu.memory_space<semaphore_mem>>)
    %add3A_507 = arith.constant 36 : i32
    %add3A_508 = arith.addi %mul3A_2, %add3A_507 : i32
    %dma_start3A_509 = arith.constant 1 : i32
    %dma_start3A_510 = arith.constant 0 : i32
    %dma_start3A_511 = arith.constant 0 : i32
    %dma_start3A_512 = tpu.memref_slice %arg6[%dma_start3A_509, %dma_start3A_510, %dma_start3A_511] : memref<2x4x10000xf32, #tpu.memory_space<vmem>> -> memref<1x4x10000xf32, #tpu.memory_space<vmem>>
    %dma_start3A_513 = tpu.memref_squeeze %dma_start3A_512 : memref<1x4x10000xf32, #tpu.memory_space<vmem>> -> memref<4x10000xf32, #tpu.memory_space<vmem>>
    %dma_start3A_514 = arith.constant 0 : i32
    %dma_start3A_515 = tpu.memref_slice %arg4[%add3A_508, %dma_start3A_514] : memref<2560x10000xf32, #tpu.memory_space<hbm>> -> memref<4x10000xf32, #tpu.memory_space<hbm>>
    %dma_start3A_516 = arith.constant 0 : i32
    %dma_start3A_517 = tpu.memref_slice %arg4[%add3A_508, %dma_start3A_516] : memref<2560x10000xf32, #tpu.memory_space<hbm>> -> memref<4x10000xf32, #tpu.memory_space<hbm>>
    %dma_start3A_518 = arith.constant 0 : i32
    %dma_start3A_519 = arith.constant 0 : i32
    %dma_start3A_520 = tpu.memref_slice %arg6[%dma_start3A_509, %dma_start3A_518, %dma_start3A_519] : memref<2x4x10000xf32, #tpu.memory_space<vmem>> -> memref<1x4x10000xf32, #tpu.memory_space<vmem>>
    %dma_start3A_521 = tpu.memref_squeeze %dma_start3A_520 : memref<1x4x10000xf32, #tpu.memory_space<vmem>> -> memref<4x10000xf32, #tpu.memory_space<vmem>>
    tpu.enqueue_dma source(%dma_start3A_521 : memref<4x10000xf32, #tpu.memory_space<vmem>>) target(%dma_start3A_517 : memref<4x10000xf32, #tpu.memory_space<hbm>>) target_semaphore(%arg10 : memref<!tpu.dma_semaphore, #tpu.memory_space<semaphore_mem>>)
    %dma_wait3A_522 = arith.constant 10 : i32
    %dma_wait3A_523 = arith.constant 0 : i32
    %dma_wait3A_524 = arith.constant 0 : i32
    %dma_wait3A_525 = arith.constant 0 : i32
    %dma_wait3A_526 = tpu.memref_slice %arg6[%dma_wait3A_523, %dma_wait3A_524, %dma_wait3A_525] : memref<2x4x10000xf32, #tpu.memory_space<vmem>> -> memref<1x4x10000xf32, #tpu.memory_space<vmem>>
    %dma_wait3A_527 = tpu.memref_squeeze %dma_wait3A_526 : memref<1x4x10000xf32, #tpu.memory_space<vmem>> -> memref<4x10000xf32, #tpu.memory_space<vmem>>
    %dma_wait3A_528 = arith.constant 0 : i32
    %dma_wait3A_529 = tpu.memref_slice %arg5[%dma_wait3A_522, %dma_wait3A_528] : memref<20x8xi32, #tpu.memory_space<vmem>> -> memref<1x4xi32, #tpu.memory_space<vmem>>
    %dma_wait3A_530 = tpu.memref_squeeze %dma_wait3A_529 : memref<1x4xi32, #tpu.memory_space<vmem>> -> memref<4xi32, #tpu.memory_space<vmem>>
    %dma_wait3A_531 = arith.constant 0 : i32
    %dma_wait3A_532 = arith.constant 0 : i32
    %dma_wait3A_533 = tpu.memref_slice %arg2[%dma_wait3A_531, %dma_wait3A_532] : memref<10000x10000xf32, #tpu.memory_space<hbm>> -> memref<10000x10000xf32, #tpu.memory_space<hbm>>
    tpu.wait_indirect_dma semaphore(%arg7 : memref<!tpu.dma_semaphore, #tpu.memory_space<semaphore_mem>>) src(%dma_wait3A_533 : memref<10000x10000xf32, #tpu.memory_space<hbm>>) dst(%dma_wait3A_527 : memref<4x10000xf32, #tpu.memory_space<vmem>>)
    %dma_wait3A_534 = arith.constant 1 : i32
    %dma_wait3A_535 = arith.constant 0 : i32
    %dma_wait3A_536 = arith.constant 0 : i32
    %dma_wait3A_537 = tpu.memref_slice %arg6[%dma_wait3A_534, %dma_wait3A_535, %dma_wait3A_536] : memref<2x4x10000xf32, #tpu.memory_space<vmem>> -> memref<1x4x10000xf32, #tpu.memory_space<vmem>>
    %dma_wait3A_538 = tpu.memref_squeeze %dma_wait3A_537 : memref<1x4x10000xf32, #tpu.memory_space<vmem>> -> memref<4x10000xf32, #tpu.memory_space<vmem>>
    %dma_wait3A_539 = arith.constant 0 : i32
    %dma_wait3A_540 = tpu.memref_slice %arg4[%add3A_508, %dma_wait3A_539] : memref<2560x10000xf32, #tpu.memory_space<hbm>> -> memref<4x10000xf32, #tpu.memory_space<hbm>>
    %dma_wait3A_541 = arith.constant 0 : i32
    %dma_wait3A_542 = tpu.memref_slice %arg4[%add3A_508, %dma_wait3A_541] : memref<2560x10000xf32, #tpu.memory_space<hbm>> -> memref<4x10000xf32, #tpu.memory_space<hbm>>
    %dma_wait3A_543 = arith.constant 0 : i32
    %dma_wait3A_544 = arith.constant 0 : i32
    %dma_wait3A_545 = tpu.memref_slice %arg6[%dma_wait3A_534, %dma_wait3A_543, %dma_wait3A_544] : memref<2x4x10000xf32, #tpu.memory_space<vmem>> -> memref<1x4x10000xf32, #tpu.memory_space<vmem>>
    %dma_wait3A_546 = tpu.memref_squeeze %dma_wait3A_545 : memref<1x4x10000xf32, #tpu.memory_space<vmem>> -> memref<4x10000xf32, #tpu.memory_space<vmem>>
    tpu.wait_dma2 semaphore(%arg10 : memref<!tpu.dma_semaphore, #tpu.memory_space<semaphore_mem>>) src(%dma_wait3A_546 : memref<4x10000xf32, #tpu.memory_space<vmem>>) dst(%dma_wait3A_542 : memref<4x10000xf32, #tpu.memory_space<hbm>>)
    %dma_start3A_547 = arith.constant 11 : i32
    %dma_start3A_548 = arith.constant 1 : i32
    %dma_start3A_549 = arith.constant 0 : i32
    %dma_start3A_550 = arith.constant 0 : i32
    %dma_start3A_551 = tpu.memref_slice %arg6[%dma_start3A_548, %dma_start3A_549, %dma_start3A_550] : memref<2x4x10000xf32, #tpu.memory_space<vmem>> -> memref<1x4x10000xf32, #tpu.memory_space<vmem>>
    %dma_start3A_552 = tpu.memref_squeeze %dma_start3A_551 : memref<1x4x10000xf32, #tpu.memory_space<vmem>> -> memref<4x10000xf32, #tpu.memory_space<vmem>>
    %dma_start3A_553 = arith.constant 0 : i32
    %dma_start3A_554 = tpu.memref_slice %arg5[%dma_start3A_547, %dma_start3A_553] : memref<20x8xi32, #tpu.memory_space<vmem>> -> memref<1x4xi32, #tpu.memory_space<vmem>>
    %dma_start3A_555 = tpu.memref_squeeze %dma_start3A_554 : memref<1x4xi32, #tpu.memory_space<vmem>> -> memref<4xi32, #tpu.memory_space<vmem>>
    %dma_start3A_556 = arith.constant 0 : i32
    %dma_start3A_557 = arith.constant 0 : i32
    %dma_start3A_558 = tpu.memref_slice %arg2[%dma_start3A_556, %dma_start3A_557] : memref<10000x10000xf32, #tpu.memory_space<hbm>> -> memref<10000x10000xf32, #tpu.memory_space<hbm>>
    tpu.enqueue_indirect_dma source(%dma_start3A_558 : memref<10000x10000xf32, #tpu.memory_space<hbm>>) target(%dma_start3A_552 : memref<4x10000xf32, #tpu.memory_space<vmem>>) offsets(%dma_start3A_555 : memref<4xi32, #tpu.memory_space<vmem>>) semaphore(%arg8 : memref<!tpu.dma_semaphore, #tpu.memory_space<semaphore_mem>>)
    %add3A_559 = arith.constant 40 : i32
    %add3A_560 = arith.addi %mul3A_2, %add3A_559 : i32
    %dma_start3A_561 = arith.constant 0 : i32
    %dma_start3A_562 = arith.constant 0 : i32
    %dma_start3A_563 = arith.constant 0 : i32
    %dma_start3A_564 = tpu.memref_slice %arg6[%dma_start3A_561, %dma_start3A_562, %dma_start3A_563] : memref<2x4x10000xf32, #tpu.memory_space<vmem>> -> memref<1x4x10000xf32, #tpu.memory_space<vmem>>
    %dma_start3A_565 = tpu.memref_squeeze %dma_start3A_564 : memref<1x4x10000xf32, #tpu.memory_space<vmem>> -> memref<4x10000xf32, #tpu.memory_space<vmem>>
    %dma_start3A_566 = arith.constant 0 : i32
    %dma_start3A_567 = tpu.memref_slice %arg4[%add3A_560, %dma_start3A_566] : memref<2560x10000xf32, #tpu.memory_space<hbm>> -> memref<4x10000xf32, #tpu.memory_space<hbm>>
    %dma_start3A_568 = arith.constant 0 : i32
    %dma_start3A_569 = tpu.memref_slice %arg4[%add3A_560, %dma_start3A_568] : memref<2560x10000xf32, #tpu.memory_space<hbm>> -> memref<4x10000xf32, #tpu.memory_space<hbm>>
    %dma_start3A_570 = arith.constant 0 : i32
    %dma_start3A_571 = arith.constant 0 : i32
    %dma_start3A_572 = tpu.memref_slice %arg6[%dma_start3A_561, %dma_start3A_570, %dma_start3A_571] : memref<2x4x10000xf32, #tpu.memory_space<vmem>> -> memref<1x4x10000xf32, #tpu.memory_space<vmem>>
    %dma_start3A_573 = tpu.memref_squeeze %dma_start3A_572 : memref<1x4x10000xf32, #tpu.memory_space<vmem>> -> memref<4x10000xf32, #tpu.memory_space<vmem>>
    tpu.enqueue_dma source(%dma_start3A_573 : memref<4x10000xf32, #tpu.memory_space<vmem>>) target(%dma_start3A_569 : memref<4x10000xf32, #tpu.memory_space<hbm>>) target_semaphore(%arg9 : memref<!tpu.dma_semaphore, #tpu.memory_space<semaphore_mem>>)
    %dma_wait3A_574 = arith.constant 11 : i32
    %dma_wait3A_575 = arith.constant 1 : i32
    %dma_wait3A_576 = arith.constant 0 : i32
    %dma_wait3A_577 = arith.constant 0 : i32
    %dma_wait3A_578 = tpu.memref_slice %arg6[%dma_wait3A_575, %dma_wait3A_576, %dma_wait3A_577] : memref<2x4x10000xf32, #tpu.memory_space<vmem>> -> memref<1x4x10000xf32, #tpu.memory_space<vmem>>
    %dma_wait3A_579 = tpu.memref_squeeze %dma_wait3A_578 : memref<1x4x10000xf32, #tpu.memory_space<vmem>> -> memref<4x10000xf32, #tpu.memory_space<vmem>>
    %dma_wait3A_580 = arith.constant 0 : i32
    %dma_wait3A_581 = tpu.memref_slice %arg5[%dma_wait3A_574, %dma_wait3A_580] : memref<20x8xi32, #tpu.memory_space<vmem>> -> memref<1x4xi32, #tpu.memory_space<vmem>>
    %dma_wait3A_582 = tpu.memref_squeeze %dma_wait3A_581 : memref<1x4xi32, #tpu.memory_space<vmem>> -> memref<4xi32, #tpu.memory_space<vmem>>
    %dma_wait3A_583 = arith.constant 0 : i32
    %dma_wait3A_584 = arith.constant 0 : i32
    %dma_wait3A_585 = tpu.memref_slice %arg2[%dma_wait3A_583, %dma_wait3A_584] : memref<10000x10000xf32, #tpu.memory_space<hbm>> -> memref<10000x10000xf32, #tpu.memory_space<hbm>>
    tpu.wait_indirect_dma semaphore(%arg8 : memref<!tpu.dma_semaphore, #tpu.memory_space<semaphore_mem>>) src(%dma_wait3A_585 : memref<10000x10000xf32, #tpu.memory_space<hbm>>) dst(%dma_wait3A_579 : memref<4x10000xf32, #tpu.memory_space<vmem>>)
    %dma_wait3A_586 = arith.constant 0 : i32
    %dma_wait3A_587 = arith.constant 0 : i32
    %dma_wait3A_588 = arith.constant 0 : i32
    %dma_wait3A_589 = tpu.memref_slice %arg6[%dma_wait3A_586, %dma_wait3A_587, %dma_wait3A_588] : memref<2x4x10000xf32, #tpu.memory_space<vmem>> -> memref<1x4x10000xf32, #tpu.memory_space<vmem>>
    %dma_wait3A_590 = tpu.memref_squeeze %dma_wait3A_589 : memref<1x4x10000xf32, #tpu.memory_space<vmem>> -> memref<4x10000xf32, #tpu.memory_space<vmem>>
    %dma_wait3A_591 = arith.constant 0 : i32
    %dma_wait3A_592 = tpu.memref_slice %arg4[%add3A_560, %dma_wait3A_591] : memref<2560x10000xf32, #tpu.memory_space<hbm>> -> memref<4x10000xf32, #tpu.memory_space<hbm>>
    %dma_wait3A_593 = arith.constant 0 : i32
    %dma_wait3A_594 = tpu.memref_slice %arg4[%add3A_560, %dma_wait3A_593] : memref<2560x10000xf32, #tpu.memory_space<hbm>> -> memref<4x10000xf32, #tpu.memory_space<hbm>>
    %dma_wait3A_595 = arith.constant 0 : i32
    %dma_wait3A_596 = arith.constant 0 : i32
    %dma_wait3A_597 = tpu.memref_slice %arg6[%dma_wait3A_586, %dma_wait3A_595, %dma_wait3A_596] : memref<2x4x10000xf32, #tpu.memory_space<vmem>> -> memref<1x4x10000xf32, #tpu.memory_space<vmem>>
    %dma_wait3A_598 = tpu.memref_squeeze %dma_wait3A_597 : memref<1x4x10000xf32, #tpu.memory_space<vmem>> -> memref<4x10000xf32, #tpu.memory_space<vmem>>
    tpu.wait_dma2 semaphore(%arg9 : memref<!tpu.dma_semaphore, #tpu.memory_space<semaphore_mem>>) src(%dma_wait3A_598 : memref<4x10000xf32, #tpu.memory_space<vmem>>) dst(%dma_wait3A_594 : memref<4x10000xf32, #tpu.memory_space<hbm>>)
    %dma_start3A_599 = arith.constant 12 : i32
    %dma_start3A_600 = arith.constant 0 : i32
    %dma_start3A_601 = arith.constant 0 : i32
    %dma_start3A_602 = arith.constant 0 : i32
    %dma_start3A_603 = tpu.memref_slice %arg6[%dma_start3A_600, %dma_start3A_601, %dma_start3A_602] : memref<2x4x10000xf32, #tpu.memory_space<vmem>> -> memref<1x4x10000xf32, #tpu.memory_space<vmem>>
    %dma_start3A_604 = tpu.memref_squeeze %dma_start3A_603 : memref<1x4x10000xf32, #tpu.memory_space<vmem>> -> memref<4x10000xf32, #tpu.memory_space<vmem>>
    %dma_start3A_605 = arith.constant 0 : i32
    %dma_start3A_606 = tpu.memref_slice %arg5[%dma_start3A_599, %dma_start3A_605] : memref<20x8xi32, #tpu.memory_space<vmem>> -> memref<1x4xi32, #tpu.memory_space<vmem>>
    %dma_start3A_607 = tpu.memref_squeeze %dma_start3A_606 : memref<1x4xi32, #tpu.memory_space<vmem>> -> memref<4xi32, #tpu.memory_space<vmem>>
    %dma_start3A_608 = arith.constant 0 : i32
    %dma_start3A_609 = arith.constant 0 : i32
    %dma_start3A_610 = tpu.memref_slice %arg2[%dma_start3A_608, %dma_start3A_609] : memref<10000x10000xf32, #tpu.memory_space<hbm>> -> memref<10000x10000xf32, #tpu.memory_space<hbm>>
    tpu.enqueue_indirect_dma source(%dma_start3A_610 : memref<10000x10000xf32, #tpu.memory_space<hbm>>) target(%dma_start3A_604 : memref<4x10000xf32, #tpu.memory_space<vmem>>) offsets(%dma_start3A_607 : memref<4xi32, #tpu.memory_space<vmem>>) semaphore(%arg7 : memref<!tpu.dma_semaphore, #tpu.memory_space<semaphore_mem>>)
    %add3A_611 = arith.constant 44 : i32
    %add3A_612 = arith.addi %mul3A_2, %add3A_611 : i32
    %dma_start3A_613 = arith.constant 1 : i32
    %dma_start3A_614 = arith.constant 0 : i32
    %dma_start3A_615 = arith.constant 0 : i32
    %dma_start3A_616 = tpu.memref_slice %arg6[%dma_start3A_613, %dma_start3A_614, %dma_start3A_615] : memref<2x4x10000xf32, #tpu.memory_space<vmem>> -> memref<1x4x10000xf32, #tpu.memory_space<vmem>>
    %dma_start3A_617 = tpu.memref_squeeze %dma_start3A_616 : memref<1x4x10000xf32, #tpu.memory_space<vmem>> -> memref<4x10000xf32, #tpu.memory_space<vmem>>
    %dma_start3A_618 = arith.constant 0 : i32
    %dma_start3A_619 = tpu.memref_slice %arg4[%add3A_612, %dma_start3A_618] : memref<2560x10000xf32, #tpu.memory_space<hbm>> -> memref<4x10000xf32, #tpu.memory_space<hbm>>
    %dma_start3A_620 = arith.constant 0 : i32
    %dma_start3A_621 = tpu.memref_slice %arg4[%add3A_612, %dma_start3A_620] : memref<2560x10000xf32, #tpu.memory_space<hbm>> -> memref<4x10000xf32, #tpu.memory_space<hbm>>
    %dma_start3A_622 = arith.constant 0 : i32
    %dma_start3A_623 = arith.constant 0 : i32
    %dma_start3A_624 = tpu.memref_slice %arg6[%dma_start3A_613, %dma_start3A_622, %dma_start3A_623] : memref<2x4x10000xf32, #tpu.memory_space<vmem>> -> memref<1x4x10000xf32, #tpu.memory_space<vmem>>
    %dma_start3A_625 = tpu.memref_squeeze %dma_start3A_624 : memref<1x4x10000xf32, #tpu.memory_space<vmem>> -> memref<4x10000xf32, #tpu.memory_space<vmem>>
    tpu.enqueue_dma source(%dma_start3A_625 : memref<4x10000xf32, #tpu.memory_space<vmem>>) target(%dma_start3A_621 : memref<4x10000xf32, #tpu.memory_space<hbm>>) target_semaphore(%arg10 : memref<!tpu.dma_semaphore, #tpu.memory_space<semaphore_mem>>)
    %dma_wait3A_626 = arith.constant 12 : i32
    %dma_wait3A_627 = arith.constant 0 : i32
    %dma_wait3A_628 = arith.constant 0 : i32
    %dma_wait3A_629 = arith.constant 0 : i32
    %dma_wait3A_630 = tpu.memref_slice %arg6[%dma_wait3A_627, %dma_wait3A_628, %dma_wait3A_629] : memref<2x4x10000xf32, #tpu.memory_space<vmem>> -> memref<1x4x10000xf32, #tpu.memory_space<vmem>>
    %dma_wait3A_631 = tpu.memref_squeeze %dma_wait3A_630 : memref<1x4x10000xf32, #tpu.memory_space<vmem>> -> memref<4x10000xf32, #tpu.memory_space<vmem>>
    %dma_wait3A_632 = arith.constant 0 : i32
    %dma_wait3A_633 = tpu.memref_slice %arg5[%dma_wait3A_626, %dma_wait3A_632] : memref<20x8xi32, #tpu.memory_space<vmem>> -> memref<1x4xi32, #tpu.memory_space<vmem>>
    %dma_wait3A_634 = tpu.memref_squeeze %dma_wait3A_633 : memref<1x4xi32, #tpu.memory_space<vmem>> -> memref<4xi32, #tpu.memory_space<vmem>>
    %dma_wait3A_635 = arith.constant 0 : i32
    %dma_wait3A_636 = arith.constant 0 : i32
    %dma_wait3A_637 = tpu.memref_slice %arg2[%dma_wait3A_635, %dma_wait3A_636] : memref<10000x10000xf32, #tpu.memory_space<hbm>> -> memref<10000x10000xf32, #tpu.memory_space<hbm>>
    tpu.wait_indirect_dma semaphore(%arg7 : memref<!tpu.dma_semaphore, #tpu.memory_space<semaphore_mem>>) src(%dma_wait3A_637 : memref<10000x10000xf32, #tpu.memory_space<hbm>>) dst(%dma_wait3A_631 : memref<4x10000xf32, #tpu.memory_space<vmem>>)
    %dma_wait3A_638 = arith.constant 1 : i32
    %dma_wait3A_639 = arith.constant 0 : i32
    %dma_wait3A_640 = arith.constant 0 : i32
    %dma_wait3A_641 = tpu.memref_slice %arg6[%dma_wait3A_638, %dma_wait3A_639, %dma_wait3A_640] : memref<2x4x10000xf32, #tpu.memory_space<vmem>> -> memref<1x4x10000xf32, #tpu.memory_space<vmem>>
    %dma_wait3A_642 = tpu.memref_squeeze %dma_wait3A_641 : memref<1x4x10000xf32, #tpu.memory_space<vmem>> -> memref<4x10000xf32, #tpu.memory_space<vmem>>
    %dma_wait3A_643 = arith.constant 0 : i32
    %dma_wait3A_644 = tpu.memref_slice %arg4[%add3A_612, %dma_wait3A_643] : memref<2560x10000xf32, #tpu.memory_space<hbm>> -> memref<4x10000xf32, #tpu.memory_space<hbm>>
    %dma_wait3A_645 = arith.constant 0 : i32
    %dma_wait3A_646 = tpu.memref_slice %arg4[%add3A_612, %dma_wait3A_645] : memref<2560x10000xf32, #tpu.memory_space<hbm>> -> memref<4x10000xf32, #tpu.memory_space<hbm>>
    %dma_wait3A_647 = arith.constant 0 : i32
    %dma_wait3A_648 = arith.constant 0 : i32
    %dma_wait3A_649 = tpu.memref_slice %arg6[%dma_wait3A_638, %dma_wait3A_647, %dma_wait3A_648] : memref<2x4x10000xf32, #tpu.memory_space<vmem>> -> memref<1x4x10000xf32, #tpu.memory_space<vmem>>
    %dma_wait3A_650 = tpu.memref_squeeze %dma_wait3A_649 : memref<1x4x10000xf32, #tpu.memory_space<vmem>> -> memref<4x10000xf32, #tpu.memory_space<vmem>>
    tpu.wait_dma2 semaphore(%arg10 : memref<!tpu.dma_semaphore, #tpu.memory_space<semaphore_mem>>) src(%dma_wait3A_650 : memref<4x10000xf32, #tpu.memory_space<vmem>>) dst(%dma_wait3A_646 : memref<4x10000xf32, #tpu.memory_space<hbm>>)
    %dma_start3A_651 = arith.constant 13 : i32
    %dma_start3A_652 = arith.constant 1 : i32
    %dma_start3A_653 = arith.constant 0 : i32
    %dma_start3A_654 = arith.constant 0 : i32
    %dma_start3A_655 = tpu.memref_slice %arg6[%dma_start3A_652, %dma_start3A_653, %dma_start3A_654] : memref<2x4x10000xf32, #tpu.memory_space<vmem>> -> memref<1x4x10000xf32, #tpu.memory_space<vmem>>
    %dma_start3A_656 = tpu.memref_squeeze %dma_start3A_655 : memref<1x4x10000xf32, #tpu.memory_space<vmem>> -> memref<4x10000xf32, #tpu.memory_space<vmem>>
    %dma_start3A_657 = arith.constant 0 : i32
    %dma_start3A_658 = tpu.memref_slice %arg5[%dma_start3A_651, %dma_start3A_657] : memref<20x8xi32, #tpu.memory_space<vmem>> -> memref<1x4xi32, #tpu.memory_space<vmem>>
    %dma_start3A_659 = tpu.memref_squeeze %dma_start3A_658 : memref<1x4xi32, #tpu.memory_space<vmem>> -> memref<4xi32, #tpu.memory_space<vmem>>
    %dma_start3A_660 = arith.constant 0 : i32
    %dma_start3A_661 = arith.constant 0 : i32
    %dma_start3A_662 = tpu.memref_slice %arg2[%dma_start3A_660, %dma_start3A_661] : memref<10000x10000xf32, #tpu.memory_space<hbm>> -> memref<10000x10000xf32, #tpu.memory_space<hbm>>
    tpu.enqueue_indirect_dma source(%dma_start3A_662 : memref<10000x10000xf32, #tpu.memory_space<hbm>>) target(%dma_start3A_656 : memref<4x10000xf32, #tpu.memory_space<vmem>>) offsets(%dma_start3A_659 : memref<4xi32, #tpu.memory_space<vmem>>) semaphore(%arg8 : memref<!tpu.dma_semaphore, #tpu.memory_space<semaphore_mem>>)
    %add3A_663 = arith.constant 48 : i32
    %add3A_664 = arith.addi %mul3A_2, %add3A_663 : i32
    %dma_start3A_665 = arith.constant 0 : i32
    %dma_start3A_666 = arith.constant 0 : i32
    %dma_start3A_667 = arith.constant 0 : i32
    %dma_start3A_668 = tpu.memref_slice %arg6[%dma_start3A_665, %dma_start3A_666, %dma_start3A_667] : memref<2x4x10000xf32, #tpu.memory_space<vmem>> -> memref<1x4x10000xf32, #tpu.memory_space<vmem>>
    %dma_start3A_669 = tpu.memref_squeeze %dma_start3A_668 : memref<1x4x10000xf32, #tpu.memory_space<vmem>> -> memref<4x10000xf32, #tpu.memory_space<vmem>>
    %dma_start3A_670 = arith.constant 0 : i32
    %dma_start3A_671 = tpu.memref_slice %arg4[%add3A_664, %dma_start3A_670] : memref<2560x10000xf32, #tpu.memory_space<hbm>> -> memref<4x10000xf32, #tpu.memory_space<hbm>>
    %dma_start3A_672 = arith.constant 0 : i32
    %dma_start3A_673 = tpu.memref_slice %arg4[%add3A_664, %dma_start3A_672] : memref<2560x10000xf32, #tpu.memory_space<hbm>> -> memref<4x10000xf32, #tpu.memory_space<hbm>>
    %dma_start3A_674 = arith.constant 0 : i32
    %dma_start3A_675 = arith.constant 0 : i32
    %dma_start3A_676 = tpu.memref_slice %arg6[%dma_start3A_665, %dma_start3A_674, %dma_start3A_675] : memref<2x4x10000xf32, #tpu.memory_space<vmem>> -> memref<1x4x10000xf32, #tpu.memory_space<vmem>>
    %dma_start3A_677 = tpu.memref_squeeze %dma_start3A_676 : memref<1x4x10000xf32, #tpu.memory_space<vmem>> -> memref<4x10000xf32, #tpu.memory_space<vmem>>
    tpu.enqueue_dma source(%dma_start3A_677 : memref<4x10000xf32, #tpu.memory_space<vmem>>) target(%dma_start3A_673 : memref<4x10000xf32, #tpu.memory_space<hbm>>) target_semaphore(%arg9 : memref<!tpu.dma_semaphore, #tpu.memory_space<semaphore_mem>>)
    %dma_wait3A_678 = arith.constant 13 : i32
    %dma_wait3A_679 = arith.constant 1 : i32
    %dma_wait3A_680 = arith.constant 0 : i32
    %dma_wait3A_681 = arith.constant 0 : i32
    %dma_wait3A_682 = tpu.memref_slice %arg6[%dma_wait3A_679, %dma_wait3A_680, %dma_wait3A_681] : memref<2x4x10000xf32, #tpu.memory_space<vmem>> -> memref<1x4x10000xf32, #tpu.memory_space<vmem>>
    %dma_wait3A_683 = tpu.memref_squeeze %dma_wait3A_682 : memref<1x4x10000xf32, #tpu.memory_space<vmem>> -> memref<4x10000xf32, #tpu.memory_space<vmem>>
    %dma_wait3A_684 = arith.constant 0 : i32
    %dma_wait3A_685 = tpu.memref_slice %arg5[%dma_wait3A_678, %dma_wait3A_684] : memref<20x8xi32, #tpu.memory_space<vmem>> -> memref<1x4xi32, #tpu.memory_space<vmem>>
    %dma_wait3A_686 = tpu.memref_squeeze %dma_wait3A_685 : memref<1x4xi32, #tpu.memory_space<vmem>> -> memref<4xi32, #tpu.memory_space<vmem>>
    %dma_wait3A_687 = arith.constant 0 : i32
    %dma_wait3A_688 = arith.constant 0 : i32
    %dma_wait3A_689 = tpu.memref_slice %arg2[%dma_wait3A_687, %dma_wait3A_688] : memref<10000x10000xf32, #tpu.memory_space<hbm>> -> memref<10000x10000xf32, #tpu.memory_space<hbm>>
    tpu.wait_indirect_dma semaphore(%arg8 : memref<!tpu.dma_semaphore, #tpu.memory_space<semaphore_mem>>) src(%dma_wait3A_689 : memref<10000x10000xf32, #tpu.memory_space<hbm>>) dst(%dma_wait3A_683 : memref<4x10000xf32, #tpu.memory_space<vmem>>)
    %dma_wait3A_690 = arith.constant 0 : i32
    %dma_wait3A_691 = arith.constant 0 : i32
    %dma_wait3A_692 = arith.constant 0 : i32
    %dma_wait3A_693 = tpu.memref_slice %arg6[%dma_wait3A_690, %dma_wait3A_691, %dma_wait3A_692] : memref<2x4x10000xf32, #tpu.memory_space<vmem>> -> memref<1x4x10000xf32, #tpu.memory_space<vmem>>
    %dma_wait3A_694 = tpu.memref_squeeze %dma_wait3A_693 : memref<1x4x10000xf32, #tpu.memory_space<vmem>> -> memref<4x10000xf32, #tpu.memory_space<vmem>>
    %dma_wait3A_695 = arith.constant 0 : i32
    %dma_wait3A_696 = tpu.memref_slice %arg4[%add3A_664, %dma_wait3A_695] : memref<2560x10000xf32, #tpu.memory_space<hbm>> -> memref<4x10000xf32, #tpu.memory_space<hbm>>
    %dma_wait3A_697 = arith.constant 0 : i32
    %dma_wait3A_698 = tpu.memref_slice %arg4[%add3A_664, %dma_wait3A_697] : memref<2560x10000xf32, #tpu.memory_space<hbm>> -> memref<4x10000xf32, #tpu.memory_space<hbm>>
    %dma_wait3A_699 = arith.constant 0 : i32
    %dma_wait3A_700 = arith.constant 0 : i32
    %dma_wait3A_701 = tpu.memref_slice %arg6[%dma_wait3A_690, %dma_wait3A_699, %dma_wait3A_700] : memref<2x4x10000xf32, #tpu.memory_space<vmem>> -> memref<1x4x10000xf32, #tpu.memory_space<vmem>>
    %dma_wait3A_702 = tpu.memref_squeeze %dma_wait3A_701 : memref<1x4x10000xf32, #tpu.memory_space<vmem>> -> memref<4x10000xf32, #tpu.memory_space<vmem>>
    tpu.wait_dma2 semaphore(%arg9 : memref<!tpu.dma_semaphore, #tpu.memory_space<semaphore_mem>>) src(%dma_wait3A_702 : memref<4x10000xf32, #tpu.memory_space<vmem>>) dst(%dma_wait3A_698 : memref<4x10000xf32, #tpu.memory_space<hbm>>)
    %dma_start3A_703 = arith.constant 14 : i32
    %dma_start3A_704 = arith.constant 0 : i32
    %dma_start3A_705 = arith.constant 0 : i32
    %dma_start3A_706 = arith.constant 0 : i32
    %dma_start3A_707 = tpu.memref_slice %arg6[%dma_start3A_704, %dma_start3A_705, %dma_start3A_706] : memref<2x4x10000xf32, #tpu.memory_space<vmem>> -> memref<1x4x10000xf32, #tpu.memory_space<vmem>>
    %dma_start3A_708 = tpu.memref_squeeze %dma_start3A_707 : memref<1x4x10000xf32, #tpu.memory_space<vmem>> -> memref<4x10000xf32, #tpu.memory_space<vmem>>
    %dma_start3A_709 = arith.constant 0 : i32
    %dma_start3A_710 = tpu.memref_slice %arg5[%dma_start3A_703, %dma_start3A_709] : memref<20x8xi32, #tpu.memory_space<vmem>> -> memref<1x4xi32, #tpu.memory_space<vmem>>
    %dma_start3A_711 = tpu.memref_squeeze %dma_start3A_710 : memref<1x4xi32, #tpu.memory_space<vmem>> -> memref<4xi32, #tpu.memory_space<vmem>>
    %dma_start3A_712 = arith.constant 0 : i32
    %dma_start3A_713 = arith.constant 0 : i32
    %dma_start3A_714 = tpu.memref_slice %arg2[%dma_start3A_712, %dma_start3A_713] : memref<10000x10000xf32, #tpu.memory_space<hbm>> -> memref<10000x10000xf32, #tpu.memory_space<hbm>>
    tpu.enqueue_indirect_dma source(%dma_start3A_714 : memref<10000x10000xf32, #tpu.memory_space<hbm>>) target(%dma_start3A_708 : memref<4x10000xf32, #tpu.memory_space<vmem>>) offsets(%dma_start3A_711 : memref<4xi32, #tpu.memory_space<vmem>>) semaphore(%arg7 : memref<!tpu.dma_semaphore, #tpu.memory_space<semaphore_mem>>)
    %add3A_715 = arith.constant 52 : i32
    %add3A_716 = arith.addi %mul3A_2, %add3A_715 : i32
    %dma_start3A_717 = arith.constant 1 : i32
    %dma_start3A_718 = arith.constant 0 : i32
    %dma_start3A_719 = arith.constant 0 : i32
    %dma_start3A_720 = tpu.memref_slice %arg6[%dma_start3A_717, %dma_start3A_718, %dma_start3A_719] : memref<2x4x10000xf32, #tpu.memory_space<vmem>> -> memref<1x4x10000xf32, #tpu.memory_space<vmem>>
    %dma_start3A_721 = tpu.memref_squeeze %dma_start3A_720 : memref<1x4x10000xf32, #tpu.memory_space<vmem>> -> memref<4x10000xf32, #tpu.memory_space<vmem>>
    %dma_start3A_722 = arith.constant 0 : i32
    %dma_start3A_723 = tpu.memref_slice %arg4[%add3A_716, %dma_start3A_722] : memref<2560x10000xf32, #tpu.memory_space<hbm>> -> memref<4x10000xf32, #tpu.memory_space<hbm>>
    %dma_start3A_724 = arith.constant 0 : i32
    %dma_start3A_725 = tpu.memref_slice %arg4[%add3A_716, %dma_start3A_724] : memref<2560x10000xf32, #tpu.memory_space<hbm>> -> memref<4x10000xf32, #tpu.memory_space<hbm>>
    %dma_start3A_726 = arith.constant 0 : i32
    %dma_start3A_727 = arith.constant 0 : i32
    %dma_start3A_728 = tpu.memref_slice %arg6[%dma_start3A_717, %dma_start3A_726, %dma_start3A_727] : memref<2x4x10000xf32, #tpu.memory_space<vmem>> -> memref<1x4x10000xf32, #tpu.memory_space<vmem>>
    %dma_start3A_729 = tpu.memref_squeeze %dma_start3A_728 : memref<1x4x10000xf32, #tpu.memory_space<vmem>> -> memref<4x10000xf32, #tpu.memory_space<vmem>>
    tpu.enqueue_dma source(%dma_start3A_729 : memref<4x10000xf32, #tpu.memory_space<vmem>>) target(%dma_start3A_725 : memref<4x10000xf32, #tpu.memory_space<hbm>>) target_semaphore(%arg10 : memref<!tpu.dma_semaphore, #tpu.memory_space<semaphore_mem>>)
    %dma_wait3A_730 = arith.constant 14 : i32
    %dma_wait3A_731 = arith.constant 0 : i32
    %dma_wait3A_732 = arith.constant 0 : i32
    %dma_wait3A_733 = arith.constant 0 : i32
    %dma_wait3A_734 = tpu.memref_slice %arg6[%dma_wait3A_731, %dma_wait3A_732, %dma_wait3A_733] : memref<2x4x10000xf32, #tpu.memory_space<vmem>> -> memref<1x4x10000xf32, #tpu.memory_space<vmem>>
    %dma_wait3A_735 = tpu.memref_squeeze %dma_wait3A_734 : memref<1x4x10000xf32, #tpu.memory_space<vmem>> -> memref<4x10000xf32, #tpu.memory_space<vmem>>
    %dma_wait3A_736 = arith.constant 0 : i32
    %dma_wait3A_737 = tpu.memref_slice %arg5[%dma_wait3A_730, %dma_wait3A_736] : memref<20x8xi32, #tpu.memory_space<vmem>> -> memref<1x4xi32, #tpu.memory_space<vmem>>
    %dma_wait3A_738 = tpu.memref_squeeze %dma_wait3A_737 : memref<1x4xi32, #tpu.memory_space<vmem>> -> memref<4xi32, #tpu.memory_space<vmem>>
    %dma_wait3A_739 = arith.constant 0 : i32
    %dma_wait3A_740 = arith.constant 0 : i32
    %dma_wait3A_741 = tpu.memref_slice %arg2[%dma_wait3A_739, %dma_wait3A_740] : memref<10000x10000xf32, #tpu.memory_space<hbm>> -> memref<10000x10000xf32, #tpu.memory_space<hbm>>
    tpu.wait_indirect_dma semaphore(%arg7 : memref<!tpu.dma_semaphore, #tpu.memory_space<semaphore_mem>>) src(%dma_wait3A_741 : memref<10000x10000xf32, #tpu.memory_space<hbm>>) dst(%dma_wait3A_735 : memref<4x10000xf32, #tpu.memory_space<vmem>>)
    %dma_wait3A_742 = arith.constant 1 : i32
    %dma_wait3A_743 = arith.constant 0 : i32
    %dma_wait3A_744 = arith.constant 0 : i32
    %dma_wait3A_745 = tpu.memref_slice %arg6[%dma_wait3A_742, %dma_wait3A_743, %dma_wait3A_744] : memref<2x4x10000xf32, #tpu.memory_space<vmem>> -> memref<1x4x10000xf32, #tpu.memory_space<vmem>>
    %dma_wait3A_746 = tpu.memref_squeeze %dma_wait3A_745 : memref<1x4x10000xf32, #tpu.memory_space<vmem>> -> memref<4x10000xf32, #tpu.memory_space<vmem>>
    %dma_wait3A_747 = arith.constant 0 : i32
    %dma_wait3A_748 = tpu.memref_slice %arg4[%add3A_716, %dma_wait3A_747] : memref<2560x10000xf32, #tpu.memory_space<hbm>> -> memref<4x10000xf32, #tpu.memory_space<hbm>>
    %dma_wait3A_749 = arith.constant 0 : i32
    %dma_wait3A_750 = tpu.memref_slice %arg4[%add3A_716, %dma_wait3A_749] : memref<2560x10000xf32, #tpu.memory_space<hbm>> -> memref<4x10000xf32, #tpu.memory_space<hbm>>
    %dma_wait3A_751 = arith.constant 0 : i32
    %dma_wait3A_752 = arith.constant 0 : i32
    %dma_wait3A_753 = tpu.memref_slice %arg6[%dma_wait3A_742, %dma_wait3A_751, %dma_wait3A_752] : memref<2x4x10000xf32, #tpu.memory_space<vmem>> -> memref<1x4x10000xf32, #tpu.memory_space<vmem>>
    %dma_wait3A_754 = tpu.memref_squeeze %dma_wait3A_753 : memref<1x4x10000xf32, #tpu.memory_space<vmem>> -> memref<4x10000xf32, #tpu.memory_space<vmem>>
    tpu.wait_dma2 semaphore(%arg10 : memref<!tpu.dma_semaphore, #tpu.memory_space<semaphore_mem>>) src(%dma_wait3A_754 : memref<4x10000xf32, #tpu.memory_space<vmem>>) dst(%dma_wait3A_750 : memref<4x10000xf32, #tpu.memory_space<hbm>>)
    %dma_start3A_755 = arith.constant 15 : i32
    %dma_start3A_756 = arith.constant 1 : i32
    %dma_start3A_757 = arith.constant 0 : i32
    %dma_start3A_758 = arith.constant 0 : i32
    %dma_start3A_759 = tpu.memref_slice %arg6[%dma_start3A_756, %dma_start3A_757, %dma_start3A_758] : memref<2x4x10000xf32, #tpu.memory_space<vmem>> -> memref<1x4x10000xf32, #tpu.memory_space<vmem>>
    %dma_start3A_760 = tpu.memref_squeeze %dma_start3A_759 : memref<1x4x10000xf32, #tpu.memory_space<vmem>> -> memref<4x10000xf32, #tpu.memory_space<vmem>>
    %dma_start3A_761 = arith.constant 0 : i32
    %dma_start3A_762 = tpu.memref_slice %arg5[%dma_start3A_755, %dma_start3A_761] : memref<20x8xi32, #tpu.memory_space<vmem>> -> memref<1x4xi32, #tpu.memory_space<vmem>>
    %dma_start3A_763 = tpu.memref_squeeze %dma_start3A_762 : memref<1x4xi32, #tpu.memory_space<vmem>> -> memref<4xi32, #tpu.memory_space<vmem>>
    %dma_start3A_764 = arith.constant 0 : i32
    %dma_start3A_765 = arith.constant 0 : i32
    %dma_start3A_766 = tpu.memref_slice %arg2[%dma_start3A_764, %dma_start3A_765] : memref<10000x10000xf32, #tpu.memory_space<hbm>> -> memref<10000x10000xf32, #tpu.memory_space<hbm>>
    tpu.enqueue_indirect_dma source(%dma_start3A_766 : memref<10000x10000xf32, #tpu.memory_space<hbm>>) target(%dma_start3A_760 : memref<4x10000xf32, #tpu.memory_space<vmem>>) offsets(%dma_start3A_763 : memref<4xi32, #tpu.memory_space<vmem>>) semaphore(%arg8 : memref<!tpu.dma_semaphore, #tpu.memory_space<semaphore_mem>>)
    %add3A_767 = arith.constant 56 : i32
    %add3A_768 = arith.addi %mul3A_2, %add3A_767 : i32
    %dma_start3A_769 = arith.constant 0 : i32
    %dma_start3A_770 = arith.constant 0 : i32
    %dma_start3A_771 = arith.constant 0 : i32
    %dma_start3A_772 = tpu.memref_slice %arg6[%dma_start3A_769, %dma_start3A_770, %dma_start3A_771] : memref<2x4x10000xf32, #tpu.memory_space<vmem>> -> memref<1x4x10000xf32, #tpu.memory_space<vmem>>
    %dma_start3A_773 = tpu.memref_squeeze %dma_start3A_772 : memref<1x4x10000xf32, #tpu.memory_space<vmem>> -> memref<4x10000xf32, #tpu.memory_space<vmem>>
    %dma_start3A_774 = arith.constant 0 : i32
    %dma_start3A_775 = tpu.memref_slice %arg4[%add3A_768, %dma_start3A_774] : memref<2560x10000xf32, #tpu.memory_space<hbm>> -> memref<4x10000xf32, #tpu.memory_space<hbm>>
    %dma_start3A_776 = arith.constant 0 : i32
    %dma_start3A_777 = tpu.memref_slice %arg4[%add3A_768, %dma_start3A_776] : memref<2560x10000xf32, #tpu.memory_space<hbm>> -> memref<4x10000xf32, #tpu.memory_space<hbm>>
    %dma_start3A_778 = arith.constant 0 : i32
    %dma_start3A_779 = arith.constant 0 : i32
    %dma_start3A_780 = tpu.memref_slice %arg6[%dma_start3A_769, %dma_start3A_778, %dma_start3A_779] : memref<2x4x10000xf32, #tpu.memory_space<vmem>> -> memref<1x4x10000xf32, #tpu.memory_space<vmem>>
    %dma_start3A_781 = tpu.memref_squeeze %dma_start3A_780 : memref<1x4x10000xf32, #tpu.memory_space<vmem>> -> memref<4x10000xf32, #tpu.memory_space<vmem>>
    tpu.enqueue_dma source(%dma_start3A_781 : memref<4x10000xf32, #tpu.memory_space<vmem>>) target(%dma_start3A_777 : memref<4x10000xf32, #tpu.memory_space<hbm>>) target_semaphore(%arg9 : memref<!tpu.dma_semaphore, #tpu.memory_space<semaphore_mem>>)
    %dma_wait3A_782 = arith.constant 15 : i32
    %dma_wait3A_783 = arith.constant 1 : i32
    %dma_wait3A_784 = arith.constant 0 : i32
    %dma_wait3A_785 = arith.constant 0 : i32
    %dma_wait3A_786 = tpu.memref_slice %arg6[%dma_wait3A_783, %dma_wait3A_784, %dma_wait3A_785] : memref<2x4x10000xf32, #tpu.memory_space<vmem>> -> memref<1x4x10000xf32, #tpu.memory_space<vmem>>
    %dma_wait3A_787 = tpu.memref_squeeze %dma_wait3A_786 : memref<1x4x10000xf32, #tpu.memory_space<vmem>> -> memref<4x10000xf32, #tpu.memory_space<vmem>>
    %dma_wait3A_788 = arith.constant 0 : i32
    %dma_wait3A_789 = tpu.memref_slice %arg5[%dma_wait3A_782, %dma_wait3A_788] : memref<20x8xi32, #tpu.memory_space<vmem>> -> memref<1x4xi32, #tpu.memory_space<vmem>>
    %dma_wait3A_790 = tpu.memref_squeeze %dma_wait3A_789 : memref<1x4xi32, #tpu.memory_space<vmem>> -> memref<4xi32, #tpu.memory_space<vmem>>
    %dma_wait3A_791 = arith.constant 0 : i32
    %dma_wait3A_792 = arith.constant 0 : i32
    %dma_wait3A_793 = tpu.memref_slice %arg2[%dma_wait3A_791, %dma_wait3A_792] : memref<10000x10000xf32, #tpu.memory_space<hbm>> -> memref<10000x10000xf32, #tpu.memory_space<hbm>>
    tpu.wait_indirect_dma semaphore(%arg8 : memref<!tpu.dma_semaphore, #tpu.memory_space<semaphore_mem>>) src(%dma_wait3A_793 : memref<10000x10000xf32, #tpu.memory_space<hbm>>) dst(%dma_wait3A_787 : memref<4x10000xf32, #tpu.memory_space<vmem>>)
    %dma_wait3A_794 = arith.constant 0 : i32
    %dma_wait3A_795 = arith.constant 0 : i32
    %dma_wait3A_796 = arith.constant 0 : i32
    %dma_wait3A_797 = tpu.memref_slice %arg6[%dma_wait3A_794, %dma_wait3A_795, %dma_wait3A_796] : memref<2x4x10000xf32, #tpu.memory_space<vmem>> -> memref<1x4x10000xf32, #tpu.memory_space<vmem>>
    %dma_wait3A_798 = tpu.memref_squeeze %dma_wait3A_797 : memref<1x4x10000xf32, #tpu.memory_space<vmem>> -> memref<4x10000xf32, #tpu.memory_space<vmem>>
    %dma_wait3A_799 = arith.constant 0 : i32
    %dma_wait3A_800 = tpu.memref_slice %arg4[%add3A_768, %dma_wait3A_799] : memref<2560x10000xf32, #tpu.memory_space<hbm>> -> memref<4x10000xf32, #tpu.memory_space<hbm>>
    %dma_wait3A_801 = arith.constant 0 : i32
    %dma_wait3A_802 = tpu.memref_slice %arg4[%add3A_768, %dma_wait3A_801] : memref<2560x10000xf32, #tpu.memory_space<hbm>> -> memref<4x10000xf32, #tpu.memory_space<hbm>>
    %dma_wait3A_803 = arith.constant 0 : i32
    %dma_wait3A_804 = arith.constant 0 : i32
    %dma_wait3A_805 = tpu.memref_slice %arg6[%dma_wait3A_794, %dma_wait3A_803, %dma_wait3A_804] : memref<2x4x10000xf32, #tpu.memory_space<vmem>> -> memref<1x4x10000xf32, #tpu.memory_space<vmem>>
    %dma_wait3A_806 = tpu.memref_squeeze %dma_wait3A_805 : memref<1x4x10000xf32, #tpu.memory_space<vmem>> -> memref<4x10000xf32, #tpu.memory_space<vmem>>
    tpu.wait_dma2 semaphore(%arg9 : memref<!tpu.dma_semaphore, #tpu.memory_space<semaphore_mem>>) src(%dma_wait3A_806 : memref<4x10000xf32, #tpu.memory_space<vmem>>) dst(%dma_wait3A_802 : memref<4x10000xf32, #tpu.memory_space<hbm>>)
    %dma_start3A_807 = arith.constant 16 : i32
    %dma_start3A_808 = arith.constant 0 : i32
    %dma_start3A_809 = arith.constant 0 : i32
    %dma_start3A_810 = arith.constant 0 : i32
    %dma_start3A_811 = tpu.memref_slice %arg6[%dma_start3A_808, %dma_start3A_809, %dma_start3A_810] : memref<2x4x10000xf32, #tpu.memory_space<vmem>> -> memref<1x4x10000xf32, #tpu.memory_space<vmem>>
    %dma_start3A_812 = tpu.memref_squeeze %dma_start3A_811 : memref<1x4x10000xf32, #tpu.memory_space<vmem>> -> memref<4x10000xf32, #tpu.memory_space<vmem>>
    %dma_start3A_813 = arith.constant 0 : i32
    %dma_start3A_814 = tpu.memref_slice %arg5[%dma_start3A_807, %dma_start3A_813] : memref<20x8xi32, #tpu.memory_space<vmem>> -> memref<1x4xi32, #tpu.memory_space<vmem>>
    %dma_start3A_815 = tpu.memref_squeeze %dma_start3A_814 : memref<1x4xi32, #tpu.memory_space<vmem>> -> memref<4xi32, #tpu.memory_space<vmem>>
    %dma_start3A_816 = arith.constant 0 : i32
    %dma_start3A_817 = arith.constant 0 : i32
    %dma_start3A_818 = tpu.memref_slice %arg2[%dma_start3A_816, %dma_start3A_817] : memref<10000x10000xf32, #tpu.memory_space<hbm>> -> memref<10000x10000xf32, #tpu.memory_space<hbm>>
    tpu.enqueue_indirect_dma source(%dma_start3A_818 : memref<10000x10000xf32, #tpu.memory_space<hbm>>) target(%dma_start3A_812 : memref<4x10000xf32, #tpu.memory_space<vmem>>) offsets(%dma_start3A_815 : memref<4xi32, #tpu.memory_space<vmem>>) semaphore(%arg7 : memref<!tpu.dma_semaphore, #tpu.memory_space<semaphore_mem>>)
    %add3A_819 = arith.constant 60 : i32
    %add3A_820 = arith.addi %mul3A_2, %add3A_819 : i32
    %dma_start3A_821 = arith.constant 1 : i32
    %dma_start3A_822 = arith.constant 0 : i32
    %dma_start3A_823 = arith.constant 0 : i32
    %dma_start3A_824 = tpu.memref_slice %arg6[%dma_start3A_821, %dma_start3A_822, %dma_start3A_823] : memref<2x4x10000xf32, #tpu.memory_space<vmem>> -> memref<1x4x10000xf32, #tpu.memory_space<vmem>>
    %dma_start3A_825 = tpu.memref_squeeze %dma_start3A_824 : memref<1x4x10000xf32, #tpu.memory_space<vmem>> -> memref<4x10000xf32, #tpu.memory_space<vmem>>
    %dma_start3A_826 = arith.constant 0 : i32
    %dma_start3A_827 = tpu.memref_slice %arg4[%add3A_820, %dma_start3A_826] : memref<2560x10000xf32, #tpu.memory_space<hbm>> -> memref<4x10000xf32, #tpu.memory_space<hbm>>
    %dma_start3A_828 = arith.constant 0 : i32
    %dma_start3A_829 = tpu.memref_slice %arg4[%add3A_820, %dma_start3A_828] : memref<2560x10000xf32, #tpu.memory_space<hbm>> -> memref<4x10000xf32, #tpu.memory_space<hbm>>
    %dma_start3A_830 = arith.constant 0 : i32
    %dma_start3A_831 = arith.constant 0 : i32
    %dma_start3A_832 = tpu.memref_slice %arg6[%dma_start3A_821, %dma_start3A_830, %dma_start3A_831] : memref<2x4x10000xf32, #tpu.memory_space<vmem>> -> memref<1x4x10000xf32, #tpu.memory_space<vmem>>
    %dma_start3A_833 = tpu.memref_squeeze %dma_start3A_832 : memref<1x4x10000xf32, #tpu.memory_space<vmem>> -> memref<4x10000xf32, #tpu.memory_space<vmem>>
    tpu.enqueue_dma source(%dma_start3A_833 : memref<4x10000xf32, #tpu.memory_space<vmem>>) target(%dma_start3A_829 : memref<4x10000xf32, #tpu.memory_space<hbm>>) target_semaphore(%arg10 : memref<!tpu.dma_semaphore, #tpu.memory_space<semaphore_mem>>)
    %dma_wait3A_834 = arith.constant 16 : i32
    %dma_wait3A_835 = arith.constant 0 : i32
    %dma_wait3A_836 = arith.constant 0 : i32
    %dma_wait3A_837 = arith.constant 0 : i32
    %dma_wait3A_838 = tpu.memref_slice %arg6[%dma_wait3A_835, %dma_wait3A_836, %dma_wait3A_837] : memref<2x4x10000xf32, #tpu.memory_space<vmem>> -> memref<1x4x10000xf32, #tpu.memory_space<vmem>>
    %dma_wait3A_839 = tpu.memref_squeeze %dma_wait3A_838 : memref<1x4x10000xf32, #tpu.memory_space<vmem>> -> memref<4x10000xf32, #tpu.memory_space<vmem>>
    %dma_wait3A_840 = arith.constant 0 : i32
    %dma_wait3A_841 = tpu.memref_slice %arg5[%dma_wait3A_834, %dma_wait3A_840] : memref<20x8xi32, #tpu.memory_space<vmem>> -> memref<1x4xi32, #tpu.memory_space<vmem>>
    %dma_wait3A_842 = tpu.memref_squeeze %dma_wait3A_841 : memref<1x4xi32, #tpu.memory_space<vmem>> -> memref<4xi32, #tpu.memory_space<vmem>>
    %dma_wait3A_843 = arith.constant 0 : i32
    %dma_wait3A_844 = arith.constant 0 : i32
    %dma_wait3A_845 = tpu.memref_slice %arg2[%dma_wait3A_843, %dma_wait3A_844] : memref<10000x10000xf32, #tpu.memory_space<hbm>> -> memref<10000x10000xf32, #tpu.memory_space<hbm>>
    tpu.wait_indirect_dma semaphore(%arg7 : memref<!tpu.dma_semaphore, #tpu.memory_space<semaphore_mem>>) src(%dma_wait3A_845 : memref<10000x10000xf32, #tpu.memory_space<hbm>>) dst(%dma_wait3A_839 : memref<4x10000xf32, #tpu.memory_space<vmem>>)
    %dma_wait3A_846 = arith.constant 1 : i32
    %dma_wait3A_847 = arith.constant 0 : i32
    %dma_wait3A_848 = arith.constant 0 : i32
    %dma_wait3A_849 = tpu.memref_slice %arg6[%dma_wait3A_846, %dma_wait3A_847, %dma_wait3A_848] : memref<2x4x10000xf32, #tpu.memory_space<vmem>> -> memref<1x4x10000xf32, #tpu.memory_space<vmem>>
    %dma_wait3A_850 = tpu.memref_squeeze %dma_wait3A_849 : memref<1x4x10000xf32, #tpu.memory_space<vmem>> -> memref<4x10000xf32, #tpu.memory_space<vmem>>
    %dma_wait3A_851 = arith.constant 0 : i32
    %dma_wait3A_852 = tpu.memref_slice %arg4[%add3A_820, %dma_wait3A_851] : memref<2560x10000xf32, #tpu.memory_space<hbm>> -> memref<4x10000xf32, #tpu.memory_space<hbm>>
    %dma_wait3A_853 = arith.constant 0 : i32
    %dma_wait3A_854 = tpu.memref_slice %arg4[%add3A_820, %dma_wait3A_853] : memref<2560x10000xf32, #tpu.memory_space<hbm>> -> memref<4x10000xf32, #tpu.memory_space<hbm>>
    %dma_wait3A_855 = arith.constant 0 : i32
    %dma_wait3A_856 = arith.constant 0 : i32
    %dma_wait3A_857 = tpu.memref_slice %arg6[%dma_wait3A_846, %dma_wait3A_855, %dma_wait3A_856] : memref<2x4x10000xf32, #tpu.memory_space<vmem>> -> memref<1x4x10000xf32, #tpu.memory_space<vmem>>
    %dma_wait3A_858 = tpu.memref_squeeze %dma_wait3A_857 : memref<1x4x10000xf32, #tpu.memory_space<vmem>> -> memref<4x10000xf32, #tpu.memory_space<vmem>>
    tpu.wait_dma2 semaphore(%arg10 : memref<!tpu.dma_semaphore, #tpu.memory_space<semaphore_mem>>) src(%dma_wait3A_858 : memref<4x10000xf32, #tpu.memory_space<vmem>>) dst(%dma_wait3A_854 : memref<4x10000xf32, #tpu.memory_space<hbm>>)
    %dma_start3A_859 = arith.constant 17 : i32
    %dma_start3A_860 = arith.constant 1 : i32
    %dma_start3A_861 = arith.constant 0 : i32
    %dma_start3A_862 = arith.constant 0 : i32
    %dma_start3A_863 = tpu.memref_slice %arg6[%dma_start3A_860, %dma_start3A_861, %dma_start3A_862] : memref<2x4x10000xf32, #tpu.memory_space<vmem>> -> memref<1x4x10000xf32, #tpu.memory_space<vmem>>
    %dma_start3A_864 = tpu.memref_squeeze %dma_start3A_863 : memref<1x4x10000xf32, #tpu.memory_space<vmem>> -> memref<4x10000xf32, #tpu.memory_space<vmem>>
    %dma_start3A_865 = arith.constant 0 : i32
    %dma_start3A_866 = tpu.memref_slice %arg5[%dma_start3A_859, %dma_start3A_865] : memref<20x8xi32, #tpu.memory_space<vmem>> -> memref<1x4xi32, #tpu.memory_space<vmem>>
    %dma_start3A_867 = tpu.memref_squeeze %dma_start3A_866 : memref<1x4xi32, #tpu.memory_space<vmem>> -> memref<4xi32, #tpu.memory_space<vmem>>
    %dma_start3A_868 = arith.constant 0 : i32
    %dma_start3A_869 = arith.constant 0 : i32
    %dma_start3A_870 = tpu.memref_slice %arg2[%dma_start3A_868, %dma_start3A_869] : memref<10000x10000xf32, #tpu.memory_space<hbm>> -> memref<10000x10000xf32, #tpu.memory_space<hbm>>
    tpu.enqueue_indirect_dma source(%dma_start3A_870 : memref<10000x10000xf32, #tpu.memory_space<hbm>>) target(%dma_start3A_864 : memref<4x10000xf32, #tpu.memory_space<vmem>>) offsets(%dma_start3A_867 : memref<4xi32, #tpu.memory_space<vmem>>) semaphore(%arg8 : memref<!tpu.dma_semaphore, #tpu.memory_space<semaphore_mem>>)
    %add3A_871 = arith.constant 64 : i32
    %add3A_872 = arith.addi %mul3A_2, %add3A_871 : i32
    %dma_start3A_873 = arith.constant 0 : i32
    %dma_start3A_874 = arith.constant 0 : i32
    %dma_start3A_875 = arith.constant 0 : i32
    %dma_start3A_876 = tpu.memref_slice %arg6[%dma_start3A_873, %dma_start3A_874, %dma_start3A_875] : memref<2x4x10000xf32, #tpu.memory_space<vmem>> -> memref<1x4x10000xf32, #tpu.memory_space<vmem>>
    %dma_start3A_877 = tpu.memref_squeeze %dma_start3A_876 : memref<1x4x10000xf32, #tpu.memory_space<vmem>> -> memref<4x10000xf32, #tpu.memory_space<vmem>>
    %dma_start3A_878 = arith.constant 0 : i32
    %dma_start3A_879 = tpu.memref_slice %arg4[%add3A_872, %dma_start3A_878] : memref<2560x10000xf32, #tpu.memory_space<hbm>> -> memref<4x10000xf32, #tpu.memory_space<hbm>>
    %dma_start3A_880 = arith.constant 0 : i32
    %dma_start3A_881 = tpu.memref_slice %arg4[%add3A_872, %dma_start3A_880] : memref<2560x10000xf32, #tpu.memory_space<hbm>> -> memref<4x10000xf32, #tpu.memory_space<hbm>>
    %dma_start3A_882 = arith.constant 0 : i32
    %dma_start3A_883 = arith.constant 0 : i32
    %dma_start3A_884 = tpu.memref_slice %arg6[%dma_start3A_873, %dma_start3A_882, %dma_start3A_883] : memref<2x4x10000xf32, #tpu.memory_space<vmem>> -> memref<1x4x10000xf32, #tpu.memory_space<vmem>>
    %dma_start3A_885 = tpu.memref_squeeze %dma_start3A_884 : memref<1x4x10000xf32, #tpu.memory_space<vmem>> -> memref<4x10000xf32, #tpu.memory_space<vmem>>
    tpu.enqueue_dma source(%dma_start3A_885 : memref<4x10000xf32, #tpu.memory_space<vmem>>) target(%dma_start3A_881 : memref<4x10000xf32, #tpu.memory_space<hbm>>) target_semaphore(%arg9 : memref<!tpu.dma_semaphore, #tpu.memory_space<semaphore_mem>>)
    %dma_wait3A_886 = arith.constant 17 : i32
    %dma_wait3A_887 = arith.constant 1 : i32
    %dma_wait3A_888 = arith.constant 0 : i32
    %dma_wait3A_889 = arith.constant 0 : i32
    %dma_wait3A_890 = tpu.memref_slice %arg6[%dma_wait3A_887, %dma_wait3A_888, %dma_wait3A_889] : memref<2x4x10000xf32, #tpu.memory_space<vmem>> -> memref<1x4x10000xf32, #tpu.memory_space<vmem>>
    %dma_wait3A_891 = tpu.memref_squeeze %dma_wait3A_890 : memref<1x4x10000xf32, #tpu.memory_space<vmem>> -> memref<4x10000xf32, #tpu.memory_space<vmem>>
    %dma_wait3A_892 = arith.constant 0 : i32
    %dma_wait3A_893 = tpu.memref_slice %arg5[%dma_wait3A_886, %dma_wait3A_892] : memref<20x8xi32, #tpu.memory_space<vmem>> -> memref<1x4xi32, #tpu.memory_space<vmem>>
    %dma_wait3A_894 = tpu.memref_squeeze %dma_wait3A_893 : memref<1x4xi32, #tpu.memory_space<vmem>> -> memref<4xi32, #tpu.memory_space<vmem>>
    %dma_wait3A_895 = arith.constant 0 : i32
    %dma_wait3A_896 = arith.constant 0 : i32
    %dma_wait3A_897 = tpu.memref_slice %arg2[%dma_wait3A_895, %dma_wait3A_896] : memref<10000x10000xf32, #tpu.memory_space<hbm>> -> memref<10000x10000xf32, #tpu.memory_space<hbm>>
    tpu.wait_indirect_dma semaphore(%arg8 : memref<!tpu.dma_semaphore, #tpu.memory_space<semaphore_mem>>) src(%dma_wait3A_897 : memref<10000x10000xf32, #tpu.memory_space<hbm>>) dst(%dma_wait3A_891 : memref<4x10000xf32, #tpu.memory_space<vmem>>)
    %dma_wait3A_898 = arith.constant 0 : i32
    %dma_wait3A_899 = arith.constant 0 : i32
    %dma_wait3A_900 = arith.constant 0 : i32
    %dma_wait3A_901 = tpu.memref_slice %arg6[%dma_wait3A_898, %dma_wait3A_899, %dma_wait3A_900] : memref<2x4x10000xf32, #tpu.memory_space<vmem>> -> memref<1x4x10000xf32, #tpu.memory_space<vmem>>
    %dma_wait3A_902 = tpu.memref_squeeze %dma_wait3A_901 : memref<1x4x10000xf32, #tpu.memory_space<vmem>> -> memref<4x10000xf32, #tpu.memory_space<vmem>>
    %dma_wait3A_903 = arith.constant 0 : i32
    %dma_wait3A_904 = tpu.memref_slice %arg4[%add3A_872, %dma_wait3A_903] : memref<2560x10000xf32, #tpu.memory_space<hbm>> -> memref<4x10000xf32, #tpu.memory_space<hbm>>
    %dma_wait3A_905 = arith.constant 0 : i32
    %dma_wait3A_906 = tpu.memref_slice %arg4[%add3A_872, %dma_wait3A_905] : memref<2560x10000xf32, #tpu.memory_space<hbm>> -> memref<4x10000xf32, #tpu.memory_space<hbm>>
    %dma_wait3A_907 = arith.constant 0 : i32
    %dma_wait3A_908 = arith.constant 0 : i32
    %dma_wait3A_909 = tpu.memref_slice %arg6[%dma_wait3A_898, %dma_wait3A_907, %dma_wait3A_908] : memref<2x4x10000xf32, #tpu.memory_space<vmem>> -> memref<1x4x10000xf32, #tpu.memory_space<vmem>>
    %dma_wait3A_910 = tpu.memref_squeeze %dma_wait3A_909 : memref<1x4x10000xf32, #tpu.memory_space<vmem>> -> memref<4x10000xf32, #tpu.memory_space<vmem>>
    tpu.wait_dma2 semaphore(%arg9 : memref<!tpu.dma_semaphore, #tpu.memory_space<semaphore_mem>>) src(%dma_wait3A_910 : memref<4x10000xf32, #tpu.memory_space<vmem>>) dst(%dma_wait3A_906 : memref<4x10000xf32, #tpu.memory_space<hbm>>)
    %dma_start3A_911 = arith.constant 18 : i32
    %dma_start3A_912 = arith.constant 0 : i32
    %dma_start3A_913 = arith.constant 0 : i32
    %dma_start3A_914 = arith.constant 0 : i32
    %dma_start3A_915 = tpu.memref_slice %arg6[%dma_start3A_912, %dma_start3A_913, %dma_start3A_914] : memref<2x4x10000xf32, #tpu.memory_space<vmem>> -> memref<1x4x10000xf32, #tpu.memory_space<vmem>>
    %dma_start3A_916 = tpu.memref_squeeze %dma_start3A_915 : memref<1x4x10000xf32, #tpu.memory_space<vmem>> -> memref<4x10000xf32, #tpu.memory_space<vmem>>
    %dma_start3A_917 = arith.constant 0 : i32
    %dma_start3A_918 = tpu.memref_slice %arg5[%dma_start3A_911, %dma_start3A_917] : memref<20x8xi32, #tpu.memory_space<vmem>> -> memref<1x4xi32, #tpu.memory_space<vmem>>
    %dma_start3A_919 = tpu.memref_squeeze %dma_start3A_918 : memref<1x4xi32, #tpu.memory_space<vmem>> -> memref<4xi32, #tpu.memory_space<vmem>>
    %dma_start3A_920 = arith.constant 0 : i32
    %dma_start3A_921 = arith.constant 0 : i32
    %dma_start3A_922 = tpu.memref_slice %arg2[%dma_start3A_920, %dma_start3A_921] : memref<10000x10000xf32, #tpu.memory_space<hbm>> -> memref<10000x10000xf32, #tpu.memory_space<hbm>>
    tpu.enqueue_indirect_dma source(%dma_start3A_922 : memref<10000x10000xf32, #tpu.memory_space<hbm>>) target(%dma_start3A_916 : memref<4x10000xf32, #tpu.memory_space<vmem>>) offsets(%dma_start3A_919 : memref<4xi32, #tpu.memory_space<vmem>>) semaphore(%arg7 : memref<!tpu.dma_semaphore, #tpu.memory_space<semaphore_mem>>)
    %add3A_923 = arith.constant 68 : i32
    %add3A_924 = arith.addi %mul3A_2, %add3A_923 : i32
    %dma_start3A_925 = arith.constant 1 : i32
    %dma_start3A_926 = arith.constant 0 : i32
    %dma_start3A_927 = arith.constant 0 : i32
    %dma_start3A_928 = tpu.memref_slice %arg6[%dma_start3A_925, %dma_start3A_926, %dma_start3A_927] : memref<2x4x10000xf32, #tpu.memory_space<vmem>> -> memref<1x4x10000xf32, #tpu.memory_space<vmem>>
    %dma_start3A_929 = tpu.memref_squeeze %dma_start3A_928 : memref<1x4x10000xf32, #tpu.memory_space<vmem>> -> memref<4x10000xf32, #tpu.memory_space<vmem>>
    %dma_start3A_930 = arith.constant 0 : i32
    %dma_start3A_931 = tpu.memref_slice %arg4[%add3A_924, %dma_start3A_930] : memref<2560x10000xf32, #tpu.memory_space<hbm>> -> memref<4x10000xf32, #tpu.memory_space<hbm>>
    %dma_start3A_932 = arith.constant 0 : i32
    %dma_start3A_933 = tpu.memref_slice %arg4[%add3A_924, %dma_start3A_932] : memref<2560x10000xf32, #tpu.memory_space<hbm>> -> memref<4x10000xf32, #tpu.memory_space<hbm>>
    %dma_start3A_934 = arith.constant 0 : i32
    %dma_start3A_935 = arith.constant 0 : i32
    %dma_start3A_936 = tpu.memref_slice %arg6[%dma_start3A_925, %dma_start3A_934, %dma_start3A_935] : memref<2x4x10000xf32, #tpu.memory_space<vmem>> -> memref<1x4x10000xf32, #tpu.memory_space<vmem>>
    %dma_start3A_937 = tpu.memref_squeeze %dma_start3A_936 : memref<1x4x10000xf32, #tpu.memory_space<vmem>> -> memref<4x10000xf32, #tpu.memory_space<vmem>>
    tpu.enqueue_dma source(%dma_start3A_937 : memref<4x10000xf32, #tpu.memory_space<vmem>>) target(%dma_start3A_933 : memref<4x10000xf32, #tpu.memory_space<hbm>>) target_semaphore(%arg10 : memref<!tpu.dma_semaphore, #tpu.memory_space<semaphore_mem>>)
    %dma_wait3A_938 = arith.constant 18 : i32
    %dma_wait3A_939 = arith.constant 0 : i32
    %dma_wait3A_940 = arith.constant 0 : i32
    %dma_wait3A_941 = arith.constant 0 : i32
    %dma_wait3A_942 = tpu.memref_slice %arg6[%dma_wait3A_939, %dma_wait3A_940, %dma_wait3A_941] : memref<2x4x10000xf32, #tpu.memory_space<vmem>> -> memref<1x4x10000xf32, #tpu.memory_space<vmem>>
    %dma_wait3A_943 = tpu.memref_squeeze %dma_wait3A_942 : memref<1x4x10000xf32, #tpu.memory_space<vmem>> -> memref<4x10000xf32, #tpu.memory_space<vmem>>
    %dma_wait3A_944 = arith.constant 0 : i32
    %dma_wait3A_945 = tpu.memref_slice %arg5[%dma_wait3A_938, %dma_wait3A_944] : memref<20x8xi32, #tpu.memory_space<vmem>> -> memref<1x4xi32, #tpu.memory_space<vmem>>
    %dma_wait3A_946 = tpu.memref_squeeze %dma_wait3A_945 : memref<1x4xi32, #tpu.memory_space<vmem>> -> memref<4xi32, #tpu.memory_space<vmem>>
    %dma_wait3A_947 = arith.constant 0 : i32
    %dma_wait3A_948 = arith.constant 0 : i32
    %dma_wait3A_949 = tpu.memref_slice %arg2[%dma_wait3A_947, %dma_wait3A_948] : memref<10000x10000xf32, #tpu.memory_space<hbm>> -> memref<10000x10000xf32, #tpu.memory_space<hbm>>
    tpu.wait_indirect_dma semaphore(%arg7 : memref<!tpu.dma_semaphore, #tpu.memory_space<semaphore_mem>>) src(%dma_wait3A_949 : memref<10000x10000xf32, #tpu.memory_space<hbm>>) dst(%dma_wait3A_943 : memref<4x10000xf32, #tpu.memory_space<vmem>>)
    %dma_wait3A_950 = arith.constant 1 : i32
    %dma_wait3A_951 = arith.constant 0 : i32
    %dma_wait3A_952 = arith.constant 0 : i32
    %dma_wait3A_953 = tpu.memref_slice %arg6[%dma_wait3A_950, %dma_wait3A_951, %dma_wait3A_952] : memref<2x4x10000xf32, #tpu.memory_space<vmem>> -> memref<1x4x10000xf32, #tpu.memory_space<vmem>>
    %dma_wait3A_954 = tpu.memref_squeeze %dma_wait3A_953 : memref<1x4x10000xf32, #tpu.memory_space<vmem>> -> memref<4x10000xf32, #tpu.memory_space<vmem>>
    %dma_wait3A_955 = arith.constant 0 : i32
    %dma_wait3A_956 = tpu.memref_slice %arg4[%add3A_924, %dma_wait3A_955] : memref<2560x10000xf32, #tpu.memory_space<hbm>> -> memref<4x10000xf32, #tpu.memory_space<hbm>>
    %dma_wait3A_957 = arith.constant 0 : i32
    %dma_wait3A_958 = tpu.memref_slice %arg4[%add3A_924, %dma_wait3A_957] : memref<2560x10000xf32, #tpu.memory_space<hbm>> -> memref<4x10000xf32, #tpu.memory_space<hbm>>
    %dma_wait3A_959 = arith.constant 0 : i32
    %dma_wait3A_960 = arith.constant 0 : i32
    %dma_wait3A_961 = tpu.memref_slice %arg6[%dma_wait3A_950, %dma_wait3A_959, %dma_wait3A_960] : memref<2x4x10000xf32, #tpu.memory_space<vmem>> -> memref<1x4x10000xf32, #tpu.memory_space<vmem>>
    %dma_wait3A_962 = tpu.memref_squeeze %dma_wait3A_961 : memref<1x4x10000xf32, #tpu.memory_space<vmem>> -> memref<4x10000xf32, #tpu.memory_space<vmem>>
    tpu.wait_dma2 semaphore(%arg10 : memref<!tpu.dma_semaphore, #tpu.memory_space<semaphore_mem>>) src(%dma_wait3A_962 : memref<4x10000xf32, #tpu.memory_space<vmem>>) dst(%dma_wait3A_958 : memref<4x10000xf32, #tpu.memory_space<hbm>>)
    %dma_start3A_963 = arith.constant 19 : i32
    %dma_start3A_964 = arith.constant 1 : i32
    %dma_start3A_965 = arith.constant 0 : i32
    %dma_start3A_966 = arith.constant 0 : i32
    %dma_start3A_967 = tpu.memref_slice %arg6[%dma_start3A_964, %dma_start3A_965, %dma_start3A_966] : memref<2x4x10000xf32, #tpu.memory_space<vmem>> -> memref<1x4x10000xf32, #tpu.memory_space<vmem>>
    %dma_start3A_968 = tpu.memref_squeeze %dma_start3A_967 : memref<1x4x10000xf32, #tpu.memory_space<vmem>> -> memref<4x10000xf32, #tpu.memory_space<vmem>>
    %dma_start3A_969 = arith.constant 0 : i32
    %dma_start3A_970 = tpu.memref_slice %arg5[%dma_start3A_963, %dma_start3A_969] : memref<20x8xi32, #tpu.memory_space<vmem>> -> memref<1x4xi32, #tpu.memory_space<vmem>>
    %dma_start3A_971 = tpu.memref_squeeze %dma_start3A_970 : memref<1x4xi32, #tpu.memory_space<vmem>> -> memref<4xi32, #tpu.memory_space<vmem>>
    %dma_start3A_972 = arith.constant 0 : i32
    %dma_start3A_973 = arith.constant 0 : i32
    %dma_start3A_974 = tpu.memref_slice %arg2[%dma_start3A_972, %dma_start3A_973] : memref<10000x10000xf32, #tpu.memory_space<hbm>> -> memref<10000x10000xf32, #tpu.memory_space<hbm>>
    tpu.enqueue_indirect_dma source(%dma_start3A_974 : memref<10000x10000xf32, #tpu.memory_space<hbm>>) target(%dma_start3A_968 : memref<4x10000xf32, #tpu.memory_space<vmem>>) offsets(%dma_start3A_971 : memref<4xi32, #tpu.memory_space<vmem>>) semaphore(%arg8 : memref<!tpu.dma_semaphore, #tpu.memory_space<semaphore_mem>>)
    %add3A_975 = arith.constant 72 : i32
    %add3A_976 = arith.addi %mul3A_2, %add3A_975 : i32
    %dma_start3A_977 = arith.constant 0 : i32
    %dma_start3A_978 = arith.constant 0 : i32
    %dma_start3A_979 = arith.constant 0 : i32
    %dma_start3A_980 = tpu.memref_slice %arg6[%dma_start3A_977, %dma_start3A_978, %dma_start3A_979] : memref<2x4x10000xf32, #tpu.memory_space<vmem>> -> memref<1x4x10000xf32, #tpu.memory_space<vmem>>
    %dma_start3A_981 = tpu.memref_squeeze %dma_start3A_980 : memref<1x4x10000xf32, #tpu.memory_space<vmem>> -> memref<4x10000xf32, #tpu.memory_space<vmem>>
    %dma_start3A_982 = arith.constant 0 : i32
    %dma_start3A_983 = tpu.memref_slice %arg4[%add3A_976, %dma_start3A_982] : memref<2560x10000xf32, #tpu.memory_space<hbm>> -> memref<4x10000xf32, #tpu.memory_space<hbm>>
    %dma_start3A_984 = arith.constant 0 : i32
    %dma_start3A_985 = tpu.memref_slice %arg4[%add3A_976, %dma_start3A_984] : memref<2560x10000xf32, #tpu.memory_space<hbm>> -> memref<4x10000xf32, #tpu.memory_space<hbm>>
    %dma_start3A_986 = arith.constant 0 : i32
    %dma_start3A_987 = arith.constant 0 : i32
    %dma_start3A_988 = tpu.memref_slice %arg6[%dma_start3A_977, %dma_start3A_986, %dma_start3A_987] : memref<2x4x10000xf32, #tpu.memory_space<vmem>> -> memref<1x4x10000xf32, #tpu.memory_space<vmem>>
    %dma_start3A_989 = tpu.memref_squeeze %dma_start3A_988 : memref<1x4x10000xf32, #tpu.memory_space<vmem>> -> memref<4x10000xf32, #tpu.memory_space<vmem>>
    tpu.enqueue_dma source(%dma_start3A_989 : memref<4x10000xf32, #tpu.memory_space<vmem>>) target(%dma_start3A_985 : memref<4x10000xf32, #tpu.memory_space<hbm>>) target_semaphore(%arg9 : memref<!tpu.dma_semaphore, #tpu.memory_space<semaphore_mem>>)
    %dma_wait3A_990 = arith.constant 19 : i32
    %dma_wait3A_991 = arith.constant 1 : i32
    %dma_wait3A_992 = arith.constant 0 : i32
    %dma_wait3A_993 = arith.constant 0 : i32
    %dma_wait3A_994 = tpu.memref_slice %arg6[%dma_wait3A_991, %dma_wait3A_992, %dma_wait3A_993] : memref<2x4x10000xf32, #tpu.memory_space<vmem>> -> memref<1x4x10000xf32, #tpu.memory_space<vmem>>
    %dma_wait3A_995 = tpu.memref_squeeze %dma_wait3A_994 : memref<1x4x10000xf32, #tpu.memory_space<vmem>> -> memref<4x10000xf32, #tpu.memory_space<vmem>>
    %dma_wait3A_996 = arith.constant 0 : i32
    %dma_wait3A_997 = tpu.memref_slice %arg5[%dma_wait3A_990, %dma_wait3A_996] : memref<20x8xi32, #tpu.memory_space<vmem>> -> memref<1x4xi32, #tpu.memory_space<vmem>>
    %dma_wait3A_998 = tpu.memref_squeeze %dma_wait3A_997 : memref<1x4xi32, #tpu.memory_space<vmem>> -> memref<4xi32, #tpu.memory_space<vmem>>
    %dma_wait3A_999 = arith.constant 0 : i32
    %dma_wait3A_1000 = arith.constant 0 : i32
    %dma_wait3A_1001 = tpu.memref_slice %arg2[%dma_wait3A_999, %dma_wait3A_1000] : memref<10000x10000xf32, #tpu.memory_space<hbm>> -> memref<10000x10000xf32, #tpu.memory_space<hbm>>
    tpu.wait_indirect_dma semaphore(%arg8 : memref<!tpu.dma_semaphore, #tpu.memory_space<semaphore_mem>>) src(%dma_wait3A_1001 : memref<10000x10000xf32, #tpu.memory_space<hbm>>) dst(%dma_wait3A_995 : memref<4x10000xf32, #tpu.memory_space<vmem>>)
    %add3A_1002 = arith.constant 76 : i32
    %add3A_1003 = arith.addi %mul3A_2, %add3A_1002 : i32
    %dma_start3A_1004 = arith.constant 1 : i32
    %dma_start3A_1005 = arith.constant 0 : i32
    %dma_start3A_1006 = arith.constant 0 : i32
    %dma_start3A_1007 = tpu.memref_slice %arg6[%dma_start3A_1004, %dma_start3A_1005, %dma_start3A_1006] : memref<2x4x10000xf32, #tpu.memory_space<vmem>> -> memref<1x4x10000xf32, #tpu.memory_space<vmem>>
    %dma_start3A_1008 = tpu.memref_squeeze %dma_start3A_1007 : memref<1x4x10000xf32, #tpu.memory_space<vmem>> -> memref<4x10000xf32, #tpu.memory_space<vmem>>
    %dma_start3A_1009 = arith.constant 0 : i32
    %dma_start3A_1010 = tpu.memref_slice %arg4[%add3A_1003, %dma_start3A_1009] : memref<2560x10000xf32, #tpu.memory_space<hbm>> -> memref<4x10000xf32, #tpu.memory_space<hbm>>
    %dma_start3A_1011 = arith.constant 0 : i32
    %dma_start3A_1012 = tpu.memref_slice %arg4[%add3A_1003, %dma_start3A_1011] : memref<2560x10000xf32, #tpu.memory_space<hbm>> -> memref<4x10000xf32, #tpu.memory_space<hbm>>
    %dma_start3A_1013 = arith.constant 0 : i32
    %dma_start3A_1014 = arith.constant 0 : i32
    %dma_start3A_1015 = tpu.memref_slice %arg6[%dma_start3A_1004, %dma_start3A_1013, %dma_start3A_1014] : memref<2x4x10000xf32, #tpu.memory_space<vmem>> -> memref<1x4x10000xf32, #tpu.memory_space<vmem>>
    %dma_start3A_1016 = tpu.memref_squeeze %dma_start3A_1015 : memref<1x4x10000xf32, #tpu.memory_space<vmem>> -> memref<4x10000xf32, #tpu.memory_space<vmem>>
    tpu.enqueue_dma source(%dma_start3A_1016 : memref<4x10000xf32, #tpu.memory_space<vmem>>) target(%dma_start3A_1012 : memref<4x10000xf32, #tpu.memory_space<hbm>>) target_semaphore(%arg10 : memref<!tpu.dma_semaphore, #tpu.memory_space<semaphore_mem>>)
    %dma_wait3A_1017 = arith.constant 0 : i32
    %dma_wait3A_1018 = arith.constant 0 : i32
    %dma_wait3A_1019 = arith.constant 0 : i32
    %dma_wait3A_1020 = tpu.memref_slice %arg6[%dma_wait3A_1017, %dma_wait3A_1018, %dma_wait3A_1019] : memref<2x4x10000xf32, #tpu.memory_space<vmem>> -> memref<1x4x10000xf32, #tpu.memory_space<vmem>>
    %dma_wait3A_1021 = tpu.memref_squeeze %dma_wait3A_1020 : memref<1x4x10000xf32, #tpu.memory_space<vmem>> -> memref<4x10000xf32, #tpu.memory_space<vmem>>
    %dma_wait3A_1022 = arith.constant 0 : i32
    %dma_wait3A_1023 = tpu.memref_slice %arg4[%add3A_976, %dma_wait3A_1022] : memref<2560x10000xf32, #tpu.memory_space<hbm>> -> memref<4x10000xf32, #tpu.memory_space<hbm>>
    %dma_wait3A_1024 = arith.constant 0 : i32
    %dma_wait3A_1025 = tpu.memref_slice %arg4[%add3A_976, %dma_wait3A_1024] : memref<2560x10000xf32, #tpu.memory_space<hbm>> -> memref<4x10000xf32, #tpu.memory_space<hbm>>
    %dma_wait3A_1026 = arith.constant 0 : i32
    %dma_wait3A_1027 = arith.constant 0 : i32
    %dma_wait3A_1028 = tpu.memref_slice %arg6[%dma_wait3A_1017, %dma_wait3A_1026, %dma_wait3A_1027] : memref<2x4x10000xf32, #tpu.memory_space<vmem>> -> memref<1x4x10000xf32, #tpu.memory_space<vmem>>
    %dma_wait3A_1029 = tpu.memref_squeeze %dma_wait3A_1028 : memref<1x4x10000xf32, #tpu.memory_space<vmem>> -> memref<4x10000xf32, #tpu.memory_space<vmem>>
    tpu.wait_dma2 semaphore(%arg9 : memref<!tpu.dma_semaphore, #tpu.memory_space<semaphore_mem>>) src(%dma_wait3A_1029 : memref<4x10000xf32, #tpu.memory_space<vmem>>) dst(%dma_wait3A_1025 : memref<4x10000xf32, #tpu.memory_space<hbm>>)
    %dma_wait3A_1030 = arith.constant 1 : i32
    %dma_wait3A_1031 = arith.constant 0 : i32
    %dma_wait3A_1032 = arith.constant 0 : i32
    %dma_wait3A_1033 = tpu.memref_slice %arg6[%dma_wait3A_1030, %dma_wait3A_1031, %dma_wait3A_1032] : memref<2x4x10000xf32, #tpu.memory_space<vmem>> -> memref<1x4x10000xf32, #tpu.memory_space<vmem>>
    %dma_wait3A_1034 = tpu.memref_squeeze %dma_wait3A_1033 : memref<1x4x10000xf32, #tpu.memory_space<vmem>> -> memref<4x10000xf32, #tpu.memory_space<vmem>>
    %dma_wait3A_1035 = arith.constant 0 : i32
    %dma_wait3A_1036 = tpu.memref_slice %arg4[%add3A_1003, %dma_wait3A_1035] : memref<2560x10000xf32, #tpu.memory_space<hbm>> -> memref<4x10000xf32, #tpu.memory_space<hbm>>
    %dma_wait3A_1037 = arith.constant 0 : i32
    %dma_wait3A_1038 = tpu.memref_slice %arg4[%add3A_1003, %dma_wait3A_1037] : memref<2560x10000xf32, #tpu.memory_space<hbm>> -> memref<4x10000xf32, #tpu.memory_space<hbm>>
    %dma_wait3A_1039 = arith.constant 0 : i32
    %dma_wait3A_1040 = arith.constant 0 : i32
    %dma_wait3A_1041 = tpu.memref_slice %arg6[%dma_wait3A_1030, %dma_wait3A_1039, %dma_wait3A_1040] : memref<2x4x10000xf32, #tpu.memory_space<vmem>> -> memref<1x4x10000xf32, #tpu.memory_space<vmem>>
    %dma_wait3A_1042 = tpu.memref_squeeze %dma_wait3A_1041 : memref<1x4x10000xf32, #tpu.memory_space<vmem>> -> memref<4x10000xf32, #tpu.memory_space<vmem>>
    tpu.wait_dma2 semaphore(%arg10 : memref<!tpu.dma_semaphore, #tpu.memory_space<semaphore_mem>>) src(%dma_wait3A_1042 : memref<4x10000xf32, #tpu.memory_space<vmem>>) dst(%dma_wait3A_1038 : memref<4x10000xf32, #tpu.memory_space<hbm>>)
    return
  }
}

</mosaic_0001>

<sc_bundles>
// kernel: _sc_stage.3.cloned.1.call-start
scs
__scs_entry_jumppad:
0x0: {  	(pc) =	sbr.rel $0x88, $3  }
0x1: {  	(tag) =	ssettag $0x0;
	lr =	simm.s32 $0x1  }
0x2: {  	[smem:$0x3F9F] =	sst lr;
	_ =	strace $0xD0000000  }
0x3: {  	_ = 	snop  }
0x4: {  	_ = 	snop  }
0x5: {  	_ = 	snop  }
0x6: {  	_ = 	snop  }
0x7: {  	_ = 	snop  }
__scs_overlays_trampoline_lowered:
0x8: {  	[smem:$0x3FAE] =	sst s0  }
0x9: {  	[smem:$0x3FAF] =	sst s1  }
0xa: {  	[smem:$0x3FB0] =	sst s2  }
0xb: {  	[smem:$0x3FB1] =	sst s3  }
0xc: {  	[smem:$0x3FB2] =	sst s4  }
0xd: {  	[smem:$0x3FB3] =	sst s5  }
0xe: {  	[smem:$0x3FB4] =	sst s6  }
0xf: {  	[smem:$0x3FB5] =	sst s7  }
0x10: {  	[smem:$0x3FB6] =	sst s8  }
0x11: {  	[smem:$0x3FB7] =	sst s9;
	s0 =	simm.s32 @!p0 $0x0  }
0x12: {  	s1 =	sld [smem:$0x3F9D];
	s0 =	simm.s32 @p0 $0x1  }
0x13: {  	[smem:$0x3FB8] =	sst s0;
	s0 =	simm.s32 @!p1 $0x0  }
0x14: {  	s2 =	sld [smem:$0x3F9C];
	s0 =	simm.s32 @p1 $0x1  }
0x15: {  	[smem:$0x3FB9] =	sst s0;
	s0 =	simm.s32 @!p2 $0x0  }
0x16: {  	s3 =	sld [smem:$0x3FDB];
	s0 =	simm.s32 @p2 $0x1  }
0x17: {  	s4 =	simm.s32 $0x1BF5;
	[smem:$0x3FBB] =	sst s0  }
0x18: {  	s0 =	sld [smem:$0x3F9E];
	_ =	swait.ge [sflag:s4], $0x0  }
0x19: {  	s7 =	sld [smem:$0x3F9F]  }
0x1a: {  	s8 =	sadd.s32 $0xFFFFE003, lr  }
0x1b: {  	s9 =	sadd.s32 $0xFFFFFEF7, lr;
	s5 =	simm.s32 $0xFFFFFFFF;
	p2 =	slt.u32 s8, $0xFFFFF086  }
0x1c: {  	p1 =	slt.u32 s9, $0xF7A;
	s5 =	simm.s32 @!p2 $0x0  }
0x1d: {  	s5 =	simm.s32 @p1 $0x1;
	p0 =	seq.s32 s7, s2  }
0x1e: {  	s7 =	smul.u32 @!p0 $0xF7A, s2;
	p2 =	seq.s32 @!p0 s5, $0x0  }
0x1f: {  	s9 =	smul.u32 $0xF7A, s1;
	s8 =	simm.s32 @!p0 $0x1BF5;
	p2 =	por !p2, p0  }
0x20: {  	[sflag:s8] =	ssyncset.s32 @!p0 $0xFFFFF086;
	s6 =	sadd.s32 @!p0 s3, s7;
	s7 =	simm.s32 @!p0 $0x108  }
0x21: {  	s3 =	sadd.s32 s3, s9;
	s6 =	sadd.s32 @!p0 $0x88, s6;
	s7 =	simm.s32 @p2 $0x1082  }
0x22: {  	[simem:s7], [sflag:s8] =	dma.local @!p0 [hbm:s6], $0xF7A  }
0x23: {  	s9 =	sor.u32 $0xD0000000, s2;
	s6 =	simm.s32 $0x108;
	_ =	swait.ge @!p0 [sflag:s8], $0x0  }
0x24: {  	s3 =	sadd.s32 $0x88, s3;
	s6 =	simm.s32 @!p1 $0x1082;
	[sflag:s4] =	ssyncset.s32 $0xFFFFF086  }
0x25: {  	[simem:s6], [sflag:s4] =	dma.local [hbm:s3], $0xF7A  }
0x26: {  	[smem:$0x3F9F] =	sst s1;
	(tag) =	ssettag s2;
	_ =	strace s9  }
0x27: {  	s1 =	sld [smem:$0x3FAF]  }
0x28: {  	s2 =	sld [smem:$0x3FB0]  }
0x29: {  	s4 =	sld [smem:$0x3FB2]  }
0x2a: {  	p0 =	seq.s32 s5, $0x0;
	s5 =	sld [smem:$0x3FB3]  }
0x2b: {  	s6 =	sld [smem:$0x3FB4]  }
0x2c: {  	s7 =	sld [smem:$0x3FB5]  }
0x2d: {  	s3 =	simm.s32 $0x108;
	s8 =	sld [smem:$0x3FB6]  }
0x2e: {  	s3 =	simm.s32 @!p0 $0x1082;
	s9 =	sld [smem:$0x3FB7]  }
0x2f: {  	lr =	sadd.s32 s0, s3;
	s0 =	sld [smem:$0x3FAE]  }
0x30: {  	s3 =	sld [smem:$0x3FB1]  }
0x31: {  	[smem:$0x3FBA] =	sst s10  }
0x32: {  	s10 =	sld [smem:$0x3FB8];
	_ =	sdelay $0x3  }
0x33: {  	p0 =	seq.s32 s10, $0x1;
	s10 =	sld [smem:$0x3FBA];
	_ =	sdelay $0x3  }
0x34: {  	[smem:$0x3FBA] =	sst s10  }
0x35: {  	s10 =	sld [smem:$0x3FB9];
	_ =	sdelay $0x3  }
0x36: {  	p1 =	seq.s32 s10, $0x1;
	s10 =	sld [smem:$0x3FBA];
	_ =	sdelay $0x3  }
0x37: {  	[smem:$0x3FBA] =	sst s10  }
0x38: {  	s10 =	sld [smem:$0x3FBB]  }
0x39: {  	_ = 	snop;
	(pc) =	sbr.ind lr, $3  }
0x3a: {  	_ = 	snop  }
0x3b: {  	_ = 	snop  }
0x3c: {  	p2 =	seq.s32 s10, $0x1;
	s10 =	sld [smem:$0x3FBA]  }
0x3d: {  	_ =	shalt  }
0x3e: {  	_ =	shalt  }
0x3f: {  	_ =	shalt  }
0x40: {  	_ =	shalt  }
0x41: {  	_ =	shalt  }
0x42: {  	_ =	shalt  }
0x43: {  	_ =	shalt  }
0x44: {  	_ =	shalt  }
0x45: {  	_ =	shalt  }
0x46: {  	_ =	shalt  }
0x47: {  	_ =	shalt  }
0x48: {  	_ =	shalt  }
0x49: {  	_ =	shalt  }
0x4a: {  	_ =	shalt  }
0x4b: {  	_ =	shalt  }
0x4c: {  	_ =	shalt  }
0x4d: {  	_ =	shalt  }
0x4e: {  	_ =	shalt  }
0x4f: {  	_ =	shalt  }
0x50: {  	_ =	shalt  }
0x51: {  	_ =	shalt  }
0x52: {  	_ =	shalt  }
0x53: {  	_ =	shalt  }
0x54: {  	_ =	shalt  }
0x55: {  	_ =	shalt  }
0x56: {  	_ =	shalt  }
0x57: {  	_ =	shalt  }
0x58: {  	_ =	shalt  }
0x59: {  	_ =	shalt  }
0x5a: {  	_ =	shalt  }
0x5b: {  	_ =	shalt  }
0x5c: {  	_ =	shalt  }
0x5d: {  	_ =	shalt  }
0x5e: {  	_ =	shalt  }
0x5f: {  	_ =	shalt  }
0x60: {  	_ =	shalt  }
0x61: {  	_ =	shalt  }
0x62: {  	_ =	shalt  }
0x63: {  	_ =	shalt  }
0x64: {  	_ =	shalt  }
0x65: {  	_ =	shalt  }
0x66: {  	_ =	shalt  }
0x67: {  	_ =	shalt  }
0x68: {  	_ =	shalt  }
0x69: {  	_ =	shalt  }
0x6a: {  	_ =	shalt  }
0x6b: {  	_ =	shalt  }
0x6c: {  	_ =	shalt  }
0x6d: {  	_ =	shalt  }
0x6e: {  	_ =	shalt  }
0x6f: {  	_ =	shalt  }
0x70: {  	_ =	shalt  }
0x71: {  	_ =	shalt  }
0x72: {  	_ =	shalt  }
0x73: {  	_ =	shalt  }
0x74: {  	_ =	shalt  }
0x75: {  	_ =	shalt  }
0x76: {  	_ =	shalt  }
0x77: {  	_ =	shalt  }
0x78: {  	_ =	shalt  }
0x79: {  	_ =	shalt  }
0x7a: {  	_ =	shalt  }
0x7b: {  	_ =	shalt  }
0x7c: {  	_ =	shalt  }
0x7d: {  	_ =	shalt  }
0x7e: {  	_ =	shalt  }
0x7f: {  	_ =	shalt  }
0x80: {  	_ =	shalt  }
0x81: {  	_ =	shalt  }
0x82: {  	_ =	shalt  }
0x83: {  	_ =	shalt  }
0x84: {  	_ =	shalt  }
0x85: {  	_ =	shalt  }
0x86: {  	_ =	shalt  }
0x87: {  	_ =	shalt  }
.Lfunc_end0:
.L_simem_size_0:
called_computation.1_lowered:
.L_overlay_start_0:
0x88: {  	s2 =	sld [smem:$0x3FD9]  }
0x89: {  	s3 =	sld [smem:$0x3FFE];
	_ =	sdelay $0x1  }
0x8a: {  	s1 =	srdreg.scid  }
0x8b: {  	s0 =	sand.u32 $0x1, s1  }
0x8c: {  	s17 =	sshll.u32 s0, $0xA;
	s2 =	sadd.s32 s3, s2  }
0x8d: {  	s2 =	sadd.s32 s2, s17  }
0x8e: {  	[smem:$0x3FC6] =	sst s2  }
0x8f: {  	_ = 	snop  }
0x90: {  	s2 =	sld [smem:$0x3FD0];
	(tm) =	ssettm $0x1  }
0x91: {  	s18 =	sld [smem:$0x3FFB];
	_ =	sdelay $0x3  }
0x92: {  	_ =	strace s18  }
0x93: {  	s3 =	sld [smem:$0x3FFC];
	_ =	sdelay $0x3  }
0x94: {  	_ =	strace s3  }
0x95: {  	s3 =	sld [smem:$0x3FFD];
	_ =	sdelay $0x3  }
0x96: {  	_ =	strace s3  }
0x97: {  	_ =	strace $0x8FFFFFFF  }
0x98: {  	s19 =	sld [smem:$0x3FDB];
	_ =	sdelay $0x1  }
0x99: {  	s4 =	simm.s32 $_scs_section_size  }
0x9a: {  	s5 =	simm.s32 $_size__tile_overlayer_lowered;
	s6 =	simm.s32 $_tile_overlayer_lowered  }
0x9b: {  	s22 =	simm.s32 $0x1BFF;
	s21 =	sshll.u32 s6, $0x1;
	s3 =	sadd.s32 s4, s19  }
0x9c: {  	s7 =	simm.s32 $0x0;
	s20 =	sshll.u32 s5, $0x1;
	s5 =	sadd.s32 s21, s3  }
0x9d: {  	[timem:s7], [sflag:s22] =	dma.local [hbm:s5], s20  }
0x9e: {  	_ =	swait.ge [sflag:s22], s20  }
0x9f: {  	s4 =	ssub.s32 $0x0, s20;
	[sflag:s22] =	ssyncset.done $0x0  }
0xa0: {  	[sflag:s22] =	ssyncadd.s32 s4;
	_ =	sdelay $0x1  }
0xa1: {  	s23 =	simm.s32 $0x1B8B  }
0xa2: {  	_ =	swait.ge [sflag:s23], $0x1  }
0xa3: {  	[sflag:s23] =	ssyncset.done $0x0  }
0xa4: {  	s25 =	simm.s32 $0x1B8E;
	s24 =	sld [smem:$0x3FFE];
	[sflag:s23] =	ssyncadd.s32 $0xFFFFFFFF  }
0xa5: {  	s26 =	simm.s32 $execute0_lowered;
	[smem:$0x3FD2] =	sst s25  }
0xa6: {  	s5 =	sshll.u32 s26, $0x1;
	_ =	strace $0x80000046;
	[dreg:$0x1] =	wrdreg $0xFFFFFFFF  }
0xa7: {  	s28 =	simm.s32 $_size_execute0_lowered;
	s3 =	sadd.s32 s3, s5;
	[dreg:$0x0] =	wrdreg $0x0  }
0xa8: {  	s5 =	sshll.u32 s28, $0x1;
	[dreg:$0x2] =	wrdreg s3  }
0xa9: {  	[dreg:$0x3] =	wrdreg s5  }
0xaa: {  	[dreg:$0x4] =	wrdreg $0xC0  }
0xab: {  	_ =	task [dreg:s7], $0x5FFFF  }
0xac: {  	[dreg:$0x1] =	wrdreg $0xFFFFFFFF  }
0xad: {  	[dreg:$0x0] =	wrdreg $0x60  }
0xae: {  	[dreg:$0x2] =	wrdreg s24  }
0xaf: {  	[dreg:$0x3] =	wrdreg s2  }
0xb0: {  	[dreg:$0x4] =	wrdreg $0x9  }
0xb1: {  	_ =	task.clear_ibuf [dreg:s7], $0x5FFFF;
	_ =	strace $0x90000046  }
0xb2: {  	s29 =	simm.s32 $0x9;
	_ =	strace $0x80000048  }
0xb3: {  	_ =	swait.ge [sflag:s29], $0x1  }
0xb4: {  	[sflag:s29] =	ssyncadd.s32 $0xFFFFFFFF  }
0xb5: {  	_ =	strace $0x90000048  }
0xb6: {  	_ =	sfence  }
0xb7: {  	s30 =	sld [smem:$0x0];
	_ =	sdelay $0x2  }
0xb8: {  	s31 =	sshll.u32 s1, $0xD;
	s1 =	sshrl.u32 s1, $0x2  }
0xb9: {  	s3 =	sand.u32 $0x4000, s31;
	s1 =	sadd.s32 s1, s30  }
0xba: {  	s0 =	sor.u32 s3, s0;
	s1 =	sshll.u32 s1, $0x11  }
0xbb: {  	s0 =	sor.u32 s1, s0  }
0xbc: {  	s0 =	sadd.s32 $0x8F2B, s0  }
0xbd: {  	[sflag:s0] =	ssyncadd.remote.s32 $0x1  }
0xbe: {  	_ =	sfence.sel $0xFFFF  }
0xbf: {  	[dreg:$0x0] =	wrdreg $0xFFFFFFFF;
	(pc) =	sbr.abs _section_cstart, $3  }
0xc0: {  	[dreg:$0x1] =	wrdreg $0xFFFFFFFF  }
0xc1: {  	_ =	task.clear_ibuf [dreg:s7], $0x2FFFF;
	_ =	strace $0x9FFFFFFF  }
0xc2: {  	(tm) =	ssettm $0x7FFFFFFF  }
0xc3: {  	_ =	shalt  }
tec
execute0_lowered:
.L_overlay_start_1:
0x0: {  	(tag) =	ssettag $0x1  }
0x1: {  	s0 =	srdreg.scid;
	s1 =	stileid.u32  }
0x2: {  	s0 =	sand.u32 $0x1, s0;
	s1 =	sshll.u32 s1, $0x1  }
0x3: {  	s1 =	sor.u32 s0, s1  }
0x4: {  	s5 =	smul.u32 $0x14, s1  }
0x5: {  	s3 =	rddreg [dreg:$0x0];
	s2 =	simm.s32 $0x0;
	s6 =	smul.u32 $0xC3500, s1  }
0x6: {  	[smem:$0x7FF] =	sst s2;
	s1 =	smul.u32 $0x186A0, s1  }
0x7: {  	s4 =	rddreg [dreg:$0x1];
	_ =	strace $0x80000047  }
0x8: {  	s5 =	sadd.s32 s5, s3;
	s6 =	sshrl.u32 s6, $0x3;
	s1 =	sadd.s32 s4, s1  }
0x9: {  	s5 =	sadd.s32 $0x800, s5;
	s4 =	sadd.s32 s4, s6;
	[dreg:$0x4] =	wrdreg s1  }
0xa: {  	[dreg:$0x3] =	wrdreg s5;
	s8 =	sadd.s32 $0x1388, s4  }
0xb: {  	s31 =	simm.s32 $0x5;
	s9 =	sadd.s32 $0x2710, s4;
	[dreg:$0x5] =	wrdreg s8  }
0xc: {  	s30 =	simm.s32 $0x8;
	s10 =	sadd.s32 $0x3A98, s4;
	[dreg:$0x6] =	wrdreg s9  }
0xd: {  	s7 =	simm.s32 $0x9CE0;
	s11 =	sadd.s32 $0x4E20, s4;
	[dreg:$0x7] =	wrdreg s10  }
0xe: {  	s29 =	simm.s32 $0x10;
	s12 =	sadd.s32 $0x61A8, s4;
	[dreg:$0x8] =	wrdreg s11  }
0xf: {  	s28 =	simm.s32 $0x18;
	s13 =	sadd.s32 $0x7530, s4;
	[dreg:$0x9] =	wrdreg s12  }
0x10: {  	p0 =	por $0x0, $0x0;
	s14 =	sadd.s32 $0x88B8, s4;
	[dreg:$0xa] =	wrdreg s13  }
0x11: {  	s0 =	ssub.s32 $0x2, s0;
	s15 =	sadd.s32 $0x9C40, s4;
	[dreg:$0xb] =	wrdreg s14  }
0x12: {  	s24 =	sshrl.u32 s0, $0x1;
	s16 =	sadd.s32 $0xAFC8, s4;
	[dreg:$0xc] =	wrdreg s15  }
0x13: {  	s0 =	ssub.s32 s0, s24;
	s17 =	sadd.s32 $0xC350, s4;
	[dreg:$0xd] =	wrdreg s16  }
0x14: {  	s24 =	simm.s32 $0x30;
	s18 =	sadd.s32 $0xD6D8, s4;
	[dreg:$0xe] =	wrdreg s17  }
0x15: {  	s3 =	sadd.s32 $0xC00, s3;
	s19 =	sadd.s32 $0xEA60, s4;
	[dreg:$0xf] =	wrdreg s18  }
0x16: {  	s0 =	smax.u32 s0, $0x1;
	s20 =	sadd.s32 $0xFDE8, s4;
	[dreg:$0x10] =	wrdreg s19  }
0x17: {  	s6 =	simm.s32 $0x3;
	s21 =	sadd.s32 $0x11170, s4;
	[dreg:$0x11] =	wrdreg s20  }
0x18: {  	p1 =	sne.s32 s0, $0x1;
	s22 =	sadd.s32 $0x124F8, s4;
	[dreg:$0x12] =	wrdreg s21  }
0x19: {  	s1 =	sadd.s32 $0xFFFFFFFF, s0;
	s23 =	sadd.s32 $0x13880, s4;
	[dreg:$0x13] =	wrdreg s22  }
0x1a: {  	s25 =	sadd.s32 $0x14C08, s4;
	s26 =	sadd.s32 $0x15F90, s4;
	[dreg:$0x14] =	wrdreg s23  }
0x1b: {  	s5 =	sadd.s32 $0x17318, s4;
	s4 =	simm.s32 $0x4;
	[dreg:$0x15] =	wrdreg s25  }
0x1c: {  	[dreg:$0x16] =	wrdreg s26;
	s8 =	simm.s32 $0xA0;
	s10 =	simm.s32 $0x1  }
0x1d: {  	s9 =	simm.s32 $0x2;
	s26 =	simm.s32 $0x20;
	s25 =	simm.s32 $0x28  }
.Ltmp0:
0x1e: {  	s23 =	simm.s32 $0x38;
	s22 =	simm.s32 $0x40;
	(pc) =	sbr.rel @!p1 .LBB2_3-.Ltmp0, $4  }
0x1f: {  	s21 =	simm.s32 $0x48;
	s20 =	simm.s32 $0x50;
	s19 =	simm.s32 $0x58  }
0x20: {  	s18 =	simm.s32 $0x60;
	s17 =	simm.s32 $0x68;
	s16 =	simm.s32 $0x70  }
0x21: {  	s15 =	simm.s32 $0x78;
	s14 =	simm.s32 $0x80;
	s13 =	simm.s32 $0x88  }
0x22: {  	s12 =	simm.s32 $0x90;
	s11 =	simm.s32 $0x98;
	s0 =	rddreg [dreg:$0x3]  }
0x23: {  	[tilespmem:s2], [sflag:$0x5] =	stream.linear.gather [hbm4b:s0+s2], $0xA0, $0x38;
	[tilespmem:$0x13920] =	vst v63  }
0x24: {  	_ =	swait.ge [sflag:s31], $0xA0  }
0x25: {  	[sflag:s31] =	ssyncset.done $0x0  }
0x26: {  	[sflag:s31] =	ssyncadd.s32 $0xFFFFFF60  }
0x27: {  	[tilespmem:s8], [sflag:$0x1] =	stream.indirect.gather [hbm4b:s3+s4], $0x2710, s2, s4, $0xb8;
	[tilespmem:$0x13920] =	vst v63  }
0x28: {  	_ =	swait.ge [sflag:s10], $0x9C40  }
0x29: {  	[sflag:s10] =	ssyncset.done $0x0  }
0x2a: {  	[sflag:s10] =	ssyncadd.s32 $0xFFFF63C0  }
0x2b: {  	[tilespmem:s7], [sflag:$0x2] =	stream.indirect.gather [hbm4b:s3+s4], $0x2710, s30, s4, $0xb8;
	[tilespmem:$0x13920] =	vst v63  }
0x2c: {  	s0 =	rddreg [dreg:$0x4]  }
0x2d: {  	[hbm4b:s0+s2] =	stream.linear.scatter [tilespmem:s8], [sflag:$0x3], $0x9C40, $0x38;
	[tilespmem:$0x13920] =	vst v63  }
0x2e: {  	_ =	swait.ge [sflag:s9], $0x9C40  }
0x2f: {  	[sflag:s9] =	ssyncset.done $0x0  }
0x30: {  	[sflag:s9] =	ssyncadd.s32 $0xFFFF63C0  }
0x31: {  	_ =	swait.ge [sflag:s6], $0x9C40  }
0x32: {  	[sflag:s6] =	ssyncset.done $0x0  }
0x33: {  	[sflag:s6] =	ssyncadd.s32 $0xFFFF63C0  }
0x34: {  	[tilespmem:s8], [sflag:$0x1] =	stream.indirect.gather [hbm4b:s3+s4], $0x2710, s29, s4, $0xb8;
	[tilespmem:$0x13920] =	vst v63  }
0x35: {  	s0 =	rddreg [dreg:$0x5]  }
0x36: {  	[hbm4b:s0+s2] =	stream.linear.scatter [tilespmem:s7], [sflag:$0x4], $0x9C40, $0x38;
	[tilespmem:$0x13920] =	vst v63  }
0x37: {  	_ =	swait.ge [sflag:s10], $0x9C40  }
0x38: {  	[sflag:s10] =	ssyncset.done $0x0  }
0x39: {  	[sflag:s10] =	ssyncadd.s32 $0xFFFF63C0  }
0x3a: {  	_ =	swait.ge [sflag:s4], $0x9C40  }
0x3b: {  	[sflag:s4] =	ssyncset.done $0x0  }
0x3c: {  	[sflag:s4] =	ssyncadd.s32 $0xFFFF63C0  }
0x3d: {  	[tilespmem:s7], [sflag:$0x2] =	stream.indirect.gather [hbm4b:s3+s4], $0x2710, s28, s4, $0xb8;
	[tilespmem:$0x13920] =	vst v63  }
0x3e: {  	s0 =	rddreg [dreg:$0x6]  }
0x3f: {  	[hbm4b:s0+s2] =	stream.linear.scatter [tilespmem:s8], [sflag:$0x3], $0x9C40, $0x38;
	[tilespmem:$0x13920] =	vst v63  }
0x40: {  	_ =	swait.ge [sflag:s9], $0x9C40  }
0x41: {  	[sflag:s9] =	ssyncset.done $0x0  }
0x42: {  	[sflag:s9] =	ssyncadd.s32 $0xFFFF63C0  }
0x43: {  	_ =	swait.ge [sflag:s6], $0x9C40  }
0x44: {  	[sflag:s6] =	ssyncset.done $0x0  }
0x45: {  	[sflag:s6] =	ssyncadd.s32 $0xFFFF63C0  }
0x46: {  	[tilespmem:s8], [sflag:$0x1] =	stream.indirect.gather [hbm4b:s3+s4], $0x2710, s26, s4, $0xb8;
	[tilespmem:$0x13920] =	vst v63  }
0x47: {  	s0 =	rddreg [dreg:$0x7]  }
0x48: {  	[hbm4b:s0+s2] =	stream.linear.scatter [tilespmem:s7], [sflag:$0x4], $0x9C40, $0x38;
	[tilespmem:$0x13920] =	vst v63  }
0x49: {  	_ =	swait.ge [sflag:s10], $0x9C40  }
0x4a: {  	[sflag:s10] =	ssyncset.done $0x0  }
0x4b: {  	[sflag:s10] =	ssyncadd.s32 $0xFFFF63C0  }
0x4c: {  	_ =	swait.ge [sflag:s4], $0x9C40  }
0x4d: {  	[sflag:s4] =	ssyncset.done $0x0  }
0x4e: {  	[sflag:s4] =	ssyncadd.s32 $0xFFFF63C0  }
0x4f: {  	[tilespmem:s7], [sflag:$0x2] =	stream.indirect.gather [hbm4b:s3+s4], $0x2710, s25, s4, $0xb8;
	[tilespmem:$0x13920] =	vst v63  }
0x50: {  	s0 =	rddreg [dreg:$0x8]  }
0x51: {  	[hbm4b:s0+s2] =	stream.linear.scatter [tilespmem:s8], [sflag:$0x3], $0x9C40, $0x38;
	[tilespmem:$0x13920] =	vst v63  }
0x52: {  	_ =	swait.ge [sflag:s9], $0x9C40  }
0x53: {  	[sflag:s9] =	ssyncset.done $0x0  }
0x54: {  	[sflag:s9] =	ssyncadd.s32 $0xFFFF63C0  }
0x55: {  	_ =	swait.ge [sflag:s6], $0x9C40  }
0x56: {  	[sflag:s6] =	ssyncset.done $0x0  }
0x57: {  	[sflag:s6] =	ssyncadd.s32 $0xFFFF63C0  }
0x58: {  	[tilespmem:s8], [sflag:$0x1] =	stream.indirect.gather [hbm4b:s3+s4], $0x2710, s24, s4, $0xb8;
	[tilespmem:$0x13920] =	vst v63  }
0x59: {  	s0 =	rddreg [dreg:$0x9]  }
0x5a: {  	[hbm4b:s0+s2] =	stream.linear.scatter [tilespmem:s7], [sflag:$0x4], $0x9C40, $0x38;
	[tilespmem:$0x13920] =	vst v63  }
0x5b: {  	_ =	swait.ge [sflag:s10], $0x9C40  }
0x5c: {  	[sflag:s10] =	ssyncset.done $0x0  }
0x5d: {  	[sflag:s10] =	ssyncadd.s32 $0xFFFF63C0  }
0x5e: {  	_ =	swait.ge [sflag:s4], $0x9C40  }
0x5f: {  	[sflag:s4] =	ssyncset.done $0x0  }
0x60: {  	[sflag:s4] =	ssyncadd.s32 $0xFFFF63C0  }
0x61: {  	[tilespmem:s7], [sflag:$0x2] =	stream.indirect.gather [hbm4b:s3+s4], $0x2710, s23, s4, $0xb8;
	[tilespmem:$0x13920] =	vst v63  }
0x62: {  	s0 =	rddreg [dreg:$0xa]  }
0x63: {  	[hbm4b:s0+s2] =	stream.linear.scatter [tilespmem:s8], [sflag:$0x3], $0x9C40, $0x38;
	[tilespmem:$0x13920] =	vst v63  }
0x64: {  	_ =	swait.ge [sflag:s9], $0x9C40  }
0x65: {  	[sflag:s9] =	ssyncset.done $0x0  }
0x66: {  	[sflag:s9] =	ssyncadd.s32 $0xFFFF63C0  }
0x67: {  	_ =	swait.ge [sflag:s6], $0x9C40  }
0x68: {  	[sflag:s6] =	ssyncset.done $0x0  }
0x69: {  	[sflag:s6] =	ssyncadd.s32 $0xFFFF63C0  }
0x6a: {  	[tilespmem:s8], [sflag:$0x1] =	stream.indirect.gather [hbm4b:s3+s4], $0x2710, s22, s4, $0xb8;
	[tilespmem:$0x13920] =	vst v63  }
0x6b: {  	s0 =	rddreg [dreg:$0xb]  }
0x6c: {  	[hbm4b:s0+s2] =	stream.linear.scatter [tilespmem:s7], [sflag:$0x4], $0x9C40, $0x38;
	[tilespmem:$0x13920] =	vst v63  }
0x6d: {  	_ =	swait.ge [sflag:s10], $0x9C40  }
0x6e: {  	[sflag:s10] =	ssyncset.done $0x0  }
0x6f: {  	[sflag:s10] =	ssyncadd.s32 $0xFFFF63C0  }
0x70: {  	_ =	swait.ge [sflag:s4], $0x9C40  }
0x71: {  	[sflag:s4] =	ssyncset.done $0x0  }
0x72: {  	[sflag:s4] =	ssyncadd.s32 $0xFFFF63C0  }
0x73: {  	[tilespmem:s7], [sflag:$0x2] =	stream.indirect.gather [hbm4b:s3+s4], $0x2710, s21, s4, $0xb8;
	[tilespmem:$0x13920] =	vst v63  }
0x74: {  	s0 =	rddreg [dreg:$0xc]  }
0x75: {  	[hbm4b:s0+s2] =	stream.linear.scatter [tilespmem:s8], [sflag:$0x3], $0x9C40, $0x38;
	[tilespmem:$0x13920] =	vst v63  }
0x76: {  	_ =	swait.ge [sflag:s9], $0x9C40  }
0x77: {  	[sflag:s9] =	ssyncset.done $0x0  }
0x78: {  	[sflag:s9] =	ssyncadd.s32 $0xFFFF63C0  }
0x79: {  	_ =	swait.ge [sflag:s6], $0x9C40  }
0x7a: {  	[sflag:s6] =	ssyncset.done $0x0  }
0x7b: {  	[sflag:s6] =	ssyncadd.s32 $0xFFFF63C0  }
0x7c: {  	[tilespmem:s8], [sflag:$0x1] =	stream.indirect.gather [hbm4b:s3+s4], $0x2710, s20, s4, $0xb8;
	[tilespmem:$0x13920] =	vst v63  }
0x7d: {  	s0 =	rddreg [dreg:$0xd]  }
0x7e: {  	[hbm4b:s0+s2] =	stream.linear.scatter [tilespmem:s7], [sflag:$0x4], $0x9C40, $0x38;
	[tilespmem:$0x13920] =	vst v63  }
0x7f: {  	_ =	swait.ge [sflag:s10], $0x9C40  }
0x80: {  	[sflag:s10] =	ssyncset.done $0x0  }
0x81: {  	[sflag:s10] =	ssyncadd.s32 $0xFFFF63C0  }
0x82: {  	_ =	swait.ge [sflag:s4], $0x9C40  }
0x83: {  	[sflag:s4] =	ssyncset.done $0x0  }
0x84: {  	[sflag:s4] =	ssyncadd.s32 $0xFFFF63C0  }
0x85: {  	[tilespmem:s7], [sflag:$0x2] =	stream.indirect.gather [hbm4b:s3+s4], $0x2710, s19, s4, $0xb8;
	[tilespmem:$0x13920] =	vst v63  }
0x86: {  	s0 =	rddreg [dreg:$0xe]  }
0x87: {  	[hbm4b:s0+s2] =	stream.linear.scatter [tilespmem:s8], [sflag:$0x3], $0x9C40, $0x38;
	[tilespmem:$0x13920] =	vst v63  }
0x88: {  	_ =	swait.ge [sflag:s9], $0x9C40  }
0x89: {  	[sflag:s9] =	ssyncset.done $0x0  }
0x8a: {  	[sflag:s9] =	ssyncadd.s32 $0xFFFF63C0  }
0x8b: {  	_ =	swait.ge [sflag:s6], $0x9C40  }
0x8c: {  	[sflag:s6] =	ssyncset.done $0x0  }
0x8d: {  	[sflag:s6] =	ssyncadd.s32 $0xFFFF63C0  }
0x8e: {  	[tilespmem:s8], [sflag:$0x1] =	stream.indirect.gather [hbm4b:s3+s4], $0x2710, s18, s4, $0xb8;
	[tilespmem:$0x13920] =	vst v63  }
0x8f: {  	s0 =	rddreg [dreg:$0xf]  }
0x90: {  	[hbm4b:s0+s2] =	stream.linear.scatter [tilespmem:s7], [sflag:$0x4], $0x9C40, $0x38;
	[tilespmem:$0x13920] =	vst v63  }
0x91: {  	_ =	swait.ge [sflag:s10], $0x9C40  }
0x92: {  	[sflag:s10] =	ssyncset.done $0x0  }
0x93: {  	[sflag:s10] =	ssyncadd.s32 $0xFFFF63C0  }
0x94: {  	_ =	swait.ge [sflag:s4], $0x9C40  }
0x95: {  	[sflag:s4] =	ssyncset.done $0x0  }
0x96: {  	[sflag:s4] =	ssyncadd.s32 $0xFFFF63C0  }
0x97: {  	[tilespmem:s7], [sflag:$0x2] =	stream.indirect.gather [hbm4b:s3+s4], $0x2710, s17, s4, $0xb8;
	[tilespmem:$0x13920] =	vst v63  }
0x98: {  	s0 =	rddreg [dreg:$0x10]  }
0x99: {  	[hbm4b:s0+s2] =	stream.linear.scatter [tilespmem:s8], [sflag:$0x3], $0x9C40, $0x38;
	[tilespmem:$0x13920] =	vst v63  }
0x9a: {  	_ =	swait.ge [sflag:s9], $0x9C40  }
0x9b: {  	[sflag:s9] =	ssyncset.done $0x0  }
0x9c: {  	[sflag:s9] =	ssyncadd.s32 $0xFFFF63C0  }
0x9d: {  	_ =	swait.ge [sflag:s6], $0x9C40  }
0x9e: {  	[sflag:s6] =	ssyncset.done $0x0  }
0x9f: {  	[sflag:s6] =	ssyncadd.s32 $0xFFFF63C0  }
0xa0: {  	[tilespmem:s8], [sflag:$0x1] =	stream.indirect.gather [hbm4b:s3+s4], $0x2710, s16, s4, $0xb8;
	[tilespmem:$0x13920] =	vst v63  }
0xa1: {  	s0 =	rddreg [dreg:$0x11]  }
0xa2: {  	[hbm4b:s0+s2] =	stream.linear.scatter [tilespmem:s7], [sflag:$0x4], $0x9C40, $0x38;
	[tilespmem:$0x13920] =	vst v63  }
0xa3: {  	_ =	swait.ge [sflag:s10], $0x9C40  }
0xa4: {  	[sflag:s10] =	ssyncset.done $0x0  }
0xa5: {  	[sflag:s10] =	ssyncadd.s32 $0xFFFF63C0  }
0xa6: {  	_ =	swait.ge [sflag:s4], $0x9C40  }
0xa7: {  	[sflag:s4] =	ssyncset.done $0x0  }
0xa8: {  	[sflag:s4] =	ssyncadd.s32 $0xFFFF63C0  }
0xa9: {  	[tilespmem:s7], [sflag:$0x2] =	stream.indirect.gather [hbm4b:s3+s4], $0x2710, s15, s4, $0xb8;
	[tilespmem:$0x13920] =	vst v63  }
0xaa: {  	s0 =	rddreg [dreg:$0x12]  }
0xab: {  	[hbm4b:s0+s2] =	stream.linear.scatter [tilespmem:s8], [sflag:$0x3], $0x9C40, $0x38;
	[tilespmem:$0x13920] =	vst v63  }
0xac: {  	_ =	swait.ge [sflag:s9], $0x9C40  }
0xad: {  	[sflag:s9] =	ssyncset.done $0x0  }
0xae: {  	[sflag:s9] =	ssyncadd.s32 $0xFFFF63C0  }
0xaf: {  	_ =	swait.ge [sflag:s6], $0x9C40  }
0xb0: {  	[sflag:s6] =	ssyncset.done $0x0  }
0xb1: {  	[sflag:s6] =	ssyncadd.s32 $0xFFFF63C0  }
0xb2: {  	[tilespmem:s8], [sflag:$0x1] =	stream.indirect.gather [hbm4b:s3+s4], $0x2710, s14, s4, $0xb8;
	[tilespmem:$0x13920] =	vst v63  }
0xb3: {  	s0 =	rddreg [dreg:$0x13]  }
0xb4: {  	[hbm4b:s0+s2] =	stream.linear.scatter [tilespmem:s7], [sflag:$0x4], $0x9C40, $0x38;
	[tilespmem:$0x13920] =	vst v63  }
0xb5: {  	_ =	swait.ge [sflag:s10], $0x9C40  }
0xb6: {  	[sflag:s10] =	ssyncset.done $0x0  }
0xb7: {  	[sflag:s10] =	ssyncadd.s32 $0xFFFF63C0  }
0xb8: {  	_ =	swait.ge [sflag:s4], $0x9C40  }
0xb9: {  	[sflag:s4] =	ssyncset.done $0x0  }
0xba: {  	[sflag:s4] =	ssyncadd.s32 $0xFFFF63C0  }
0xbb: {  	[tilespmem:s7], [sflag:$0x2] =	stream.indirect.gather [hbm4b:s3+s4], $0x2710, s13, s4, $0xb8;
	[tilespmem:$0x13920] =	vst v63  }
0xbc: {  	s0 =	rddreg [dreg:$0x14]  }
0xbd: {  	[hbm4b:s0+s2] =	stream.linear.scatter [tilespmem:s8], [sflag:$0x3], $0x9C40, $0x38;
	[tilespmem:$0x13920] =	vst v63  }
0xbe: {  	_ =	swait.ge [sflag:s9], $0x9C40  }
0xbf: {  	[sflag:s9] =	ssyncset.done $0x0  }
0xc0: {  	[sflag:s9] =	ssyncadd.s32 $0xFFFF63C0  }
0xc1: {  	_ =	swait.ge [sflag:s6], $0x9C40  }
0xc2: {  	[sflag:s6] =	ssyncset.done $0x0  }
0xc3: {  	[sflag:s6] =	ssyncadd.s32 $0xFFFF63C0  }
0xc4: {  	[tilespmem:s8], [sflag:$0x1] =	stream.indirect.gather [hbm4b:s3+s4], $0x2710, s12, s4, $0xb8;
	[tilespmem:$0x13920] =	vst v63  }
0xc5: {  	s0 =	rddreg [dreg:$0x15]  }
0xc6: {  	[hbm4b:s0+s2] =	stream.linear.scatter [tilespmem:s7], [sflag:$0x4], $0x9C40, $0x38;
	[tilespmem:$0x13920] =	vst v63  }
0xc7: {  	_ =	swait.ge [sflag:s10], $0x9C40  }
0xc8: {  	[sflag:s10] =	ssyncset.done $0x0  }
0xc9: {  	[sflag:s10] =	ssyncadd.s32 $0xFFFF63C0  }
0xca: {  	_ =	swait.ge [sflag:s4], $0x9C40  }
0xcb: {  	[sflag:s4] =	ssyncset.done $0x0  }
0xcc: {  	[sflag:s4] =	ssyncadd.s32 $0xFFFF63C0  }
0xcd: {  	[tilespmem:s7], [sflag:$0x2] =	stream.indirect.gather [hbm4b:s3+s4], $0x2710, s11, s4, $0xb8;
	[tilespmem:$0x13920] =	vst v63  }
0xce: {  	s0 =	rddreg [dreg:$0x16]  }
0xcf: {  	[hbm4b:s0+s2] =	stream.linear.scatter [tilespmem:s8], [sflag:$0x3], $0x9C40, $0x38;
	[tilespmem:$0x13920] =	vst v63  }
0xd0: {  	_ =	swait.ge [sflag:s9], $0x9C40  }
0xd1: {  	[sflag:s9] =	ssyncset.done $0x0  }
0xd2: {  	p1 =	sne.s32 s1, $0x1;
	[sflag:s9] =	ssyncadd.s32 $0xFFFF63C0  }
0xd3: {  	[hbm4b:s5+s2] =	stream.linear.scatter [tilespmem:s7], [sflag:$0x4], $0x9C40, $0x38;
	[tilespmem:$0x13920] =	vst v63  }
.Ltmp1:
0xd4: {  	_ =	swait.ge [sflag:s6], $0x9C40;
	(pc) =	sbr.rel @!p1 .LBB2_3-.Ltmp1, $4  }
0xd5: {  	[sflag:s6] =	ssyncset.done $0x0  }
0xd6: {  	[sflag:s6] =	ssyncadd.s32 $0xFFFF63C0  }
0xd7: {  	s1 =	sadd.s32 $0xFFFFFFFF, s1;
	_ =	swait.ge [sflag:s4], $0x9C40  }
0xd8: {  	p0 =	por $0x1, $0x1;
	s0 =	rddreg [dreg:$0x3];
	[sflag:s4] =	ssyncset.done $0x0  }
.LBB2_2:
0xd9: {  	[sflag:s4] =	ssyncadd.s32 $0xFFFF63C0  }
0xda: {  	[tilespmem:s2], [sflag:$0x5] =	stream.linear.gather [hbm4b:s0+s2], $0xA0, $0x38;
	[tilespmem:$0x13920] =	vst v63  }
0xdb: {  	_ =	swait.ge [sflag:s31], $0xA0  }
0xdc: {  	[sflag:s31] =	ssyncset.done $0x0  }
0xdd: {  	[sflag:s31] =	ssyncadd.s32 $0xFFFFFF60  }
0xde: {  	[tilespmem:s8], [sflag:$0x1] =	stream.indirect.gather [hbm4b:s3+s4], $0x2710, s2, s4, $0xb8;
	[tilespmem:$0x13920] =	vst v63  }
0xdf: {  	_ =	swait.ge [sflag:s10], $0x9C40  }
0xe0: {  	[sflag:s10] =	ssyncset.done $0x0  }
0xe1: {  	[sflag:s10] =	ssyncadd.s32 $0xFFFF63C0  }
0xe2: {  	[tilespmem:s7], [sflag:$0x2] =	stream.indirect.gather [hbm4b:s3+s4], $0x2710, s30, s4, $0xb8;
	[tilespmem:$0x13920] =	vst v63  }
0xe3: {  	s0 =	rddreg [dreg:$0x4]  }
0xe4: {  	[hbm4b:s0+s2] =	stream.linear.scatter [tilespmem:s8], [sflag:$0x3], $0x9C40, $0x38;
	[tilespmem:$0x13920] =	vst v63  }
0xe5: {  	_ =	swait.ge [sflag:s9], $0x9C40  }
0xe6: {  	[sflag:s9] =	ssyncset.done $0x0  }
0xe7: {  	[sflag:s9] =	ssyncadd.s32 $0xFFFF63C0  }
0xe8: {  	_ =	swait.ge [sflag:s6], $0x9C40  }
0xe9: {  	[sflag:s6] =	ssyncset.done $0x0  }
0xea: {  	[sflag:s6] =	ssyncadd.s32 $0xFFFF63C0  }
0xeb: {  	[tilespmem:s8], [sflag:$0x1] =	stream.indirect.gather [hbm4b:s3+s4], $0x2710, s29, s4, $0xb8;
	[tilespmem:$0x13920] =	vst v63  }
0xec: {  	s0 =	rddreg [dreg:$0x5]  }
0xed: {  	[hbm4b:s0+s2] =	stream.linear.scatter [tilespmem:s7], [sflag:$0x4], $0x9C40, $0x38;
	[tilespmem:$0x13920] =	vst v63  }
0xee: {  	_ =	swait.ge [sflag:s10], $0x9C40  }
0xef: {  	[sflag:s10] =	ssyncset.done $0x0  }
0xf0: {  	[sflag:s10] =	ssyncadd.s32 $0xFFFF63C0  }
0xf1: {  	_ =	swait.ge [sflag:s4], $0x9C40  }
0xf2: {  	[sflag:s4] =	ssyncset.done $0x0  }
0xf3: {  	[sflag:s4] =	ssyncadd.s32 $0xFFFF63C0  }
0xf4: {  	[tilespmem:s7], [sflag:$0x2] =	stream.indirect.gather [hbm4b:s3+s4], $0x2710, s28, s4, $0xb8;
	[tilespmem:$0x13920] =	vst v63  }
0xf5: {  	s0 =	rddreg [dreg:$0x6]  }
0xf6: {  	[hbm4b:s0+s2] =	stream.linear.scatter [tilespmem:s8], [sflag:$0x3], $0x9C40, $0x38;
	[tilespmem:$0x13920] =	vst v63  }
0xf7: {  	_ =	swait.ge [sflag:s9], $0x9C40  }
0xf8: {  	[sflag:s9] =	ssyncset.done $0x0  }
0xf9: {  	[sflag:s9] =	ssyncadd.s32 $0xFFFF63C0  }
0xfa: {  	_ =	swait.ge [sflag:s6], $0x9C40  }
0xfb: {  	[sflag:s6] =	ssyncset.done $0x0  }
0xfc: {  	[sflag:s6] =	ssyncadd.s32 $0xFFFF63C0  }
0xfd: {  	[tilespmem:s8], [sflag:$0x1] =	stream.indirect.gather [hbm4b:s3+s4], $0x2710, s26, s4, $0xb8;
	[tilespmem:$0x13920] =	vst v63  }
0xfe: {  	s0 =	rddreg [dreg:$0x7]  }
0xff: {  	[hbm4b:s0+s2] =	stream.linear.scatter [tilespmem:s7], [sflag:$0x4], $0x9C40, $0x38;
	[tilespmem:$0x13920] =	vst v63  }
0x100: {  	_ =	swait.ge [sflag:s10], $0x9C40  }
0x101: {  	[sflag:s10] =	ssyncset.done $0x0  }
0x102: {  	[sflag:s10] =	ssyncadd.s32 $0xFFFF63C0  }
0x103: {  	_ =	swait.ge [sflag:s4], $0x9C40  }
0x104: {  	[sflag:s4] =	ssyncset.done $0x0  }
0x105: {  	[sflag:s4] =	ssyncadd.s32 $0xFFFF63C0  }
0x106: {  	[tilespmem:s7], [sflag:$0x2] =	stream.indirect.gather [hbm4b:s3+s4], $0x2710, s25, s4, $0xb8;
	[tilespmem:$0x13920] =	vst v63  }
0x107: {  	s0 =	rddreg [dreg:$0x8]  }
0x108: {  	[hbm4b:s0+s2] =	stream.linear.scatter [tilespmem:s8], [sflag:$0x3], $0x9C40, $0x38;
	[tilespmem:$0x13920] =	vst v63  }
0x109: {  	_ =	swait.ge [sflag:s9], $0x9C40  }
0x10a: {  	[sflag:s9] =	ssyncset.done $0x0  }
0x10b: {  	[sflag:s9] =	ssyncadd.s32 $0xFFFF63C0  }
0x10c: {  	_ =	swait.ge [sflag:s6], $0x9C40  }
0x10d: {  	[sflag:s6] =	ssyncset.done $0x0  }
0x10e: {  	[sflag:s6] =	ssyncadd.s32 $0xFFFF63C0  }
0x10f: {  	[tilespmem:s8], [sflag:$0x1] =	stream.indirect.gather [hbm4b:s3+s4], $0x2710, s24, s4, $0xb8;
	[tilespmem:$0x13920] =	vst v63  }
0x110: {  	s0 =	rddreg [dreg:$0x9]  }
0x111: {  	[hbm4b:s0+s2] =	stream.linear.scatter [tilespmem:s7], [sflag:$0x4], $0x9C40, $0x38;
	[tilespmem:$0x13920] =	vst v63  }
0x112: {  	_ =	swait.ge [sflag:s10], $0x9C40  }
0x113: {  	[sflag:s10] =	ssyncset.done $0x0  }
0x114: {  	[sflag:s10] =	ssyncadd.s32 $0xFFFF63C0  }
0x115: {  	_ =	swait.ge [sflag:s4], $0x9C40  }
0x116: {  	[sflag:s4] =	ssyncset.done $0x0  }
0x117: {  	[sflag:s4] =	ssyncadd.s32 $0xFFFF63C0  }
0x118: {  	[tilespmem:s7], [sflag:$0x2] =	stream.indirect.gather [hbm4b:s3+s4], $0x2710, s23, s4, $0xb8;
	[tilespmem:$0x13920] =	vst v63  }
0x119: {  	s0 =	rddreg [dreg:$0xa]  }
0x11a: {  	[hbm4b:s0+s2] =	stream.linear.scatter [tilespmem:s8], [sflag:$0x3], $0x9C40, $0x38;
	[tilespmem:$0x13920] =	vst v63  }
0x11b: {  	_ =	swait.ge [sflag:s9], $0x9C40  }
0x11c: {  	[sflag:s9] =	ssyncset.done $0x0  }
0x11d: {  	[sflag:s9] =	ssyncadd.s32 $0xFFFF63C0  }
0x11e: {  	_ =	swait.ge [sflag:s6], $0x9C40  }
0x11f: {  	[sflag:s6] =	ssyncset.done $0x0  }
0x120: {  	[sflag:s6] =	ssyncadd.s32 $0xFFFF63C0  }
0x121: {  	[tilespmem:s8], [sflag:$0x1] =	stream.indirect.gather [hbm4b:s3+s4], $0x2710, s22, s4, $0xb8;
	[tilespmem:$0x13920] =	vst v63  }
0x122: {  	s0 =	rddreg [dreg:$0xb]  }
0x123: {  	[hbm4b:s0+s2] =	stream.linear.scatter [tilespmem:s7], [sflag:$0x4], $0x9C40, $0x38;
	[tilespmem:$0x13920] =	vst v63  }
0x124: {  	_ =	swait.ge [sflag:s10], $0x9C40  }
0x125: {  	[sflag:s10] =	ssyncset.done $0x0  }
0x126: {  	[sflag:s10] =	ssyncadd.s32 $0xFFFF63C0  }
0x127: {  	_ =	swait.ge [sflag:s4], $0x9C40  }
0x128: {  	[sflag:s4] =	ssyncset.done $0x0  }
0x129: {  	[sflag:s4] =	ssyncadd.s32 $0xFFFF63C0  }
0x12a: {  	[tilespmem:s7], [sflag:$0x2] =	stream.indirect.gather [hbm4b:s3+s4], $0x2710, s21, s4, $0xb8;
	[tilespmem:$0x13920] =	vst v63  }
0x12b: {  	s0 =	rddreg [dreg:$0xc]  }
0x12c: {  	[hbm4b:s0+s2] =	stream.linear.scatter [tilespmem:s8], [sflag:$0x3], $0x9C40, $0x38;
	[tilespmem:$0x13920] =	vst v63  }
0x12d: {  	_ =	swait.ge [sflag:s9], $0x9C40  }
0x12e: {  	[sflag:s9] =	ssyncset.done $0x0  }
0x12f: {  	[sflag:s9] =	ssyncadd.s32 $0xFFFF63C0  }
0x130: {  	_ =	swait.ge [sflag:s6], $0x9C40  }
0x131: {  	[sflag:s6] =	ssyncset.done $0x0  }
0x132: {  	[sflag:s6] =	ssyncadd.s32 $0xFFFF63C0  }
0x133: {  	[tilespmem:s8], [sflag:$0x1] =	stream.indirect.gather [hbm4b:s3+s4], $0x2710, s20, s4, $0xb8;
	[tilespmem:$0x13920] =	vst v63  }
0x134: {  	s0 =	rddreg [dreg:$0xd]  }
0x135: {  	[hbm4b:s0+s2] =	stream.linear.scatter [tilespmem:s7], [sflag:$0x4], $0x9C40, $0x38;
	[tilespmem:$0x13920] =	vst v63  }
0x136: {  	_ =	swait.ge [sflag:s10], $0x9C40  }
0x137: {  	[sflag:s10] =	ssyncset.done $0x0  }
0x138: {  	[sflag:s10] =	ssyncadd.s32 $0xFFFF63C0  }
0x139: {  	_ =	swait.ge [sflag:s4], $0x9C40  }
0x13a: {  	[sflag:s4] =	ssyncset.done $0x0  }
0x13b: {  	[sflag:s4] =	ssyncadd.s32 $0xFFFF63C0  }
0x13c: {  	[tilespmem:s7], [sflag:$0x2] =	stream.indirect.gather [hbm4b:s3+s4], $0x2710, s19, s4, $0xb8;
	[tilespmem:$0x13920] =	vst v63  }
0x13d: {  	s0 =	rddreg [dreg:$0xe]  }
0x13e: {  	[hbm4b:s0+s2] =	stream.linear.scatter [tilespmem:s8], [sflag:$0x3], $0x9C40, $0x38;
	[tilespmem:$0x13920] =	vst v63  }
0x13f: {  	_ =	swait.ge [sflag:s9], $0x9C40  }
0x140: {  	[sflag:s9] =	ssyncset.done $0x0  }
0x141: {  	[sflag:s9] =	ssyncadd.s32 $0xFFFF63C0  }
0x142: {  	_ =	swait.ge [sflag:s6], $0x9C40  }
0x143: {  	[sflag:s6] =	ssyncset.done $0x0  }
0x144: {  	[sflag:s6] =	ssyncadd.s32 $0xFFFF63C0  }
0x145: {  	[tilespmem:s8], [sflag:$0x1] =	stream.indirect.gather [hbm4b:s3+s4], $0x2710, s18, s4, $0xb8;
	[tilespmem:$0x13920] =	vst v63  }
0x146: {  	s0 =	rddreg [dreg:$0xf]  }
0x147: {  	[hbm4b:s0+s2] =	stream.linear.scatter [tilespmem:s7], [sflag:$0x4], $0x9C40, $0x38;
	[tilespmem:$0x13920] =	vst v63  }
0x148: {  	_ =	swait.ge [sflag:s10], $0x9C40  }
0x149: {  	[sflag:s10] =	ssyncset.done $0x0  }
0x14a: {  	[sflag:s10] =	ssyncadd.s32 $0xFFFF63C0  }
0x14b: {  	_ =	swait.ge [sflag:s4], $0x9C40  }
0x14c: {  	[sflag:s4] =	ssyncset.done $0x0  }
0x14d: {  	[sflag:s4] =	ssyncadd.s32 $0xFFFF63C0  }
0x14e: {  	[tilespmem:s7], [sflag:$0x2] =	stream.indirect.gather [hbm4b:s3+s4], $0x2710, s17, s4, $0xb8;
	[tilespmem:$0x13920] =	vst v63  }
0x14f: {  	s0 =	rddreg [dreg:$0x10]  }
0x150: {  	[hbm4b:s0+s2] =	stream.linear.scatter [tilespmem:s8], [sflag:$0x3], $0x9C40, $0x38;
	[tilespmem:$0x13920] =	vst v63  }
0x151: {  	_ =	swait.ge [sflag:s9], $0x9C40  }
0x152: {  	[sflag:s9] =	ssyncset.done $0x0  }
0x153: {  	[sflag:s9] =	ssyncadd.s32 $0xFFFF63C0  }
0x154: {  	_ =	swait.ge [sflag:s6], $0x9C40  }
0x155: {  	[sflag:s6] =	ssyncset.done $0x0  }
0x156: {  	[sflag:s6] =	ssyncadd.s32 $0xFFFF63C0  }
0x157: {  	[tilespmem:s8], [sflag:$0x1] =	stream.indirect.gather [hbm4b:s3+s4], $0x2710, s16, s4, $0xb8;
	[tilespmem:$0x13920] =	vst v63  }
0x158: {  	s0 =	rddreg [dreg:$0x11]  }
0x159: {  	[hbm4b:s0+s2] =	stream.linear.scatter [tilespmem:s7], [sflag:$0x4], $0x9C40, $0x38;
	[tilespmem:$0x13920] =	vst v63  }
0x15a: {  	_ =	swait.ge [sflag:s10], $0x9C40  }
0x15b: {  	[sflag:s10] =	ssyncset.done $0x0  }
0x15c: {  	[sflag:s10] =	ssyncadd.s32 $0xFFFF63C0  }
0x15d: {  	_ =	swait.ge [sflag:s4], $0x9C40  }
0x15e: {  	[sflag:s4] =	ssyncset.done $0x0  }
0x15f: {  	[sflag:s4] =	ssyncadd.s32 $0xFFFF63C0  }
0x160: {  	[tilespmem:s7], [sflag:$0x2] =	stream.indirect.gather [hbm4b:s3+s4], $0x2710, s15, s4, $0xb8;
	[tilespmem:$0x13920] =	vst v63  }
0x161: {  	s0 =	rddreg [dreg:$0x12]  }
0x162: {  	[hbm4b:s0+s2] =	stream.linear.scatter [tilespmem:s8], [sflag:$0x3], $0x9C40, $0x38;
	[tilespmem:$0x13920] =	vst v63  }
0x163: {  	_ =	swait.ge [sflag:s9], $0x9C40  }
0x164: {  	[sflag:s9] =	ssyncset.done $0x0  }
0x165: {  	[sflag:s9] =	ssyncadd.s32 $0xFFFF63C0  }
0x166: {  	_ =	swait.ge [sflag:s6], $0x9C40  }
0x167: {  	[sflag:s6] =	ssyncset.done $0x0  }
0x168: {  	[sflag:s6] =	ssyncadd.s32 $0xFFFF63C0  }
0x169: {  	[tilespmem:s8], [sflag:$0x1] =	stream.indirect.gather [hbm4b:s3+s4], $0x2710, s14, s4, $0xb8;
	[tilespmem:$0x13920] =	vst v63  }
0x16a: {  	s0 =	rddreg [dreg:$0x13]  }
0x16b: {  	[hbm4b:s0+s2] =	stream.linear.scatter [tilespmem:s7], [sflag:$0x4], $0x9C40, $0x38;
	[tilespmem:$0x13920] =	vst v63  }
0x16c: {  	_ =	swait.ge [sflag:s10], $0x9C40  }
0x16d: {  	[sflag:s10] =	ssyncset.done $0x0  }
0x16e: {  	[sflag:s10] =	ssyncadd.s32 $0xFFFF63C0  }
0x16f: {  	_ =	swait.ge [sflag:s4], $0x9C40  }
0x170: {  	[sflag:s4] =	ssyncset.done $0x0  }
0x171: {  	[sflag:s4] =	ssyncadd.s32 $0xFFFF63C0  }
0x172: {  	[tilespmem:s7], [sflag:$0x2] =	stream.indirect.gather [hbm4b:s3+s4], $0x2710, s13, s4, $0xb8;
	[tilespmem:$0x13920] =	vst v63  }
0x173: {  	s0 =	rddreg [dreg:$0x14]  }
0x174: {  	[hbm4b:s0+s2] =	stream.linear.scatter [tilespmem:s8], [sflag:$0x3], $0x9C40, $0x38;
	[tilespmem:$0x13920] =	vst v63  }
0x175: {  	_ =	swait.ge [sflag:s9], $0x9C40  }
0x176: {  	[sflag:s9] =	ssyncset.done $0x0  }
0x177: {  	[sflag:s9] =	ssyncadd.s32 $0xFFFF63C0  }
0x178: {  	_ =	swait.ge [sflag:s6], $0x9C40  }
0x179: {  	[sflag:s6] =	ssyncset.done $0x0  }
0x17a: {  	[sflag:s6] =	ssyncadd.s32 $0xFFFF63C0  }
0x17b: {  	[tilespmem:s8], [sflag:$0x1] =	stream.indirect.gather [hbm4b:s3+s4], $0x2710, s12, s4, $0xb8;
	[tilespmem:$0x13920] =	vst v63  }
0x17c: {  	s0 =	rddreg [dreg:$0x15]  }
0x17d: {  	[hbm4b:s0+s2] =	stream.linear.scatter [tilespmem:s7], [sflag:$0x4], $0x9C40, $0x38;
	[tilespmem:$0x13920] =	vst v63  }
0x17e: {  	_ =	swait.ge [sflag:s10], $0x9C40  }
0x17f: {  	[sflag:s10] =	ssyncset.done $0x0  }
0x180: {  	[sflag:s10] =	ssyncadd.s32 $0xFFFF63C0  }
0x181: {  	_ =	swait.ge [sflag:s4], $0x9C40  }
0x182: {  	[sflag:s4] =	ssyncset.done $0x0  }
0x183: {  	[sflag:s4] =	ssyncadd.s32 $0xFFFF63C0  }
0x184: {  	[tilespmem:s7], [sflag:$0x2] =	stream.indirect.gather [hbm4b:s3+s4], $0x2710, s11, s4, $0xb8;
	[tilespmem:$0x13920] =	vst v63  }
0x185: {  	s0 =	rddreg [dreg:$0x16]  }
0x186: {  	[hbm4b:s0+s2] =	stream.linear.scatter [tilespmem:s8], [sflag:$0x3], $0x9C40, $0x38;
	[tilespmem:$0x13920] =	vst v63  }
0x187: {  	_ =	swait.ge [sflag:s9], $0x9C40  }
0x188: {  	[sflag:s9] =	ssyncset.done $0x0  }
0x189: {  	p1 =	sne.s32 s1, $0x1;
	[sflag:s9] =	ssyncadd.s32 $0xFFFF63C0  }
0x18a: {  	[hbm4b:s5+s2] =	stream.linear.scatter [tilespmem:s7], [sflag:$0x4], $0x9C40, $0x38;
	[tilespmem:$0x13920] =	vst v63  }
.Ltmp2:
0x18b: {  	_ =	swait.ge [sflag:s6], $0x9C40;
	(pc) =	sbr.rel @p1 .LBB2_2-.Ltmp2, $4  }
0x18c: {  	[sflag:s6] =	ssyncset.done $0x0  }
0x18d: {  	[sflag:s6] =	ssyncadd.s32 $0xFFFF63C0  }
0x18e: {  	_ =	swait.ge [sflag:s4], $0x9C40  }
0x18f: {  	s1 =	sadd.s32 $0xFFFFFFFF, s1;
	s0 =	rddreg [dreg:$0x3];
	[sflag:s4] =	ssyncset.done $0x0  }
.LBB2_3:
0x190: {  	[sflag:s4] =	ssyncadd.s32 @p0 $0xFFFF63C0  }
0x191: {  	[tilespmem:s2], [sflag:$0x5] =	stream.linear.gather [hbm4b:s0+s2], $0xA0, $0x38;
	[tilespmem:$0x13920] =	vst v63  }
0x192: {  	_ =	swait.ge [sflag:s31], $0xA0  }
0x193: {  	[sflag:s31] =	ssyncset.done $0x0  }
0x194: {  	[sflag:s31] =	ssyncadd.s32 $0xFFFFFF60  }
0x195: {  	[tilespmem:s8], [sflag:$0x1] =	stream.indirect.gather [hbm4b:s3+s4], $0x2710, s2, s4, $0xb8;
	[tilespmem:$0x13920] =	vst v63  }
0x196: {  	_ =	swait.ge [sflag:s10], $0x9C40  }
0x197: {  	[sflag:s10] =	ssyncset.done $0x0  }
0x198: {  	[sflag:s10] =	ssyncadd.s32 $0xFFFF63C0  }
0x199: {  	[tilespmem:s7], [sflag:$0x2] =	stream.indirect.gather [hbm4b:s3+s4], $0x2710, s30, s4, $0xb8;
	[tilespmem:$0x13920] =	vst v63  }
0x19a: {  	s1 =	rddreg [dreg:$0x4]  }
0x19b: {  	[hbm4b:s1+s2] =	stream.linear.scatter [tilespmem:s8], [sflag:$0x3], $0x9C40, $0x38;
	[tilespmem:$0x13920] =	vst v63  }
0x19c: {  	_ =	swait.ge [sflag:s9], $0x9C40  }
0x19d: {  	[sflag:s9] =	ssyncset.done $0x0  }
0x19e: {  	[sflag:s9] =	ssyncadd.s32 $0xFFFF63C0  }
0x19f: {  	_ =	swait.ge [sflag:s6], $0x9C40  }
0x1a0: {  	[sflag:s6] =	ssyncset.done $0x0  }
0x1a1: {  	[sflag:s6] =	ssyncadd.s32 $0xFFFF63C0  }
0x1a2: {  	[tilespmem:s8], [sflag:$0x1] =	stream.indirect.gather [hbm4b:s3+s4], $0x2710, s29, s4, $0xb8;
	[tilespmem:$0x13920] =	vst v63  }
0x1a3: {  	s30 =	rddreg [dreg:$0x5]  }
0x1a4: {  	[hbm4b:s30+s2] =	stream.linear.scatter [tilespmem:s7], [sflag:$0x4], $0x9C40, $0x38;
	[tilespmem:$0x13920] =	vst v63  }
0x1a5: {  	_ =	swait.ge [sflag:s10], $0x9C40  }
0x1a6: {  	[sflag:s10] =	ssyncset.done $0x0  }
0x1a7: {  	[sflag:s10] =	ssyncadd.s32 $0xFFFF63C0  }
0x1a8: {  	_ =	swait.ge [sflag:s4], $0x9C40  }
0x1a9: {  	[sflag:s4] =	ssyncset.done $0x0  }
0x1aa: {  	[sflag:s4] =	ssyncadd.s32 $0xFFFF63C0  }
0x1ab: {  	[tilespmem:s7], [sflag:$0x2] =	stream.indirect.gather [hbm4b:s3+s4], $0x2710, s28, s4, $0xb8;
	[tilespmem:$0x13920] =	vst v63  }
0x1ac: {  	s31 =	rddreg [dreg:$0x6]  }
0x1ad: {  	[hbm4b:s31+s2] =	stream.linear.scatter [tilespmem:s8], [sflag:$0x3], $0x9C40, $0x38;
	[tilespmem:$0x13920] =	vst v63  }
0x1ae: {  	_ =	swait.ge [sflag:s9], $0x9C40  }
0x1af: {  	[sflag:s9] =	ssyncset.done $0x0  }
0x1b0: {  	[sflag:s9] =	ssyncadd.s32 $0xFFFF63C0  }
0x1b1: {  	_ =	swait.ge [sflag:s6], $0x9C40  }
0x1b2: {  	[sflag:s6] =	ssyncset.done $0x0  }
0x1b3: {  	[sflag:s6] =	ssyncadd.s32 $0xFFFF63C0  }
0x1b4: {  	[tilespmem:s8], [sflag:$0x1] =	stream.indirect.gather [hbm4b:s3+s4], $0x2710, s26, s4, $0xb8;
	[tilespmem:$0x13920] =	vst v63  }
0x1b5: {  	s1 =	rddreg [dreg:$0x7]  }
0x1b6: {  	[hbm4b:s1+s2] =	stream.linear.scatter [tilespmem:s7], [sflag:$0x4], $0x9C40, $0x38;
	[tilespmem:$0x13920] =	vst v63  }
0x1b7: {  	_ =	swait.ge [sflag:s10], $0x9C40  }
0x1b8: {  	[sflag:s10] =	ssyncset.done $0x0  }
0x1b9: {  	[sflag:s10] =	ssyncadd.s32 $0xFFFF63C0  }
0x1ba: {  	_ =	swait.ge [sflag:s4], $0x9C40  }
0x1bb: {  	[sflag:s4] =	ssyncset.done $0x0  }
0x1bc: {  	[sflag:s4] =	ssyncadd.s32 $0xFFFF63C0  }
0x1bd: {  	[tilespmem:s7], [sflag:$0x2] =	stream.indirect.gather [hbm4b:s3+s4], $0x2710, s25, s4, $0xb8;
	[tilespmem:$0x13920] =	vst v63  }
0x1be: {  	s26 =	rddreg [dreg:$0x8]  }
0x1bf: {  	[hbm4b:s26+s2] =	stream.linear.scatter [tilespmem:s8], [sflag:$0x3], $0x9C40, $0x38;
	[tilespmem:$0x13920] =	vst v63  }
0x1c0: {  	_ =	swait.ge [sflag:s9], $0x9C40  }
0x1c1: {  	[sflag:s9] =	ssyncset.done $0x0  }
0x1c2: {  	[sflag:s9] =	ssyncadd.s32 $0xFFFF63C0  }
0x1c3: {  	_ =	swait.ge [sflag:s6], $0x9C40  }
0x1c4: {  	[sflag:s6] =	ssyncset.done $0x0  }
0x1c5: {  	[sflag:s6] =	ssyncadd.s32 $0xFFFF63C0  }
0x1c6: {  	[tilespmem:s8], [sflag:$0x1] =	stream.indirect.gather [hbm4b:s3+s4], $0x2710, s24, s4, $0xb8;
	[tilespmem:$0x13920] =	vst v63  }
0x1c7: {  	s28 =	rddreg [dreg:$0x9]  }
0x1c8: {  	[hbm4b:s28+s2] =	stream.linear.scatter [tilespmem:s7], [sflag:$0x4], $0x9C40, $0x38;
	[tilespmem:$0x13920] =	vst v63  }
0x1c9: {  	_ =	swait.ge [sflag:s10], $0x9C40  }
0x1ca: {  	[sflag:s10] =	ssyncset.done $0x0  }
0x1cb: {  	[sflag:s10] =	ssyncadd.s32 $0xFFFF63C0  }
0x1cc: {  	_ =	swait.ge [sflag:s4], $0x9C40  }
0x1cd: {  	[sflag:s4] =	ssyncset.done $0x0  }
0x1ce: {  	[sflag:s4] =	ssyncadd.s32 $0xFFFF63C0  }
0x1cf: {  	[tilespmem:s7], [sflag:$0x2] =	stream.indirect.gather [hbm4b:s3+s4], $0x2710, s23, s4, $0xb8;
	[tilespmem:$0x13920] =	vst v63  }
0x1d0: {  	s29 =	rddreg [dreg:$0xa]  }
0x1d1: {  	[hbm4b:s29+s2] =	stream.linear.scatter [tilespmem:s8], [sflag:$0x3], $0x9C40, $0x38;
	[tilespmem:$0x13920] =	vst v63  }
0x1d2: {  	_ =	swait.ge [sflag:s9], $0x9C40  }
0x1d3: {  	[sflag:s9] =	ssyncset.done $0x0  }
0x1d4: {  	[sflag:s9] =	ssyncadd.s32 $0xFFFF63C0  }
0x1d5: {  	_ =	swait.ge [sflag:s6], $0x9C40  }
0x1d6: {  	[sflag:s6] =	ssyncset.done $0x0  }
0x1d7: {  	[sflag:s6] =	ssyncadd.s32 $0xFFFF63C0  }
0x1d8: {  	[tilespmem:s8], [sflag:$0x1] =	stream.indirect.gather [hbm4b:s3+s4], $0x2710, s22, s4, $0xb8;
	[tilespmem:$0x13920] =	vst v63  }
0x1d9: {  	s30 =	rddreg [dreg:$0xb]  }
0x1da: {  	[hbm4b:s30+s2] =	stream.linear.scatter [tilespmem:s7], [sflag:$0x4], $0x9C40, $0x38;
	[tilespmem:$0x13920] =	vst v63  }
0x1db: {  	_ =	swait.ge [sflag:s10], $0x9C40  }
0x1dc: {  	[sflag:s10] =	ssyncset.done $0x0  }
0x1dd: {  	[sflag:s10] =	ssyncadd.s32 $0xFFFF63C0  }
0x1de: {  	_ =	swait.ge [sflag:s4], $0x9C40  }
0x1df: {  	[sflag:s4] =	ssyncset.done $0x0  }
0x1e0: {  	[sflag:s4] =	ssyncadd.s32 $0xFFFF63C0  }
0x1e1: {  	[tilespmem:s7], [sflag:$0x2] =	stream.indirect.gather [hbm4b:s3+s4], $0x2710, s21, s4, $0xb8;
	[tilespmem:$0x13920] =	vst v63  }
0x1e2: {  	s31 =	rddreg [dreg:$0xc]  }
0x1e3: {  	[hbm4b:s31+s2] =	stream.linear.scatter [tilespmem:s8], [sflag:$0x3], $0x9C40, $0x38;
	[tilespmem:$0x13920] =	vst v63  }
0x1e4: {  	_ =	swait.ge [sflag:s9], $0x9C40  }
0x1e5: {  	[sflag:s9] =	ssyncset.done $0x0  }
0x1e6: {  	[sflag:s9] =	ssyncadd.s32 $0xFFFF63C0  }
0x1e7: {  	_ =	swait.ge [sflag:s6], $0x9C40  }
0x1e8: {  	[sflag:s6] =	ssyncset.done $0x0  }
0x1e9: {  	[sflag:s6] =	ssyncadd.s32 $0xFFFF63C0  }
0x1ea: {  	[tilespmem:s8], [sflag:$0x1] =	stream.indirect.gather [hbm4b:s3+s4], $0x2710, s20, s4, $0xb8;
	[tilespmem:$0x13920] =	vst v63  }
0x1eb: {  	s1 =	rddreg [dreg:$0xd]  }
0x1ec: {  	[hbm4b:s1+s2] =	stream.linear.scatter [tilespmem:s7], [sflag:$0x4], $0x9C40, $0x38;
	[tilespmem:$0x13920] =	vst v63  }
0x1ed: {  	_ =	swait.ge [sflag:s10], $0x9C40  }
0x1ee: {  	[sflag:s10] =	ssyncset.done $0x0  }
0x1ef: {  	[sflag:s10] =	ssyncadd.s32 $0xFFFF63C0  }
0x1f0: {  	_ =	swait.ge [sflag:s4], $0x9C40  }
0x1f1: {  	[sflag:s4] =	ssyncset.done $0x0  }
0x1f2: {  	[sflag:s4] =	ssyncadd.s32 $0xFFFF63C0  }
0x1f3: {  	[tilespmem:s7], [sflag:$0x2] =	stream.indirect.gather [hbm4b:s3+s4], $0x2710, s19, s4, $0xb8;
	[tilespmem:$0x13920] =	vst v63  }
0x1f4: {  	s21 =	rddreg [dreg:$0xe]  }
0x1f5: {  	[hbm4b:s21+s2] =	stream.linear.scatter [tilespmem:s8], [sflag:$0x3], $0x9C40, $0x38;
	[tilespmem:$0x13920] =	vst v63  }
0x1f6: {  	_ =	swait.ge [sflag:s9], $0x9C40  }
0x1f7: {  	[sflag:s9] =	ssyncset.done $0x0  }
0x1f8: {  	[sflag:s9] =	ssyncadd.s32 $0xFFFF63C0  }
0x1f9: {  	_ =	swait.ge [sflag:s6], $0x9C40  }
0x1fa: {  	[sflag:s6] =	ssyncset.done $0x0  }
0x1fb: {  	[sflag:s6] =	ssyncadd.s32 $0xFFFF63C0  }
0x1fc: {  	[tilespmem:s8], [sflag:$0x1] =	stream.indirect.gather [hbm4b:s3+s4], $0x2710, s18, s4, $0xb8;
	[tilespmem:$0x13920] =	vst v63  }
0x1fd: {  	s22 =	rddreg [dreg:$0xf]  }
0x1fe: {  	[hbm4b:s22+s2] =	stream.linear.scatter [tilespmem:s7], [sflag:$0x4], $0x9C40, $0x38;
	[tilespmem:$0x13920] =	vst v63  }
0x1ff: {  	_ =	swait.ge [sflag:s10], $0x9C40  }
0x200: {  	[sflag:s10] =	ssyncset.done $0x0  }
0x201: {  	[sflag:s10] =	ssyncadd.s32 $0xFFFF63C0  }
0x202: {  	_ =	swait.ge [sflag:s4], $0x9C40  }
0x203: {  	[sflag:s4] =	ssyncset.done $0x0  }
0x204: {  	[sflag:s4] =	ssyncadd.s32 $0xFFFF63C0  }
0x205: {  	[tilespmem:s7], [sflag:$0x2] =	stream.indirect.gather [hbm4b:s3+s4], $0x2710, s17, s4, $0xb8;
	[tilespmem:$0x13920] =	vst v63  }
0x206: {  	s23 =	rddreg [dreg:$0x10]  }
0x207: {  	[hbm4b:s23+s2] =	stream.linear.scatter [tilespmem:s8], [sflag:$0x3], $0x9C40, $0x38;
	[tilespmem:$0x13920] =	vst v63  }
0x208: {  	_ =	swait.ge [sflag:s9], $0x9C40  }
0x209: {  	[sflag:s9] =	ssyncset.done $0x0  }
0x20a: {  	[sflag:s9] =	ssyncadd.s32 $0xFFFF63C0  }
0x20b: {  	_ =	swait.ge [sflag:s6], $0x9C40  }
0x20c: {  	[sflag:s6] =	ssyncset.done $0x0  }
0x20d: {  	[sflag:s6] =	ssyncadd.s32 $0xFFFF63C0  }
0x20e: {  	[tilespmem:s8], [sflag:$0x1] =	stream.indirect.gather [hbm4b:s3+s4], $0x2710, s16, s4, $0xb8;
	[tilespmem:$0x13920] =	vst v63  }
0x20f: {  	s24 =	rddreg [dreg:$0x11]  }
0x210: {  	[hbm4b:s24+s2] =	stream.linear.scatter [tilespmem:s7], [sflag:$0x4], $0x9C40, $0x38;
	[tilespmem:$0x13920] =	vst v63  }
0x211: {  	_ =	swait.ge [sflag:s10], $0x9C40  }
0x212: {  	[sflag:s10] =	ssyncset.done $0x0  }
0x213: {  	[sflag:s10] =	ssyncadd.s32 $0xFFFF63C0  }
0x214: {  	_ =	swait.ge [sflag:s4], $0x9C40  }
0x215: {  	[sflag:s4] =	ssyncset.done $0x0  }
0x216: {  	[sflag:s4] =	ssyncadd.s32 $0xFFFF63C0  }
0x217: {  	[tilespmem:s7], [sflag:$0x2] =	stream.indirect.gather [hbm4b:s3+s4], $0x2710, s15, s4, $0xb8;
	[tilespmem:$0x13920] =	vst v63  }
0x218: {  	s25 =	rddreg [dreg:$0x12]  }
0x219: {  	[hbm4b:s25+s2] =	stream.linear.scatter [tilespmem:s8], [sflag:$0x3], $0x9C40, $0x38;
	[tilespmem:$0x13920] =	vst v63  }
0x21a: {  	_ =	swait.ge [sflag:s9], $0x9C40  }
0x21b: {  	[sflag:s9] =	ssyncset.done $0x0  }
0x21c: {  	[sflag:s9] =	ssyncadd.s32 $0xFFFF63C0  }
0x21d: {  	_ =	swait.ge [sflag:s6], $0x9C40  }
0x21e: {  	[sflag:s6] =	ssyncset.done $0x0  }
0x21f: {  	[sflag:s6] =	ssyncadd.s32 $0xFFFF63C0  }
0x220: {  	[tilespmem:s8], [sflag:$0x1] =	stream.indirect.gather [hbm4b:s3+s4], $0x2710, s14, s4, $0xb8;
	[tilespmem:$0x13920] =	vst v63  }
0x221: {  	s26 =	rddreg [dreg:$0x13]  }
0x222: {  	[hbm4b:s26+s2] =	stream.linear.scatter [tilespmem:s7], [sflag:$0x4], $0x9C40, $0x38;
	[tilespmem:$0x13920] =	vst v63  }
0x223: {  	_ =	swait.ge [sflag:s10], $0x9C40  }
0x224: {  	[sflag:s10] =	ssyncset.done $0x0  }
0x225: {  	[sflag:s10] =	ssyncadd.s32 $0xFFFF63C0  }
0x226: {  	_ =	swait.ge [sflag:s4], $0x9C40  }
0x227: {  	[sflag:s4] =	ssyncset.done $0x0  }
0x228: {  	[sflag:s4] =	ssyncadd.s32 $0xFFFF63C0  }
0x229: {  	[tilespmem:s7], [sflag:$0x2] =	stream.indirect.gather [hbm4b:s3+s4], $0x2710, s13, s4, $0xb8;
	[tilespmem:$0x13920] =	vst v63  }
0x22a: {  	s28 =	rddreg [dreg:$0x14]  }
0x22b: {  	[hbm4b:s28+s2] =	stream.linear.scatter [tilespmem:s8], [sflag:$0x3], $0x9C40, $0x38;
	[tilespmem:$0x13920] =	vst v63  }
0x22c: {  	_ =	swait.ge [sflag:s9], $0x9C40  }
0x22d: {  	[sflag:s9] =	ssyncset.done $0x0  }
0x22e: {  	[sflag:s9] =	ssyncadd.s32 $0xFFFF63C0  }
0x22f: {  	_ =	swait.ge [sflag:s6], $0x9C40  }
0x230: {  	[sflag:s6] =	ssyncset.done $0x0  }
0x231: {  	[sflag:s6] =	ssyncadd.s32 $0xFFFF63C0  }
0x232: {  	[tilespmem:s8], [sflag:$0x1] =	stream.indirect.gather [hbm4b:s3+s4], $0x2710, s12, s4, $0xb8;
	[tilespmem:$0x13920] =	vst v63  }
0x233: {  	s29 =	rddreg [dreg:$0x15]  }
0x234: {  	[hbm4b:s29+s2] =	stream.linear.scatter [tilespmem:s7], [sflag:$0x4], $0x9C40, $0x38;
	[tilespmem:$0x13920] =	vst v63  }
0x235: {  	_ =	swait.ge [sflag:s10], $0x9C40  }
0x236: {  	[sflag:s10] =	ssyncset.done $0x0  }
0x237: {  	[sflag:s10] =	ssyncadd.s32 $0xFFFF63C0  }
0x238: {  	_ =	swait.ge [sflag:s4], $0x9C40  }
0x239: {  	[sflag:s4] =	ssyncset.done $0x0  }
0x23a: {  	[sflag:s4] =	ssyncadd.s32 $0xFFFF63C0  }
0x23b: {  	[tilespmem:s7], [sflag:$0x2] =	stream.indirect.gather [hbm4b:s3+s4], $0x2710, s11, s4, $0xb8;
	[tilespmem:$0x13920] =	vst v63  }
0x23c: {  	s30 =	rddreg [dreg:$0x16]  }
0x23d: {  	[hbm4b:s30+s2] =	stream.linear.scatter [tilespmem:s8], [sflag:$0x3], $0x9C40, $0x38;
	[tilespmem:$0x13920] =	vst v63  }
0x23e: {  	_ =	swait.ge [sflag:s9], $0x9C40  }
0x23f: {  	[sflag:s9] =	ssyncset.done $0x0  }
0x240: {  	[sflag:s9] =	ssyncadd.s32 $0xFFFF63C0  }
0x241: {  	[hbm4b:s5+s2] =	stream.linear.scatter [tilespmem:s7], [sflag:$0x4], $0x9C40, $0x38;
	[tilespmem:$0x13920] =	vst v63  }
0x242: {  	_ =	swait.ge [sflag:s6], $0x9C40  }
0x243: {  	[sflag:s6] =	ssyncset.done $0x0  }
0x244: {  	[sflag:s6] =	ssyncadd.s32 $0xFFFF63C0  }
0x245: {  	_ =	swait.ge [sflag:s4], $0x9C40  }
0x246: {  	[sflag:s4] =	ssyncset.done $0x0  }
0x247: {  	[sflag:s4] =	ssyncadd.s32 $0xFFFF63C0  }
0x248: {  	_ =	sfence.sel $0x180000  }
0x249: {  	[bflag:$0x0] =	sbarrier.arrive $0xFFFF  }
0x24a: {  	_ =	strace $0x90000047  }
0x24b: {  	s31 =	stileid.u32;
	[bflag:$0x2] =	sbarrier.arrive $0xFFFF  }
0x24c: {  	p0 =	sne.s32 s31, $0x0;
	s0 =	rddreg [dreg:$0x2]  }
0x24d: {  	s0 =	sadd.s32 @!p0 $0x100000, s0  }
0x24e: {  	[sflag:s0] =	ssyncadd.tile.s32 @!p0 $0x1;
	_ =	shalt  }
.Lfunc_end2:
_tile_overlayer_lowered:
.L_overlay_start_2:
0x24f: {  	(tag) =	ssettag $0x2  }
0x250: {  	s0 =	rddreg [dreg:$0x0];
	s2 =	stileid.u32  }
0x251: {  	s1 =	rddreg [dreg:$0x1];
	p0 =	sne.s32 s2, $0x0  }
0x252: {  	s3 =	rddreg [dreg:$0x2];
	[bflag:$0x3] =	sbarrier.arrive $0xFFFF;
	s2 =	simm.s32 @!p0 $0x1C05  }
0x253: {  	[timem:s3], [sflag:s2] =	dma.local @!p0 [hbm:s0], s1  }
0x254: {  	s0 =	simm.s32 @!p0 $0x5  }
0x255: {  	_ =	swait.ge @!p0 [sflag:s0], s1  }
0x256: {  	s1 =	ssub.s32 @!p0 $0x0, s1;
	[sflag:s0] =	ssyncset.done @!p0 $0x0  }
0x257: {  	[sflag:s0] =	ssyncadd.s32 @!p0 s1  }
0x258: {  	[bflag:$0x3] =	sbarrier.arrive $0xFFFF  }
0x259: {  	_ =	shalt  }

// kernel: sparse-core-data-format-call.cloned.1.call-start
scs
called_computation_lowered:
.L_overlay_start_0:
0x0: {  	s2 =	sld [smem:$0x3FD9]  }
0x1: {  	s3 =	sld [smem:$0x3FFE];
	_ =	sdelay $0x1  }
0x2: {  	s1 =	srdreg.scid  }
0x3: {  	s0 =	sand.u32 $0x1, s1  }
0x4: {  	s18 =	sshll.u32 s0, $0xA;
	s2 =	sadd.s32 s3, s2  }
0x5: {  	s2 =	sadd.s32 s2, s18  }
0x6: {  	[smem:$0x3FC6] =	sst s2  }
0x7: {  	_ = 	snop  }
0x8: {  	s2 =	sld [smem:$0x3FD0];
	(tm) =	ssettm $0x1  }
0x9: {  	s19 =	sld [smem:$0x3FFB];
	_ =	sdelay $0x3  }
0xa: {  	_ =	strace s19  }
0xb: {  	s3 =	sld [smem:$0x3FFC];
	_ =	sdelay $0x3  }
0xc: {  	_ =	strace s3  }
0xd: {  	s3 =	sld [smem:$0x3FFD];
	_ =	sdelay $0x3  }
0xe: {  	_ =	strace s3  }
0xf: {  	_ =	strace $0x8FFFFFFF  }
0x10: {  	s20 =	sld [smem:$0x3FDB];
	_ =	sdelay $0x1  }
0x11: {  	s4 =	simm.s32 $_scs_section_size  }
0x12: {  	s5 =	simm.s32 $_size__tile_overlayer_lowered;
	s6 =	simm.s32 $_tile_overlayer_lowered  }
0x13: {  	s23 =	simm.s32 $0x1BFF;
	s22 =	sshll.u32 s6, $0x1;
	s3 =	sadd.s32 s4, s20  }
0x14: {  	s7 =	simm.s32 $0x0;
	s21 =	sshll.u32 s5, $0x1;
	s5 =	sadd.s32 s22, s3  }
0x15: {  	[timem:s7], [sflag:s23] =	dma.local [hbm:s5], s21  }
0x16: {  	_ =	swait.ge [sflag:s23], s21  }
0x17: {  	s4 =	ssub.s32 $0x0, s21;
	[sflag:s23] =	ssyncset.done $0x0  }
0x18: {  	[sflag:s23] =	ssyncadd.s32 s4;
	_ =	sdelay $0x1  }
0x19: {  	s24 =	simm.s32 $0x1B8B  }
0x1a: {  	_ =	swait.ge [sflag:s24], $0x1  }
0x1b: {  	[sflag:s24] =	ssyncset.done $0x0  }
0x1c: {  	s26 =	simm.s32 $0x1B8E;
	s25 =	sld [smem:$0x3FFE];
	[sflag:s24] =	ssyncadd.s32 $0xFFFFFFFF  }
0x1d: {  	s27 =	simm.s32 $execute0_lowered;
	[smem:$0x3FD2] =	sst s26  }
0x1e: {  	s5 =	sshll.u32 s27, $0x1;
	_ =	strace $0x80000049;
	[dreg:$0x1] =	wrdreg $0xFFFFFFFF  }
0x1f: {  	s28 =	simm.s32 $_size_execute0_lowered;
	s3 =	sadd.s32 s3, s5;
	[dreg:$0x0] =	wrdreg $0x0  }
0x20: {  	s5 =	sshll.u32 s28, $0x1;
	[dreg:$0x2] =	wrdreg s3  }
0x21: {  	[dreg:$0x3] =	wrdreg s5  }
0x22: {  	[dreg:$0x4] =	wrdreg $0xC0  }
0x23: {  	_ =	task [dreg:s7], $0x5FFFF  }
0x24: {  	[dreg:$0x1] =	wrdreg $0xFFFFFFFF  }
0x25: {  	[dreg:$0x0] =	wrdreg $0x60  }
0x26: {  	[dreg:$0x2] =	wrdreg s25  }
0x27: {  	[dreg:$0x3] =	wrdreg s2  }
0x28: {  	[dreg:$0x4] =	wrdreg $0x9  }
0x29: {  	_ =	task.clear_ibuf [dreg:s7], $0x5FFFF;
	_ =	strace $0x90000049  }
0x2a: {  	s29 =	simm.s32 $0x9;
	_ =	strace $0x8000004B  }
0x2b: {  	_ =	swait.ge [sflag:s29], $0x1  }
0x2c: {  	[sflag:s29] =	ssyncadd.s32 $0xFFFFFFFF  }
0x2d: {  	_ =	strace $0x9000004B  }
0x2e: {  	_ =	sfence  }
0x2f: {  	s30 =	sld [smem:$0x0];
	_ =	sdelay $0x2  }
0x30: {  	s31 =	sshll.u32 s1, $0xD;
	s1 =	sshrl.u32 s1, $0x2  }
0x31: {  	s3 =	sand.u32 $0x4000, s31;
	s1 =	sadd.s32 s1, s30  }
0x32: {  	s0 =	sor.u32 s3, s0;
	s1 =	sshll.u32 s1, $0x11  }
0x33: {  	s0 =	sor.u32 s1, s0  }
0x34: {  	s0 =	sadd.s32 $0x8F2B, s0  }
0x35: {  	[sflag:s0] =	ssyncadd.remote.s32 $0x1  }
0x36: {  	_ =	sfence.sel $0xFFFF  }
0x37: {  	[dreg:$0x0] =	wrdreg $0xFFFFFFFF;
	(pc) =	sbr.abs _section_cstart, $3  }
0x38: {  	[dreg:$0x1] =	wrdreg $0xFFFFFFFF  }
0x39: {  	_ =	task.clear_ibuf [dreg:s7], $0x2FFFF;
	_ =	strace $0x9FFFFFFF  }
0x3a: {  	(tm) =	ssettm $0x7FFFFFFF  }
0x3b: {  	_ =	shalt  }
tec
execute0_lowered:
.L_overlay_start_1:
0x0: {  	(tag) =	ssettag $0x1  }
0x1: {  	s5 =	rddreg [dreg:$0x0]  }
0x2: {  	s0 =	srdreg.scid;
	s3 =	rddreg [dreg:$0x1]  }
0x3: {  	s31 =	simm.s32 $0x2;
	s15 =	simm.s32 $0x0;
	s1 =	sshll.u32 s0, $0x4  }
0x4: {  	p0 =	por $0x0, $0x0;
	s0 =	stileid.u32;
	s1 =	sand.u32 $0x10, s1  }
0x5: {  	s8 =	simm.s32 $0x5000;
	s14 =	simm.s32 $0x0;
	s1 =	sor.u32 s0, s1  }
0x6: {  	s9 =	simm.s32 $0x0;
	s10 =	simm.s32 $0x0;
	s2 =	sshll.u32 s1, $0x7  }
.Ltmp0:
0x7: {  	s12 =	simm.s32 $0x0;
	s4 =	ssub.s32 $0x2700, s2;
	(pc) =	sbr.rel .LBB1_1-.Ltmp0, $4  }
0x8: {  	s13 =	simm.s32 $0x0;
	s1 =	rddreg [dreg:$0x2];
	s6 =	sshrl.u32 s4, $0xC  }
0x9: {  	_ =	strace $0x8000004A;
	s4 =	simm.s32 $0x1;
	s7 =	smul.u32 $0x14, s6  }
0xa: {  	s5 =	sadd.s32 $0x800, s5;
	s11 =	smov.u32 s2;
	[sflag:s4] =	ssyncpa.u1 $0x0  }
0xb: {  	[sflag:s31] =	ssyncpa.u1 $0x0;
	s6 =	sadd.s32 $0x14, s7;
	s7 =	sadd.s32 $0x15, s7  }
.LBB1_5:
0xc: {  	p1 =	slt.u32 s13, $0x2  }
0xd: {  	s17 =	smov.u32 s15;
	p2 =	sgt.s32 @!p1 s15, $0x2690;
	s16 =	sshra.s32 @!p1 s15, $0x1F  }
0xe: {  	p3 =	sgt.s32 @!p1 s14, $0x980;
	s18 =	sshra.s32 @!p1 s14, $0x1F;
	p2 =	por !p2, p1  }
0xf: {  	s15 =	sand.u32 @!p1 s16, s15;
	p3 =	por !p3, p1;
	s16 =	smov.u32 s14  }
0x10: {  	s14 =	sand.u32 @!p1 s18, s14;
	s17 =	simm.s32 @p2 $0x2690;
	s16 =	simm.s32 @p3 $0x980  }
0x11: {  	s15 =	ssub.s32 @!p1 s17, s15;
	s14 =	ssub.s32 @!p1 s16, s14  }
0x12: {  	s18 =	smov.u32 s12;
	s16 =	sadd.s32 @!p1 $0xFFFFD970, s15;
	s17 =	sadd.s32 @!p1 $0xFFFFF680, s14  }
0x13: {  	s15 =	ssub.s32 @!p1 $0x2710, s15;
	p2 =	sgt.s32 @!p1 s16, $0x7F;
	p3 =	sgt.s32 @!p1 s17, $0x7F  }
0x14: {  	s14 =	ssub.s32 @!p1 $0xA00, s14;
	p2 =	por !p2, p1;
	p3 =	por !p3, p1  }
0x15: {  	s16 =	sadd.s32 $0x1000, s11;
	s15 =	simm.s32 @!p2 $0x0;
	s14 =	simm.s32 @!p3 $0x0  }
0x16: {  	p2 =	sgt.s32 s16, $0x270F;
	s14 =	smul.u32 @!p1 s14, s15;
	s15 =	sadd.s32 $0x80, s12  }
0x17: {  	s18 =	smov.u32 @p2 s15  }
0x18: {  	s16 =	smov.u32 @p2 s2;
	p2 =	sgt.s32 s18, $0x9FF  }
0x19: {  	s18 =	simm.s32 @p2 $0x0;
	p2 =	sne.s32 s13, s7  }
.Ltmp1:
0x1a: {  	p0 =	por !p0, !p0;
	s17 =	simm.s32 @!p1 $0x2;
	(pc) =	sbr.rel @!p2 .LBB1_6-.Ltmp1, $4  }
0x1b: {  	s15 =	smov.u32 s9;
	s9 =	smov.u32 s11;
	s14 =	sand.u32 @!p1 $0x3FFFFFFF, s14  }
0x1c: {  	s11 =	smov.u32 s16;
	_ =	swait.ge @!p1 [sflag:s17], s14;
	s19 =	ssub.s32 @!p1 $0x0, s14  }
0x1d: {  	s14 =	smov.u32 s10;
	s13 =	sadd.s32 $0x1, s13;
	[sflag:s17] =	ssyncset.done @!p1 $0x0  }
0x1e: {  	s10 =	smov.u32 s12;
	s12 =	smov.u32 s18;
	[sflag:s17] =	ssyncadd.s32 @!p1 s19  }
.LBB1_1:
0x1f: {  	p1 =	sge.u32 s13, s6  }
0x20: {  	s16 =	sshrl.u32 @!p1 s12, $0x3  }
0x21: {  	s17 =	sshll.u32 @!p1 s11, $0x3;
	s16 =	smul.u32 @!p1 $0x13C00, s16  }
0x22: {  	s18 =	sshll.u32 @!p1 s12, $0x7;
	s17 =	sand.u32 @!p1 $0xFFFFFC00, s17  }
0x23: {  	s16 =	sadd.s32 @!p1 s16, s17;
	s17 =	sand.u32 @!p1 $0x380, s18  }
0x24: {  	s18 =	sand.u32 @!p1 $0x7F, s11;
	s16 =	sor.u32 @!p1 s17, s16  }
0x25: {  	s17 =	sor.u32 @!p1 s18, s16;
	s16 =	smulhi.u32 @!p1 $0xCF6474A9, s16  }
0x26: {  	s18 =	smulhi.u32 @!p1 $0xCF6474A9, s17  }
0x27: {  	s16 =	sshrl.u32 @!p1 s16, $0xD  }
0x28: {  	s18 =	sshrl.u32 @!p1 s18, $0xD;
	s19 =	smulhi.u32 @!p1 $0x19999A, s16  }
0x29: {  	s18 =	smul.u32 @!p1 $0x2780, s18  }
0x2a: {  	s19 =	smul.u32 @!p1 $0xA00, s19  }
0x2b: {  	s20 =	sxor.u32 @!p1 $0xFFFFFFFF, s13  }
0x2c: {  	s17 =	ssub.s32 @!p1 s17, s18;
	s18 =	sshll.u32 @!p1 s20, $0xE;
	s16 =	ssub.s32 @!p1 s16, s19  }
0x2d: {  	s19 =	sshrl.u32 @!p1 s17, $0x3;
	s17 =	sand.u32 @!p1 $0x7, s17;
	s16 =	smul.u32 @!p1 $0x4F0, s16  }
0x2e: {  	s18 =	sand.u32 @!p1 $0x4000, s18;
	s19 =	sadd.s32 @!p1 s5, s19;
	s17 =	sshll.u32 @!p1 s17, $0x12  }
0x2f: {  	s17 =	sor.u32 @!p1 $0x400, s17;
	s16 =	sadd.s32 @!p1 s16, s19;
	s19 =	simm.s32 @!p1 $0x13C00  }
0x30: {  	[tilespmem:s18], [sflag:$0x1] =	stream.strided.gather @!p1 [hbm4b:s16+s17], $0x4000, s19, s17, $0x38;
	[tilespmem:$0x10100] =	vst v63  }
0x31: {  	p1 =	seq.s32 s13, $0x0  }
0x32: {  	p2 =	sge.u32 @!p1 s13, s7  }
0x33: {  	p1 =	por p1, p2  }
.Ltmp2:
0x34: {  	_ = 	snop;
	(pc) =	sbr.rel @p1 .LBB1_5-.Ltmp2, $1  }
0x35: {  	_ =	sdelay $0x3  }
0x36: {  	s16 =	simm.s32 $0x1  }
0x37: {  	_ =	swait.ge [sflag:s4], $0x4000;
	s16 =	simm.s32 @!p0 $0x0  }
0x38: {  	[sflag:s4] =	ssyncset.done $0x0;
	s17 =	sshll.u32 s16, $0xE  }
0x39: {  	[sflag:s4] =	ssyncadd.s32 $0xFFFFC000;
	s17 =	sor.u32 $0x40, s17  }
0x3a: {  	s16 =	smul.u32 $0x10200, s16;
	v0 =	vld [tilespmem:s17+$0x30]  }
0x3b: {  	v1 =	vld [tilespmem:s17+$0xFFFFFFD0]  }
0x3c: {  	s16 =	sshrl.u32 s16, $0x2;
	v5 =	vld [tilespmem:s17+$0xFFFFFFE0]  }
0x3d: {  	v6 =	vld [tilespmem:s17+$0xFFFFFFF0];
	s19 =	sor.u32 $0x8000, s16  }
0x3e: {  	s31 =	sand.u32 $0x1, s13;
	v4 =	vld [tilespmem:s17+$0x0];
	s18 =	sadd.s32 $0x0, s19  }
0x3f: {  	v3 =	vld [tilespmem:s17+$0x10];
	s16 =	smul.u32 $0x10200, s31;
	[tilespmem:s18+$0x3870 ss:$0x81] =	vst.msk $0xffff, v0  }
0x40: {  	v2 =	vld [tilespmem:s17+$0x20];
	[tilespmem:s18+$0x810 ss:$0x81] =	vst.msk $0xffff, v1  }
0x41: {  	s16 =	sshrl.u32 s16, $0x2;
	v0 =	vld [tilespmem:s17+$0xFFFFFFC0];
	[tilespmem:s18+$0x1020 ss:$0x81] =	vst.msk $0xffff, v5;
	s17 =	sadd.s32 $0x80, s17  }
0x42: {  	s20 =	simm.s32 $0x4;
	s21 =	simm.s32 $0x8;
	s16 =	sor.u32 $0x8000, s16;
	[tilespmem:s18+$0x1830 ss:$0x81] =	vst.msk $0xffff, v6;
	v1 =	vld [tilespmem:s17+$0x30]  }
.LBB1_3:
0x43: {  	p1 =	sne.s32 s21, $0x1FC;
	v5 =	vld [tilespmem:s17+$0xFFFFFFD0];
	[tilespmem:s18+$0x2040 ss:$0x81] =	vst.msk $0xffff, v4  }
0x44: {  	v6 =	vld [tilespmem:s17+$0xFFFFFFE0];
	[tilespmem:s18+$0x2850 ss:$0x81] =	vst.msk $0xffff, v3  }
0x45: {  	s22 =	sshra.s32 s20, $0x2;
	s20 =	smov.u32 s21;
	v7 =	vld [tilespmem:s17+$0xFFFFFFF0];
	[tilespmem:s18+$0x3060 ss:$0x81] =	vst.msk $0xffff, v2  }
.Ltmp3:
0x46: {  	v4 =	vld [tilespmem:s17+$0x0];
	[tilespmem:s18+$0x0 ss:$0x81] =	vst.msk $0xffff, v0;
	s18 =	sadd.s32 s22, s19;
	(pc) =	sbr.rel @p1 .LBB1_3-.Ltmp3, $4  }
0x47: {  	v3 =	vld [tilespmem:s17+$0x10];
	[tilespmem:s18+$0x3870 ss:$0x81] =	vst.msk $0xffff, v1  }
0x48: {  	[tilespmem:s18+$0x810 ss:$0x81] =	vst.msk $0xffff, v5;
	v2 =	vld [tilespmem:s17+$0x20]  }
0x49: {  	v0 =	vld [tilespmem:s17+$0xFFFFFFC0];
	[tilespmem:s18+$0x1020 ss:$0x81] =	vst.msk $0xffff, v6;
	s17 =	sadd.s32 $0x80, s17  }
0x4a: {  	s21 =	sadd.s32 $0x4, s21;
	v1 =	vld [tilespmem:s17+$0x30];
	[tilespmem:s18+$0x1830 ss:$0x81] =	vst.msk $0xffff, v7  }
0x4b: {  	s21 =	sshrl.u32 s9, $0x3  }
0x4c: {  	s22 =	sshll.u32 s10, $0x3;
	s23 =	sshll.u32 s9, $0x7;
	s20 =	sshra.s32 s20, $0x2  }
0x4d: {  	s29 =	sand.u32 $0x7F, s10;
	p1 =	sgt.s32 s9, $0x2690;
	s21 =	smul.u32 $0x5000, s21  }
0x4e: {  	s24 =	sshra.s32 s9, $0x1F;
	s25 =	sshra.s32 s10, $0x1F;
	s22 =	sand.u32 $0xFFFFFC00, s22  }
0x4f: {  	s28 =	sand.u32 $0x380, s23;
	s23 =	smov.u32 s9;
	s21 =	sadd.s32 s22, s21  }
0x50: {  	s24 =	sand.u32 s24, s9;
	s25 =	sand.u32 s25, s10;
	s21 =	sor.u32 s28, s21  }
0x51: {  	v5 =	vld [tilespmem:s17+$0xFFFFFFD0];
	s23 =	simm.s32 @!p1 $0x2690;
	s30 =	sor.u32 s29, s21;
	s21 =	smulhi.u32 $0xCCCCCCCD, s21  }
0x52: {  	[tilespmem:s18+$0x2040 ss:$0x81] =	vst.msk $0xffff, v4;
	v58 =	vld [tilespmem:s17+$0xFFFFFFE0];
	p1 =	sgt.s32 s10, $0x980;
	s23 =	ssub.s32 s23, s24;
	s24 =	smov.u32 s10  }
0x53: {  	[tilespmem:s18+$0x2850 ss:$0x81] =	vst.msk $0xffff, v3;
	s24 =	simm.s32 @!p1 $0x980;
	s31 =	smulhi.u32 $0xCCCCCCCD, s30;
	s21 =	sshrl.u32 s21, $0xB  }
0x54: {  	v59 =	vld [tilespmem:s17+$0xFFFFFFF0];
	[tilespmem:s18+$0x3060 ss:$0x81] =	vst.msk $0xffff, v2;
	s27 =	sadd.s32 $0xFFFFD970, s23;
	s24 =	ssub.s32 s24, s25;
	s26 =	smulhi.u32 $0x1A36E3, s21  }
0x55: {  	v60 =	vld [tilespmem:s17+$0x0];
	s19 =	sadd.s32 s20, s19;
	[tilespmem:s18+$0x0 ss:$0x81] =	vst.msk $0xffff, v0;
	p1 =	sgt.s32 s27, $0x7F;
	s28 =	sadd.s32 $0xFFFFF680, s24  }
0x56: {  	v61 =	vld [tilespmem:s17+$0x10];
	[tilespmem:s19+$0x3870 ss:$0x81] =	vst.msk $0xffff, v1;
	p2 =	sgt.s32 s28, $0x7F;
	s22 =	sshrl.u32 s31, $0xB;
	s18 =	sshrl.u32 s26, $0x2  }
0x57: {  	v62 =	vld [tilespmem:s17+$0x20];
	[tilespmem:s19+$0x810 ss:$0x81] =	vst.msk $0xffff, v5;
	s29 =	smul.u32 $0x2710, s18;
	s18 =	ssub.s32 $0x2710, s23;
	s23 =	ssub.s32 $0xA00, s24  }
0x58: {  	v63 =	vld [tilespmem:s17+$0xFFFFFFC0];
	[tilespmem:s19+$0x1020 ss:$0x81] =	vst.msk $0xffff, v58;
	s22 =	smul.u32 $0xA00, s22;
	s18 =	simm.s32 @p1 $0x0;
	s23 =	simm.s32 @p2 $0x0  }
0x59: {  	[tilespmem:s19+$0x1830 ss:$0x81] =	vst.msk $0xffff, v59;
	s18 =	smul.u32 s23, s18  }
.Ltmp4:
0x5a: {  	[tilespmem:s19+$0x2040 ss:$0x81] =	vst.msk $0xffff, v60;
	s20 =	ssub.s32 s30, s22;
	s17 =	ssub.s32 s21, s29;
	(pc) =	sbr.rel .LBB1_5-.Ltmp4, $4  }
0x5b: {  	[tilespmem:s19+$0x2850 ss:$0x81] =	vst.msk $0xffff, v61;
	s30 =	sshrl.u32 s20, $0x3;
	s20 =	sand.u32 $0x7, s20;
	s17 =	smul.u32 $0x140, s17  }
0x5c: {  	[tilespmem:s19+$0x3060 ss:$0x81] =	vst.msk $0xffff, v62;
	s21 =	sadd.s32 s3, s30;
	s20 =	sshll.u32 s20, $0x12  }
0x5d: {  	[tilespmem:s19+$0x0 ss:$0x81] =	vst.msk $0xffff, v63;
	s31 =	sor.u32 $0x400, s20;
	s18 =	sand.u32 $0x3FFFFFFF, s18;
	s17 =	sadd.s32 s17, s21  }
0x5e: {  	[hbm4b:s17+s31] =	stream.strided.scatter [tilespmem:s16], [sflag:$0x2], s18, s8, s31, $0x20;
	[tilespmem:$0x10100] =	vst v63  }
.LBB1_6:
0x5f: {  	_ =	sfence.sel $0x180000  }
0x60: {  	s2 =	simm.s32 $0x1;
	[bflag:$0x0] =	sbarrier.arrive $0xFFFF  }
0x61: {  	s31 =	simm.s32 $0x2;
	[sflag:s2] =	ssyncpa.u1 $0x1  }
0x62: {  	[sflag:s31] =	ssyncpa.u1 $0x1  }
0x63: {  	p0 =	sne.s32 s0, $0x0;
	_ =	strace $0x9000004A  }
0x64: {  	s0 =	sadd.s32 @!p0 $0x100000, s1;
	[bflag:$0x2] =	sbarrier.arrive $0xFFFF  }
0x65: {  	[sflag:s0] =	ssyncadd.tile.s32 @!p0 $0x1;
	_ =	shalt  }
.Lfunc_end1:
_tile_overlayer_lowered:
.L_overlay_start_2:
0x66: {  	(tag) =	ssettag $0x2  }
0x67: {  	s0 =	rddreg [dreg:$0x0];
	s2 =	stileid.u32  }
0x68: {  	s1 =	rddreg [dreg:$0x1];
	p0 =	sne.s32 s2, $0x0  }
0x69: {  	s3 =	rddreg [dreg:$0x2];
	[bflag:$0x3] =	sbarrier.arrive $0xFFFF;
	s2 =	simm.s32 @!p0 $0x1C01  }
0x6a: {  	[timem:s3], [sflag:s2] =	dma.local @!p0 [hbm:s0], s1  }
0x6b: {  	s0 =	simm.s32 @!p0 $0x1  }
0x6c: {  	_ =	swait.ge @!p0 [sflag:s0], s1  }
0x6d: {  	s1 =	ssub.s32 @!p0 $0x0, s1;
	[sflag:s0] =	ssyncset.done @!p0 $0x0  }
0x6e: {  	[sflag:s0] =	ssyncadd.s32 @!p0 s1  }
0x6f: {  	[bflag:$0x3] =	sbarrier.arrive $0xFFFF  }
0x70: {  	_ =	shalt  }

</sc_bundles>
